<compile_context>
chip_gen: v7x
topology: tpu7x:2x2x1
jax: 0.10.2.dev20260603
libtpu: 0.0.44.dev20260713+nightly
codegen_flags: <defaults>
</compile_context>

<pallas_src>
import functools

import jax
import jax.numpy as jnp
from jax import lax
from jax.experimental import pallas as pl
from jax.experimental.pallas import tpu as pltpu
from jax.experimental.pallas import tpu_sc as plsc

EMB = 64
PAD = 128
BATCH = 16384
N_SLOTS = 128
SLOT_W = 86400.0 / N_SLOTS

NC = 2
NS = 16
NW = NC * NS
BPW = BATCH // NW
CHUNK = 128
NCH = BPW // CHUNK
LANES = 16
RING = 8
LOOK = 6


def _i16(v):
  return jnp.full((LANES,), v, jnp.int32)


def _body(ss0, ss1, ss2, po0, po1, po2, slots_hbm, t0T, t1T, t2T, ttT,
          out0, out1, out2,
          ssv_v, slv_v, pos2_v, ring_v, out_v, tt_v, gsem):
  c = lax.axis_index("c")
  s = lax.axis_index("s")
  wid = s * NC + c
  base = wid * BPW

  iotas = [lax.iota(jnp.int32, LANES) + 16 * j for j in range(4)]

  def band(ss_hbm, pos_hbm, tT_hbm, out_hbm, with_tt):
    pltpu.sync_copy(ss_hbm.at[pl.ds(base, BPW)], ssv_v.at[pl.ds(0, BPW)])
    for q in range(NCH):
      pltpu.sync_copy(pos_hbm.at[pl.ds(base + q * CHUNK, CHUNK)],
                      pos2_v.at[q])
    if with_tt:
      pltpu.sync_copy(slots_hbm.at[pl.ds(base, BPW)],
                      slv_v.at[pl.ds(0, BPW)])

    def sid(r):
      return ssv_v[pl.ds(r, LANES)][0]

    def blk(r):
      return sid(r) // PAD

    def newblk(r):
      return jnp.where(r == 0, True, blk(r) != blk(jnp.maximum(r - 1, 0)))

    def fire(b, head):
      pltpu.async_copy(tT_hbm.at[:, pl.ds(b * PAD, PAD)],
                       ring_v.at[lax.rem(head, RING)], gsem)

    def drain():
      pltpu.make_async_copy(tT_hbm.at[:, pl.ds(0, PAD)], ring_v.at[0],
                            gsem).wait()

    def pro(r, head):
      @pl.when(newblk(r))
      def _():
        fire(blk(r), head)
      return head + newblk(r).astype(jnp.int32)

    head0 = lax.fori_loop(0, LOOK, pro, jnp.int32(0))

    def step(r, carry):
      head, cur = carry
      pf = jnp.logical_and(r + LOOK < BPW, newblk(r + LOOK))

      @pl.when(pf)
      def _():
        fire(blk(r + LOOK), head)

      head = head + pf.astype(jnp.int32)

      nb = newblk(r)

      @pl.when(nb)
      def _():
        drain()

      cur = cur + nb.astype(jnp.int32)
      slot = lax.rem(cur - 1, RING)

      col = lax.rem(sid(r), PAD)
      r2 = lax.rem(r, CHUNK)
      if with_tt:
        tcol = slv_v[pl.ds(r, LANES)][0]
      for j in range(4):
        val = plsc.load_gather(ring_v, [_i16(slot), iotas[j], _i16(col)])
        if with_tt:
          val = val + plsc.load_gather(tt_v, [iotas[j], _i16(tcol)])
        plsc.store_scatter(out_v, [_i16(r2), iotas[j]], val)

      @pl.when(r2 == CHUNK - 1)
      def _():
        q = r // CHUNK
        pltpu.sync_copy(out_v, out_hbm.at[pos2_v.at[q]])

      return head, cur

    lax.fori_loop(0, BPW, step, (head0, jnp.int32(0)))

  pltpu.sync_copy(ttT, tt_v)
  band(ss0, po0, t0T, out0, False)
  band(ss1, po1, t1T, out1, False)
  band(ss2, po2, t2T, out2, True)


@jax.jit
def kernel(cascades, src_idx, dst_idx, cas_pub_times, user_src_state,
           user_dst_state, cas_state, time_table):
  slot = jnp.clip((cas_pub_times / SLOT_W).astype(jnp.int32), 0, N_SLOTS - 1)
  cas32 = cascades.astype(jnp.int32)
  pos = lax.iota(jnp.int32, BATCH)
  ss, so = lax.sort((src_idx, pos), num_keys=1, is_stable=False)
  ds_, do = lax.sort((dst_idx, pos), num_keys=1, is_stable=False)
  cs, co, slot_s = lax.sort((cas32, pos, slot), num_keys=1, is_stable=False)

  mesh = plsc.VectorSubcoreMesh(core_axis_name="c", subcore_axis_name="s")
  run = pl.kernel(
      _body,
      out_type=[jax.ShapeDtypeStruct((BATCH, PAD), jnp.float32)] * 3,
      mesh=mesh,
      compiler_params=pltpu.CompilerParams(needs_layout_passes=False),
      scratch_types=[
          pltpu.VMEM((BPW + LANES,), jnp.int32),
          pltpu.VMEM((BPW + LANES,), jnp.int32),
          pltpu.VMEM((NCH, CHUNK), jnp.int32),
          pltpu.VMEM((RING, EMB, PAD), jnp.float32),
          pltpu.VMEM((CHUNK, PAD), jnp.float32),
          pltpu.VMEM((EMB, PAD), jnp.float32),
          pltpu.SemaphoreType.DMA,
      ],
  )
  sband, dband, cband = run(ss, ds_, cs, so, do, co, slot_s,
                            user_src_state.T, user_dst_state.T, cas_state.T,
                            time_table.T)
  return jnp.concatenate(
      [sband[:, :EMB], dband[:, :EMB], cband[:, :EMB]], axis=1)

# --- scband reference (transcript-rebuilt; emitter-appended) ---
"""Pipeline reference for scband-concat-embedding-18717467476616 (READ-ONLY COPY).

The authoritative reference and input builder live on the scoring server;
editing this copy changes nothing except your own understanding.
"""

import jax, jax.numpy as jnp
import numpy as np

EMB_DIM = 64
N_USERS = 1000000
N_CAS = 100000
BATCH = 16384
MAX_GLOBAL_TIME = 86400.0
GLOBAL_TIME_NUM = 128


def setup_inputs(seed: int = 0) -> dict:
    key = jax.random.key(seed)
    ks = jax.random.split(key, 8)
    cascades = jax.random.randint(ks[0], (BATCH,), 0, N_CAS, dtype=jnp.int64 if jax.config.jax_enable_x64 else jnp.int32)
    src_idx = jax.random.randint(ks[1], (BATCH,), 0, N_USERS, dtype=jnp.int32)
    dst_idx = jax.random.randint(ks[2], (BATCH,), 0, N_USERS, dtype=jnp.int32)
    cas_pub_times = jax.random.uniform(ks[3], (BATCH,), dtype=jnp.float32) * MAX_GLOBAL_TIME
    user_src_state = jax.random.normal(ks[4], (N_USERS, EMB_DIM), dtype=jnp.float32)
    user_dst_state = jax.random.normal(ks[5], (N_USERS, EMB_DIM), dtype=jnp.float32)
    cas_state = jax.random.normal(ks[6], (N_CAS, EMB_DIM), dtype=jnp.float32)
    time_table = jax.random.normal(ks[7], (GLOBAL_TIME_NUM, EMB_DIM), dtype=jnp.float32)
    return {
        "cascades": cascades,
        "src_idx": src_idx,
        "dst_idx": dst_idx,
        "cas_pub_times": cas_pub_times,
        "user_src_state": user_src_state,
        "user_dst_state": user_dst_state,
        "cas_state": cas_state,
        "time_table": time_table,
    }


def _time_slot_embedding(times, time_table):
    # TimeSlotEncoder: bucketize global time into GLOBAL_TIME_NUM slots, lookup embedding
    slot_width = MAX_GLOBAL_TIME / GLOBAL_TIME_NUM
    slot = jnp.clip((times / slot_width).astype(jnp.int32), 0, GLOBAL_TIME_NUM - 1)
    return jnp.take(time_table, slot, axis=0)


def reference(cascades, src_idx, dst_idx, cas_pub_times, user_src_state, user_dst_state, cas_state, time_table):
    # last-interaction src/dst user dynamic states (gather per cascade)
    src_embs = jnp.take(user_src_state, src_idx, axis=0)
    dst_embs = jnp.take(user_dst_state, dst_idx, axis=0)
    # cascade dynamic state + time-slot encoding of publication time
    cas_embs = jnp.take(cas_state, cascades, axis=0)
    cas_embs = cas_embs + _time_slot_embedding(cas_pub_times, time_table)
    return jnp.concatenate([src_embs, dst_embs, cas_embs], axis=1)

if __name__ == "__main__":
    import jax
    _d = setup_inputs()
    print(jax.jit(kernel)(*tuple(_d.values())))

</pallas_src>

<mosaic_0001>
#map = affine_map<(d0, d1) -> (0)>
#map1 = affine_map<(d0, d1) -> (0, 0)>
module attributes {stable_mosaic.version = 14 : i64} {
  func.func @_body(%arg0: i32, %arg1: i32, %arg2: memref<16384xi32, #tpu.memory_space<hbm>>, %arg3: memref<16384xi32, #tpu.memory_space<hbm>>, %arg4: memref<16384xi32, #tpu.memory_space<hbm>>, %arg5: memref<16384xi32, #tpu.memory_space<hbm>>, %arg6: memref<16384xi32, #tpu.memory_space<hbm>>, %arg7: memref<16384xi32, #tpu.memory_space<hbm>>, %arg8: memref<16384xi32, #tpu.memory_space<hbm>>, %arg9: memref<64x1000000xf32, #tpu.memory_space<hbm>>, %arg10: memref<64x1000000xf32, #tpu.memory_space<hbm>>, %arg11: memref<64x100000xf32, #tpu.memory_space<hbm>>, %arg12: memref<64x128xf32, #tpu.memory_space<hbm>>, %arg13: memref<16384x128xf32, #tpu.memory_space<hbm>>, %arg14: memref<16384x128xf32, #tpu.memory_space<hbm>>, %arg15: memref<16384x128xf32, #tpu.memory_space<hbm>>, %arg16: memref<528xi32, #tpu.memory_space<vmem>>, %arg17: memref<528xi32, #tpu.memory_space<vmem>>, %arg18: memref<4x128xi32, #tpu.memory_space<vmem>>, %arg19: memref<8x64x128xf32, #tpu.memory_space<vmem>>, %arg20: memref<128x128xf32, #tpu.memory_space<vmem>>, %arg21: memref<64x128xf32, #tpu.memory_space<vmem>>, %arg22: memref<!tpu.dma_semaphore, #tpu.memory_space<semaphore_mem>>) attributes {dimension_semantics = [#tpu.dimension_semantics<core_parallel>, #tpu.dimension_semantics<subcore_parallel>], iteration_bounds = array<i64: 2, 16>, scalar_prefetch = 0 : i64, scratch_operands = 7 : i64, tpu.core_type = #tpu.core_type<sc_vector_subcore>, window_params = [{transform_indices = #map}, {transform_indices = #map}, {transform_indices = #map}, {transform_indices = #map}, {transform_indices = #map}, {transform_indices = #map}, {transform_indices = #map}, {transform_indices = #map1}, {transform_indices = #map1}, {transform_indices = #map1}, {transform_indices = #map1}, {transform_indices = #map1}, {transform_indices = #map1}, {transform_indices = #map1}]} {
    %mul3A = arith.constant 2 : i32
    %mul3A_0 = arith.muli %arg1, %mul3A : i32
    %add3A = arith.addi %mul3A_0, %arg0 : i32
    %mul3A_1 = arith.constant 512 : i32
    %mul3A_2 = arith.muli %add3A, %mul3A_1 : i32
    %iota3A = tpu.iota {dimensions = array<i32: 0>} : vector<16xi32>
    %add3A_3 = arith.constant 0 : i32
    %add3A_4 = vector.broadcast %add3A_3 : i32 to vector<16xi32>
    %add3A_5 = arith.addi %iota3A, %add3A_4 : vector<16xi32>
    %iota3A_6 = tpu.iota {dimensions = array<i32: 0>} : vector<16xi32>
    %add3A_7 = arith.constant 16 : i32
    %add3A_8 = vector.broadcast %add3A_7 : i32 to vector<16xi32>
    %add3A_9 = arith.addi %iota3A_6, %add3A_8 : vector<16xi32>
    %iota3A_10 = tpu.iota {dimensions = array<i32: 0>} : vector<16xi32>
    %add3A_11 = arith.constant 32 : i32
    %add3A_12 = vector.broadcast %add3A_11 : i32 to vector<16xi32>
    %add3A_13 = arith.addi %iota3A_10, %add3A_12 : vector<16xi32>
    %iota3A_14 = tpu.iota {dimensions = array<i32: 0>} : vector<16xi32>
    %add3A_15 = arith.constant 48 : i32
    %add3A_16 = vector.broadcast %add3A_15 : i32 to vector<16xi32>
    %add3A_17 = arith.addi %iota3A_14, %add3A_16 : vector<16xi32>
    "tpu.region"() ({
      %run_scoped3A_94 = tpu.sem_alloc : memref<!tpu.dma_semaphore, #tpu.memory_space<semaphore_mem>>
      tpu.enqueue_dma source(%arg12 : memref<64x128xf32, #tpu.memory_space<hbm>>) target(%arg21 : memref<64x128xf32, #tpu.memory_space<vmem>>) target_semaphore(%run_scoped3A_94 : memref<!tpu.dma_semaphore, #tpu.memory_space<semaphore_mem>>)
      tpu.wait_dma2 semaphore(%run_scoped3A_94 : memref<!tpu.dma_semaphore, #tpu.memory_space<semaphore_mem>>) src(%arg12 : memref<64x128xf32, #tpu.memory_space<hbm>>) dst(%arg21 : memref<64x128xf32, #tpu.memory_space<vmem>>)
      tpu.yield
    }) : () -> ()
    "tpu.region"() ({
      %run_scoped3A_94 = tpu.sem_alloc : memref<!tpu.dma_semaphore, #tpu.memory_space<semaphore_mem>>
      %dma_start3A = arith.constant 0 : i32
      %dma_start3A_95 = tpu.memref_slice %arg16[%dma_start3A] : memref<528xi32, #tpu.memory_space<vmem>> -> memref<512xi32, #tpu.memory_space<vmem>>
      %dma_start3A_96 = tpu.memref_slice %arg2[%mul3A_2] : memref<16384xi32, #tpu.memory_space<hbm>> -> memref<512xi32, #tpu.memory_space<hbm>>
      %dma_start3A_97 = arith.constant 0 : i32
      %dma_start3A_98 = tpu.memref_slice %arg16[%dma_start3A_97] : memref<528xi32, #tpu.memory_space<vmem>> -> memref<512xi32, #tpu.memory_space<vmem>>
      %dma_start3A_99 = tpu.memref_slice %arg2[%mul3A_2] : memref<16384xi32, #tpu.memory_space<hbm>> -> memref<512xi32, #tpu.memory_space<hbm>>
      tpu.enqueue_dma source(%dma_start3A_99 : memref<512xi32, #tpu.memory_space<hbm>>) target(%dma_start3A_98 : memref<512xi32, #tpu.memory_space<vmem>>) target_semaphore(%run_scoped3A_94 : memref<!tpu.dma_semaphore, #tpu.memory_space<semaphore_mem>>)
      %dma_wait3A = arith.constant 0 : i32
      %dma_wait3A_100 = tpu.memref_slice %arg16[%dma_wait3A] : memref<528xi32, #tpu.memory_space<vmem>> -> memref<512xi32, #tpu.memory_space<vmem>>
      %dma_wait3A_101 = tpu.memref_slice %arg2[%mul3A_2] : memref<16384xi32, #tpu.memory_space<hbm>> -> memref<512xi32, #tpu.memory_space<hbm>>
      %dma_wait3A_102 = arith.constant 0 : i32
      %dma_wait3A_103 = tpu.memref_slice %arg16[%dma_wait3A_102] : memref<528xi32, #tpu.memory_space<vmem>> -> memref<512xi32, #tpu.memory_space<vmem>>
      %dma_wait3A_104 = tpu.memref_slice %arg2[%mul3A_2] : memref<16384xi32, #tpu.memory_space<hbm>> -> memref<512xi32, #tpu.memory_space<hbm>>
      tpu.wait_dma2 semaphore(%run_scoped3A_94 : memref<!tpu.dma_semaphore, #tpu.memory_space<semaphore_mem>>) src(%dma_wait3A_104 : memref<512xi32, #tpu.memory_space<hbm>>) dst(%dma_wait3A_103 : memref<512xi32, #tpu.memory_space<vmem>>)
      tpu.yield
    }) : () -> ()
    %add3A_18 = arith.constant 0 : i32
    %add3A_19 = arith.addi %mul3A_2, %add3A_18 : i32
    %run_scoped3A = arith.constant 0 : i32
    "tpu.region"() ({
      %run_scoped3A_94 = tpu.sem_alloc : memref<!tpu.dma_semaphore, #tpu.memory_space<semaphore_mem>>
      %dma_start3A = arith.constant 0 : i32
      %dma_start3A_95 = tpu.memref_slice %arg18[%run_scoped3A, %dma_start3A] : memref<4x128xi32, #tpu.memory_space<vmem>> -> memref<1x128xi32, #tpu.memory_space<vmem>>
      %dma_start3A_96 = tpu.memref_squeeze %dma_start3A_95 : memref<1x128xi32, #tpu.memory_space<vmem>> -> memref<128xi32, #tpu.memory_space<vmem>>
      %dma_start3A_97 = tpu.memref_slice %arg5[%add3A_19] : memref<16384xi32, #tpu.memory_space<hbm>> -> memref<128xi32, #tpu.memory_space<hbm>>
      %dma_start3A_98 = arith.constant 0 : i32
      %dma_start3A_99 = tpu.memref_slice %arg18[%run_scoped3A, %dma_start3A_98] : memref<4x128xi32, #tpu.memory_space<vmem>> -> memref<1x128xi32, #tpu.memory_space<vmem>>
      %dma_start3A_100 = tpu.memref_squeeze %dma_start3A_99 : memref<1x128xi32, #tpu.memory_space<vmem>> -> memref<128xi32, #tpu.memory_space<vmem>>
      %dma_start3A_101 = tpu.memref_slice %arg5[%add3A_19] : memref<16384xi32, #tpu.memory_space<hbm>> -> memref<128xi32, #tpu.memory_space<hbm>>
      tpu.enqueue_dma source(%dma_start3A_101 : memref<128xi32, #tpu.memory_space<hbm>>) target(%dma_start3A_100 : memref<128xi32, #tpu.memory_space<vmem>>) target_semaphore(%run_scoped3A_94 : memref<!tpu.dma_semaphore, #tpu.memory_space<semaphore_mem>>)
      %dma_wait3A = arith.constant 0 : i32
      %dma_wait3A_102 = tpu.memref_slice %arg18[%run_scoped3A, %dma_wait3A] : memref<4x128xi32, #tpu.memory_space<vmem>> -> memref<1x128xi32, #tpu.memory_space<vmem>>
      %dma_wait3A_103 = tpu.memref_squeeze %dma_wait3A_102 : memref<1x128xi32, #tpu.memory_space<vmem>> -> memref<128xi32, #tpu.memory_space<vmem>>
      %dma_wait3A_104 = tpu.memref_slice %arg5[%add3A_19] : memref<16384xi32, #tpu.memory_space<hbm>> -> memref<128xi32, #tpu.memory_space<hbm>>
      %dma_wait3A_105 = arith.constant 0 : i32
      %dma_wait3A_106 = tpu.memref_slice %arg18[%run_scoped3A, %dma_wait3A_105] : memref<4x128xi32, #tpu.memory_space<vmem>> -> memref<1x128xi32, #tpu.memory_space<vmem>>
      %dma_wait3A_107 = tpu.memref_squeeze %dma_wait3A_106 : memref<1x128xi32, #tpu.memory_space<vmem>> -> memref<128xi32, #tpu.memory_space<vmem>>
      %dma_wait3A_108 = tpu.memref_slice %arg5[%add3A_19] : memref<16384xi32, #tpu.memory_space<hbm>> -> memref<128xi32, #tpu.memory_space<hbm>>
      tpu.wait_dma2 semaphore(%run_scoped3A_94 : memref<!tpu.dma_semaphore, #tpu.memory_space<semaphore_mem>>) src(%dma_wait3A_108 : memref<128xi32, #tpu.memory_space<hbm>>) dst(%dma_wait3A_107 : memref<128xi32, #tpu.memory_space<vmem>>)
      tpu.yield
    }) : () -> ()
    %add3A_20 = arith.constant 128 : i32
    %add3A_21 = arith.addi %mul3A_2, %add3A_20 : i32
    %run_scoped3A_22 = arith.constant 1 : i32
    "tpu.region"() ({
      %run_scoped3A_94 = tpu.sem_alloc : memref<!tpu.dma_semaphore, #tpu.memory_space<semaphore_mem>>
      %dma_start3A = arith.constant 0 : i32
      %dma_start3A_95 = tpu.memref_slice %arg18[%run_scoped3A_22, %dma_start3A] : memref<4x128xi32, #tpu.memory_space<vmem>> -> memref<1x128xi32, #tpu.memory_space<vmem>>
      %dma_start3A_96 = tpu.memref_squeeze %dma_start3A_95 : memref<1x128xi32, #tpu.memory_space<vmem>> -> memref<128xi32, #tpu.memory_space<vmem>>
      %dma_start3A_97 = tpu.memref_slice %arg5[%add3A_21] : memref<16384xi32, #tpu.memory_space<hbm>> -> memref<128xi32, #tpu.memory_space<hbm>>
      %dma_start3A_98 = arith.constant 0 : i32
      %dma_start3A_99 = tpu.memref_slice %arg18[%run_scoped3A_22, %dma_start3A_98] : memref<4x128xi32, #tpu.memory_space<vmem>> -> memref<1x128xi32, #tpu.memory_space<vmem>>
      %dma_start3A_100 = tpu.memref_squeeze %dma_start3A_99 : memref<1x128xi32, #tpu.memory_space<vmem>> -> memref<128xi32, #tpu.memory_space<vmem>>
      %dma_start3A_101 = tpu.memref_slice %arg5[%add3A_21] : memref<16384xi32, #tpu.memory_space<hbm>> -> memref<128xi32, #tpu.memory_space<hbm>>
      tpu.enqueue_dma source(%dma_start3A_101 : memref<128xi32, #tpu.memory_space<hbm>>) target(%dma_start3A_100 : memref<128xi32, #tpu.memory_space<vmem>>) target_semaphore(%run_scoped3A_94 : memref<!tpu.dma_semaphore, #tpu.memory_space<semaphore_mem>>)
      %dma_wait3A = arith.constant 0 : i32
      %dma_wait3A_102 = tpu.memref_slice %arg18[%run_scoped3A_22, %dma_wait3A] : memref<4x128xi32, #tpu.memory_space<vmem>> -> memref<1x128xi32, #tpu.memory_space<vmem>>
      %dma_wait3A_103 = tpu.memref_squeeze %dma_wait3A_102 : memref<1x128xi32, #tpu.memory_space<vmem>> -> memref<128xi32, #tpu.memory_space<vmem>>
      %dma_wait3A_104 = tpu.memref_slice %arg5[%add3A_21] : memref<16384xi32, #tpu.memory_space<hbm>> -> memref<128xi32, #tpu.memory_space<hbm>>
      %dma_wait3A_105 = arith.constant 0 : i32
      %dma_wait3A_106 = tpu.memref_slice %arg18[%run_scoped3A_22, %dma_wait3A_105] : memref<4x128xi32, #tpu.memory_space<vmem>> -> memref<1x128xi32, #tpu.memory_space<vmem>>
      %dma_wait3A_107 = tpu.memref_squeeze %dma_wait3A_106 : memref<1x128xi32, #tpu.memory_space<vmem>> -> memref<128xi32, #tpu.memory_space<vmem>>
      %dma_wait3A_108 = tpu.memref_slice %arg5[%add3A_21] : memref<16384xi32, #tpu.memory_space<hbm>> -> memref<128xi32, #tpu.memory_space<hbm>>
      tpu.wait_dma2 semaphore(%run_scoped3A_94 : memref<!tpu.dma_semaphore, #tpu.memory_space<semaphore_mem>>) src(%dma_wait3A_108 : memref<128xi32, #tpu.memory_space<hbm>>) dst(%dma_wait3A_107 : memref<128xi32, #tpu.memory_space<vmem>>)
      tpu.yield
    }) : () -> ()
    %add3A_23 = arith.constant 256 : i32
    %add3A_24 = arith.addi %mul3A_2, %add3A_23 : i32
    %run_scoped3A_25 = arith.constant 2 : i32
    "tpu.region"() ({
      %run_scoped3A_94 = tpu.sem_alloc : memref<!tpu.dma_semaphore, #tpu.memory_space<semaphore_mem>>
      %dma_start3A = arith.constant 0 : i32
      %dma_start3A_95 = tpu.memref_slice %arg18[%run_scoped3A_25, %dma_start3A] : memref<4x128xi32, #tpu.memory_space<vmem>> -> memref<1x128xi32, #tpu.memory_space<vmem>>
      %dma_start3A_96 = tpu.memref_squeeze %dma_start3A_95 : memref<1x128xi32, #tpu.memory_space<vmem>> -> memref<128xi32, #tpu.memory_space<vmem>>
      %dma_start3A_97 = tpu.memref_slice %arg5[%add3A_24] : memref<16384xi32, #tpu.memory_space<hbm>> -> memref<128xi32, #tpu.memory_space<hbm>>
      %dma_start3A_98 = arith.constant 0 : i32
      %dma_start3A_99 = tpu.memref_slice %arg18[%run_scoped3A_25, %dma_start3A_98] : memref<4x128xi32, #tpu.memory_space<vmem>> -> memref<1x128xi32, #tpu.memory_space<vmem>>
      %dma_start3A_100 = tpu.memref_squeeze %dma_start3A_99 : memref<1x128xi32, #tpu.memory_space<vmem>> -> memref<128xi32, #tpu.memory_space<vmem>>
      %dma_start3A_101 = tpu.memref_slice %arg5[%add3A_24] : memref<16384xi32, #tpu.memory_space<hbm>> -> memref<128xi32, #tpu.memory_space<hbm>>
      tpu.enqueue_dma source(%dma_start3A_101 : memref<128xi32, #tpu.memory_space<hbm>>) target(%dma_start3A_100 : memref<128xi32, #tpu.memory_space<vmem>>) target_semaphore(%run_scoped3A_94 : memref<!tpu.dma_semaphore, #tpu.memory_space<semaphore_mem>>)
      %dma_wait3A = arith.constant 0 : i32
      %dma_wait3A_102 = tpu.memref_slice %arg18[%run_scoped3A_25, %dma_wait3A] : memref<4x128xi32, #tpu.memory_space<vmem>> -> memref<1x128xi32, #tpu.memory_space<vmem>>
      %dma_wait3A_103 = tpu.memref_squeeze %dma_wait3A_102 : memref<1x128xi32, #tpu.memory_space<vmem>> -> memref<128xi32, #tpu.memory_space<vmem>>
      %dma_wait3A_104 = tpu.memref_slice %arg5[%add3A_24] : memref<16384xi32, #tpu.memory_space<hbm>> -> memref<128xi32, #tpu.memory_space<hbm>>
      %dma_wait3A_105 = arith.constant 0 : i32
      %dma_wait3A_106 = tpu.memref_slice %arg18[%run_scoped3A_25, %dma_wait3A_105] : memref<4x128xi32, #tpu.memory_space<vmem>> -> memref<1x128xi32, #tpu.memory_space<vmem>>
      %dma_wait3A_107 = tpu.memref_squeeze %dma_wait3A_106 : memref<1x128xi32, #tpu.memory_space<vmem>> -> memref<128xi32, #tpu.memory_space<vmem>>
      %dma_wait3A_108 = tpu.memref_slice %arg5[%add3A_24] : memref<16384xi32, #tpu.memory_space<hbm>> -> memref<128xi32, #tpu.memory_space<hbm>>
      tpu.wait_dma2 semaphore(%run_scoped3A_94 : memref<!tpu.dma_semaphore, #tpu.memory_space<semaphore_mem>>) src(%dma_wait3A_108 : memref<128xi32, #tpu.memory_space<hbm>>) dst(%dma_wait3A_107 : memref<128xi32, #tpu.memory_space<vmem>>)
      tpu.yield
    }) : () -> ()
    %add3A_26 = arith.constant 384 : i32
    %add3A_27 = arith.addi %mul3A_2, %add3A_26 : i32
    %run_scoped3A_28 = arith.constant 3 : i32
    "tpu.region"() ({
      %run_scoped3A_94 = tpu.sem_alloc : memref<!tpu.dma_semaphore, #tpu.memory_space<semaphore_mem>>
      %dma_start3A = arith.constant 0 : i32
      %dma_start3A_95 = tpu.memref_slice %arg18[%run_scoped3A_28, %dma_start3A] : memref<4x128xi32, #tpu.memory_space<vmem>> -> memref<1x128xi32, #tpu.memory_space<vmem>>
      %dma_start3A_96 = tpu.memref_squeeze %dma_start3A_95 : memref<1x128xi32, #tpu.memory_space<vmem>> -> memref<128xi32, #tpu.memory_space<vmem>>
      %dma_start3A_97 = tpu.memref_slice %arg5[%add3A_27] : memref<16384xi32, #tpu.memory_space<hbm>> -> memref<128xi32, #tpu.memory_space<hbm>>
      %dma_start3A_98 = arith.constant 0 : i32
      %dma_start3A_99 = tpu.memref_slice %arg18[%run_scoped3A_28, %dma_start3A_98] : memref<4x128xi32, #tpu.memory_space<vmem>> -> memref<1x128xi32, #tpu.memory_space<vmem>>
      %dma_start3A_100 = tpu.memref_squeeze %dma_start3A_99 : memref<1x128xi32, #tpu.memory_space<vmem>> -> memref<128xi32, #tpu.memory_space<vmem>>
      %dma_start3A_101 = tpu.memref_slice %arg5[%add3A_27] : memref<16384xi32, #tpu.memory_space<hbm>> -> memref<128xi32, #tpu.memory_space<hbm>>
      tpu.enqueue_dma source(%dma_start3A_101 : memref<128xi32, #tpu.memory_space<hbm>>) target(%dma_start3A_100 : memref<128xi32, #tpu.memory_space<vmem>>) target_semaphore(%run_scoped3A_94 : memref<!tpu.dma_semaphore, #tpu.memory_space<semaphore_mem>>)
      %dma_wait3A = arith.constant 0 : i32
      %dma_wait3A_102 = tpu.memref_slice %arg18[%run_scoped3A_28, %dma_wait3A] : memref<4x128xi32, #tpu.memory_space<vmem>> -> memref<1x128xi32, #tpu.memory_space<vmem>>
      %dma_wait3A_103 = tpu.memref_squeeze %dma_wait3A_102 : memref<1x128xi32, #tpu.memory_space<vmem>> -> memref<128xi32, #tpu.memory_space<vmem>>
      %dma_wait3A_104 = tpu.memref_slice %arg5[%add3A_27] : memref<16384xi32, #tpu.memory_space<hbm>> -> memref<128xi32, #tpu.memory_space<hbm>>
      %dma_wait3A_105 = arith.constant 0 : i32
      %dma_wait3A_106 = tpu.memref_slice %arg18[%run_scoped3A_28, %dma_wait3A_105] : memref<4x128xi32, #tpu.memory_space<vmem>> -> memref<1x128xi32, #tpu.memory_space<vmem>>
      %dma_wait3A_107 = tpu.memref_squeeze %dma_wait3A_106 : memref<1x128xi32, #tpu.memory_space<vmem>> -> memref<128xi32, #tpu.memory_space<vmem>>
      %dma_wait3A_108 = tpu.memref_slice %arg5[%add3A_27] : memref<16384xi32, #tpu.memory_space<hbm>> -> memref<128xi32, #tpu.memory_space<hbm>>
      tpu.wait_dma2 semaphore(%run_scoped3A_94 : memref<!tpu.dma_semaphore, #tpu.memory_space<semaphore_mem>>) src(%dma_wait3A_108 : memref<128xi32, #tpu.memory_space<hbm>>) dst(%dma_wait3A_107 : memref<128xi32, #tpu.memory_space<vmem>>)
      tpu.yield
    }) : () -> ()
    %scan3A = arith.constant 0 : i32
    %scan3A_29 = arith.constant 0 : i32
    %scan3A_30 = arith.constant 6 : i32
    %scan3A_31 = arith.addi %scan3A_29, %scan3A_30 : i32
    %scan3A_32 = arith.constant 1 : i32
    %scan3A_33 = scf.for %scan3A_94 = %scan3A_29 to %scan3A_31 step %scan3A_32 iter_args(%scan3A_95 = %scan3A) -> (i32)  : i32 {
      %eq3A = arith.constant 0 : i32
      %eq3A_96 = arith.cmpi eq, %scan3A_94, %eq3A : i32
      %get3A = arith.index_cast %scan3A_94 : i32 to index
      %get3A_97 = tpu.vector_load %arg16[%get3A] {strides = array<i32>} : memref<528xi32, #tpu.memory_space<vmem>>, vector<16xi32>,
      %slice3A = vector.extract_strided_slice %get3A_97 {offsets = [0], sizes = [1], strides = [1]} : vector<16xi32> to vector<1xi32>
      %squeeze3A = vector.extract %slice3A[0] : i32 from vector<1xi32>
      %jit3A = arith.constant 128 : i32
      %div3A = arith.divsi %squeeze3A, %jit3A : i32
      %sign3A = arith.constant 0 : i32
      %sign3A_98 = arith.cmpi sgt, %squeeze3A, %sign3A : i32
      %sign3A_99 = arith.extui %sign3A_98 : i1 to i32
      %sign3A_100 = arith.constant 0 : i32
      %sign3A_101 = arith.cmpi slt, %squeeze3A, %sign3A_100 : i32
      %sign3A_102 = arith.extui %sign3A_101 : i1 to i32
      %sign3A_103 = arith.subi %sign3A_99, %sign3A_102 : i32
      %sign3A_104 = arith.constant 0 : i32
      %sign3A_105 = arith.cmpi sgt, %jit3A, %sign3A_104 : i32
      %sign3A_106 = arith.extui %sign3A_105 : i1 to i32
      %sign3A_107 = arith.constant 0 : i32
      %sign3A_108 = arith.cmpi slt, %jit3A, %sign3A_107 : i32
      %sign3A_109 = arith.extui %sign3A_108 : i1 to i32
      %sign3A_110 = arith.subi %sign3A_106, %sign3A_109 : i32
      %ne3A = arith.cmpi ne, %sign3A_103, %sign3A_110 : i32
      %rem3A = arith.remsi %squeeze3A, %jit3A : i32
      %ne3A_111 = arith.constant 0 : i32
      %ne3A_112 = arith.cmpi ne, %rem3A, %ne3A_111 : i32
      %and3A = arith.andi %ne3A, %ne3A_112 : i1
      %sub3A = arith.constant 1 : i32
      %sub3A_113 = arith.subi %div3A, %sub3A : i32
      %select_n3A = arith.select %and3A, %sub3A_113, %div3A : i32
      %sub3A_114 = arith.constant 1 : i32
      %sub3A_115 = arith.subi %scan3A_94, %sub3A_114 : i32
      %max3A = arith.constant 0 : i32
      %max3A_116 = arith.maxsi %sub3A_115, %max3A : i32
      %get3A_117 = arith.index_cast %max3A_116 : i32 to index
      %get3A_118 = tpu.vector_load %arg16[%get3A_117] {strides = array<i32>} : memref<528xi32, #tpu.memory_space<vmem>>, vector<16xi32>,
      %slice3A_119 = vector.extract_strided_slice %get3A_118 {offsets = [0], sizes = [1], strides = [1]} : vector<16xi32> to vector<1xi32>
      %squeeze3A_120 = vector.extract %slice3A_119[0] : i32 from vector<1xi32>
      %jit3A_121 = arith.constant 128 : i32
      %div3A_122 = arith.divsi %squeeze3A_120, %jit3A_121 : i32
      %sign3A_123 = arith.constant 0 : i32
      %sign3A_124 = arith.cmpi sgt, %squeeze3A_120, %sign3A_123 : i32
      %sign3A_125 = arith.extui %sign3A_124 : i1 to i32
      %sign3A_126 = arith.constant 0 : i32
      %sign3A_127 = arith.cmpi slt, %squeeze3A_120, %sign3A_126 : i32
      %sign3A_128 = arith.extui %sign3A_127 : i1 to i32
      %sign3A_129 = arith.subi %sign3A_125, %sign3A_128 : i32
      %sign3A_130 = arith.constant 0 : i32
      %sign3A_131 = arith.cmpi sgt, %jit3A_121, %sign3A_130 : i32
      %sign3A_132 = arith.extui %sign3A_131 : i1 to i32
      %sign3A_133 = arith.constant 0 : i32
      %sign3A_134 = arith.cmpi slt, %jit3A_121, %sign3A_133 : i32
      %sign3A_135 = arith.extui %sign3A_134 : i1 to i32
      %sign3A_136 = arith.subi %sign3A_132, %sign3A_135 : i32
      %ne3A_137 = arith.cmpi ne, %sign3A_129, %sign3A_136 : i32
      %rem3A_138 = arith.remsi %squeeze3A_120, %jit3A_121 : i32
      %ne3A_139 = arith.constant 0 : i32
      %ne3A_140 = arith.cmpi ne, %rem3A_138, %ne3A_139 : i32
      %and3A_141 = arith.andi %ne3A_137, %ne3A_140 : i1
      %sub3A_142 = arith.constant 1 : i32
      %sub3A_143 = arith.subi %div3A_122, %sub3A_142 : i32
      %select_n3A_144 = arith.select %and3A_141, %sub3A_143, %div3A_122 : i32
      %ne3A_145 = arith.cmpi ne, %select_n3A, %select_n3A_144 : i32
      %jit3A_146 = arith.constant true
      %select_n3A_147 = arith.select %eq3A_96, %jit3A_146, %ne3A_145 : i1
      %convert_element_type3A = arith.extui %select_n3A_147 : i1 to i32
      %cond3A = arith.constant 0 : i32
      %cond3A_148 = arith.cmpi ne, %convert_element_type3A, %cond3A : i32
      scf.if %cond3A_148 {
        %get3A_216 = arith.index_cast %scan3A_94 : i32 to index
        %get3A_217 = tpu.vector_load %arg16[%get3A_216] {strides = array<i32>} : memref<528xi32, #tpu.memory_space<vmem>>, vector<16xi32>,
        %slice3A_218 = vector.extract_strided_slice %get3A_217 {offsets = [0], sizes = [1], strides = [1]} : vector<16xi32> to vector<1xi32>
        %squeeze3A_219 = vector.extract %slice3A_218[0] : i32 from vector<1xi32>
        %jit3A_220 = arith.constant 128 : i32
        %div3A_221 = arith.divsi %squeeze3A_219, %jit3A_220 : i32
        %sign3A_222 = arith.constant 0 : i32
        %sign3A_223 = arith.cmpi sgt, %squeeze3A_219, %sign3A_222 : i32
        %sign3A_224 = arith.extui %sign3A_223 : i1 to i32
        %sign3A_225 = arith.constant 0 : i32
        %sign3A_226 = arith.cmpi slt, %squeeze3A_219, %sign3A_225 : i32
        %sign3A_227 = arith.extui %sign3A_226 : i1 to i32
        %sign3A_228 = arith.subi %sign3A_224, %sign3A_227 : i32
        %sign3A_229 = arith.constant 0 : i32
        %sign3A_230 = arith.cmpi sgt, %jit3A_220, %sign3A_229 : i32
        %sign3A_231 = arith.extui %sign3A_230 : i1 to i32
        %sign3A_232 = arith.constant 0 : i32
        %sign3A_233 = arith.cmpi slt, %jit3A_220, %sign3A_232 : i32
        %sign3A_234 = arith.extui %sign3A_233 : i1 to i32
        %sign3A_235 = arith.subi %sign3A_231, %sign3A_234 : i32
        %ne3A_236 = arith.cmpi ne, %sign3A_228, %sign3A_235 : i32
        %rem3A_237 = arith.remsi %squeeze3A_219, %jit3A_220 : i32
        %ne3A_238 = arith.constant 0 : i32
        %ne3A_239 = arith.cmpi ne, %rem3A_237, %ne3A_238 : i32
        %and3A_240 = arith.andi %ne3A_236, %ne3A_239 : i1
        %sub3A_241 = arith.constant 1 : i32
        %sub3A_242 = arith.subi %div3A_221, %sub3A_241 : i32
        %select_n3A_243 = arith.select %and3A_240, %sub3A_242, %div3A_221 : i32
        %mul3A_244 = arith.constant 128 : i32
        %mul3A_245 = arith.muli %select_n3A_243, %mul3A_244 : i32
        %rem3A_246 = arith.constant 8 : i32
        %rem3A_247 = arith.remsi %scan3A_95, %rem3A_246 : i32
        %dma_start3A = arith.constant 0 : i32
        %dma_start3A_248 = arith.constant 0 : i32
        %dma_start3A_249 = tpu.memref_slice %arg19[%rem3A_247, %dma_start3A, %dma_start3A_248] : memref<8x64x128xf32, #tpu.memory_space<vmem>> -> memref<1x64x128xf32, #tpu.memory_space<vmem>>
        %dma_start3A_250 = tpu.memref_squeeze %dma_start3A_249 : memref<1x64x128xf32, #tpu.memory_space<vmem>> -> memref<64x128xf32, #tpu.memory_space<vmem>>
        %dma_start3A_251 = arith.constant 0 : i32
        %dma_start3A_252 = tpu.memref_slice %arg9[%dma_start3A_251, %mul3A_245] : memref<64x1000000xf32, #tpu.memory_space<hbm>> -> memref<64x128xf32, #tpu.memory_space<hbm>>
        %dma_start3A_253 = arith.constant 0 : i32
        %dma_start3A_254 = arith.constant 0 : i32
        %dma_start3A_255 = tpu.memref_slice %arg19[%rem3A_247, %dma_start3A_253, %dma_start3A_254] : memref<8x64x128xf32, #tpu.memory_space<vmem>> -> memref<1x64x128xf32, #tpu.memory_space<vmem>>
        %dma_start3A_256 = tpu.memref_squeeze %dma_start3A_255 : memref<1x64x128xf32, #tpu.memory_space<vmem>> -> memref<64x128xf32, #tpu.memory_space<vmem>>
        %dma_start3A_257 = arith.constant 0 : i32
        %dma_start3A_258 = tpu.memref_slice %arg9[%dma_start3A_257, %mul3A_245] : memref<64x1000000xf32, #tpu.memory_space<hbm>> -> memref<64x128xf32, #tpu.memory_space<hbm>>
        tpu.enqueue_dma source(%dma_start3A_258 : memref<64x128xf32, #tpu.memory_space<hbm>>) target(%dma_start3A_256 : memref<64x128xf32, #tpu.memory_space<vmem>>) target_semaphore(%arg22 : memref<!tpu.dma_semaphore, #tpu.memory_space<semaphore_mem>>)
      } else {
      }
      %eq3A_149 = arith.constant 0 : i32
      %eq3A_150 = arith.cmpi eq, %scan3A_94, %eq3A_149 : i32
      %get3A_151 = arith.index_cast %scan3A_94 : i32 to index
      %get3A_152 = tpu.vector_load %arg16[%get3A_151] {strides = array<i32>} : memref<528xi32, #tpu.memory_space<vmem>>, vector<16xi32>,
      %slice3A_153 = vector.extract_strided_slice %get3A_152 {offsets = [0], sizes = [1], strides = [1]} : vector<16xi32> to vector<1xi32>
      %squeeze3A_154 = vector.extract %slice3A_153[0] : i32 from vector<1xi32>
      %jit3A_155 = arith.constant 128 : i32
      %div3A_156 = arith.divsi %squeeze3A_154, %jit3A_155 : i32
      %sign3A_157 = arith.constant 0 : i32
      %sign3A_158 = arith.cmpi sgt, %squeeze3A_154, %sign3A_157 : i32
      %sign3A_159 = arith.extui %sign3A_158 : i1 to i32
      %sign3A_160 = arith.constant 0 : i32
      %sign3A_161 = arith.cmpi slt, %squeeze3A_154, %sign3A_160 : i32
      %sign3A_162 = arith.extui %sign3A_161 : i1 to i32
      %sign3A_163 = arith.subi %sign3A_159, %sign3A_162 : i32
      %sign3A_164 = arith.constant 0 : i32
      %sign3A_165 = arith.cmpi sgt, %jit3A_155, %sign3A_164 : i32
      %sign3A_166 = arith.extui %sign3A_165 : i1 to i32
      %sign3A_167 = arith.constant 0 : i32
      %sign3A_168 = arith.cmpi slt, %jit3A_155, %sign3A_167 : i32
      %sign3A_169 = arith.extui %sign3A_168 : i1 to i32
      %sign3A_170 = arith.subi %sign3A_166, %sign3A_169 : i32
      %ne3A_171 = arith.cmpi ne, %sign3A_163, %sign3A_170 : i32
      %rem3A_172 = arith.remsi %squeeze3A_154, %jit3A_155 : i32
      %ne3A_173 = arith.constant 0 : i32
      %ne3A_174 = arith.cmpi ne, %rem3A_172, %ne3A_173 : i32
      %and3A_175 = arith.andi %ne3A_171, %ne3A_174 : i1
      %sub3A_176 = arith.constant 1 : i32
      %sub3A_177 = arith.subi %div3A_156, %sub3A_176 : i32
      %select_n3A_178 = arith.select %and3A_175, %sub3A_177, %div3A_156 : i32
      %sub3A_179 = arith.constant 1 : i32
      %sub3A_180 = arith.subi %scan3A_94, %sub3A_179 : i32
      %max3A_181 = arith.constant 0 : i32
      %max3A_182 = arith.maxsi %sub3A_180, %max3A_181 : i32
      %get3A_183 = arith.index_cast %max3A_182 : i32 to index
      %get3A_184 = tpu.vector_load %arg16[%get3A_183] {strides = array<i32>} : memref<528xi32, #tpu.memory_space<vmem>>, vector<16xi32>,
      %slice3A_185 = vector.extract_strided_slice %get3A_184 {offsets = [0], sizes = [1], strides = [1]} : vector<16xi32> to vector<1xi32>
      %squeeze3A_186 = vector.extract %slice3A_185[0] : i32 from vector<1xi32>
      %jit3A_187 = arith.constant 128 : i32
      %div3A_188 = arith.divsi %squeeze3A_186, %jit3A_187 : i32
      %sign3A_189 = arith.constant 0 : i32
      %sign3A_190 = arith.cmpi sgt, %squeeze3A_186, %sign3A_189 : i32
      %sign3A_191 = arith.extui %sign3A_190 : i1 to i32
      %sign3A_192 = arith.constant 0 : i32
      %sign3A_193 = arith.cmpi slt, %squeeze3A_186, %sign3A_192 : i32
      %sign3A_194 = arith.extui %sign3A_193 : i1 to i32
      %sign3A_195 = arith.subi %sign3A_191, %sign3A_194 : i32
      %sign3A_196 = arith.constant 0 : i32
      %sign3A_197 = arith.cmpi sgt, %jit3A_187, %sign3A_196 : i32
      %sign3A_198 = arith.extui %sign3A_197 : i1 to i32
      %sign3A_199 = arith.constant 0 : i32
      %sign3A_200 = arith.cmpi slt, %jit3A_187, %sign3A_199 : i32
      %sign3A_201 = arith.extui %sign3A_200 : i1 to i32
      %sign3A_202 = arith.subi %sign3A_198, %sign3A_201 : i32
      %ne3A_203 = arith.cmpi ne, %sign3A_195, %sign3A_202 : i32
      %rem3A_204 = arith.remsi %squeeze3A_186, %jit3A_187 : i32
      %ne3A_205 = arith.constant 0 : i32
      %ne3A_206 = arith.cmpi ne, %rem3A_204, %ne3A_205 : i32
      %and3A_207 = arith.andi %ne3A_203, %ne3A_206 : i1
      %sub3A_208 = arith.constant 1 : i32
      %sub3A_209 = arith.subi %div3A_188, %sub3A_208 : i32
      %select_n3A_210 = arith.select %and3A_207, %sub3A_209, %div3A_188 : i32
      %ne3A_211 = arith.cmpi ne, %select_n3A_178, %select_n3A_210 : i32
      %jit3A_212 = arith.constant true
      %select_n3A_213 = arith.select %eq3A_150, %jit3A_212, %ne3A_211 : i1
      %convert_element_type3A_214 = arith.extui %select_n3A_213 : i1 to i32
      %add3A_215 = arith.addi %scan3A_95, %convert_element_type3A_214 : i32
      scf.yield %add3A_215 : i32
    }
    %scan3A_34 = arith.constant 6 : i32
    %scan3A_35 = arith.constant 0 : i32
    %scan3A_36 = arith.constant 0 : i32
    %scan3A_37 = arith.constant 512 : i32
    %scan3A_38 = arith.addi %scan3A_36, %scan3A_37 : i32
    %scan3A_39 = arith.constant 1 : i32
    %scan3A_40:2 = scf.for %scan3A_94 = %scan3A_36 to %scan3A_38 step %scan3A_39 iter_args(%scan3A_95 = %scan3A_33, %scan3A_96 = %scan3A_35) -> (i32, i32)  : i32 {
      %add3A_97 = arith.constant 6 : i32
      %add3A_98 = arith.addi %scan3A_94, %add3A_97 : i32
      %lt3A = arith.constant 512 : i32
      %lt3A_99 = arith.cmpi slt, %add3A_98, %lt3A : i32
      %add3A_100 = arith.constant 6 : i32
      %add3A_101 = arith.addi %scan3A_94, %add3A_100 : i32
      %eq3A = arith.constant 0 : i32
      %eq3A_102 = arith.cmpi eq, %add3A_101, %eq3A : i32
      %get3A = arith.index_cast %add3A_101 : i32 to index
      %get3A_103 = tpu.vector_load %arg16[%get3A] {strides = array<i32>} : memref<528xi32, #tpu.memory_space<vmem>>, vector<16xi32>,
      %slice3A = vector.extract_strided_slice %get3A_103 {offsets = [0], sizes = [1], strides = [1]} : vector<16xi32> to vector<1xi32>
      %squeeze3A = vector.extract %slice3A[0] : i32 from vector<1xi32>
      %jit3A = arith.constant 128 : i32
      %div3A = arith.divsi %squeeze3A, %jit3A : i32
      %sign3A = arith.constant 0 : i32
      %sign3A_104 = arith.cmpi sgt, %squeeze3A, %sign3A : i32
      %sign3A_105 = arith.extui %sign3A_104 : i1 to i32
      %sign3A_106 = arith.constant 0 : i32
      %sign3A_107 = arith.cmpi slt, %squeeze3A, %sign3A_106 : i32
      %sign3A_108 = arith.extui %sign3A_107 : i1 to i32
      %sign3A_109 = arith.subi %sign3A_105, %sign3A_108 : i32
      %sign3A_110 = arith.constant 0 : i32
      %sign3A_111 = arith.cmpi sgt, %jit3A, %sign3A_110 : i32
      %sign3A_112 = arith.extui %sign3A_111 : i1 to i32
      %sign3A_113 = arith.constant 0 : i32
      %sign3A_114 = arith.cmpi slt, %jit3A, %sign3A_113 : i32
      %sign3A_115 = arith.extui %sign3A_114 : i1 to i32
      %sign3A_116 = arith.subi %sign3A_112, %sign3A_115 : i32
      %ne3A = arith.cmpi ne, %sign3A_109, %sign3A_116 : i32
      %rem3A = arith.remsi %squeeze3A, %jit3A : i32
      %ne3A_117 = arith.constant 0 : i32
      %ne3A_118 = arith.cmpi ne, %rem3A, %ne3A_117 : i32
      %and3A = arith.andi %ne3A, %ne3A_118 : i1
      %sub3A = arith.constant 1 : i32
      %sub3A_119 = arith.subi %div3A, %sub3A : i32
      %select_n3A = arith.select %and3A, %sub3A_119, %div3A : i32
      %sub3A_120 = arith.constant 1 : i32
      %sub3A_121 = arith.subi %add3A_101, %sub3A_120 : i32
      %max3A = arith.constant 0 : i32
      %max3A_122 = arith.maxsi %sub3A_121, %max3A : i32
      %get3A_123 = arith.index_cast %max3A_122 : i32 to index
      %get3A_124 = tpu.vector_load %arg16[%get3A_123] {strides = array<i32>} : memref<528xi32, #tpu.memory_space<vmem>>, vector<16xi32>,
      %slice3A_125 = vector.extract_strided_slice %get3A_124 {offsets = [0], sizes = [1], strides = [1]} : vector<16xi32> to vector<1xi32>
      %squeeze3A_126 = vector.extract %slice3A_125[0] : i32 from vector<1xi32>
      %jit3A_127 = arith.constant 128 : i32
      %div3A_128 = arith.divsi %squeeze3A_126, %jit3A_127 : i32
      %sign3A_129 = arith.constant 0 : i32
      %sign3A_130 = arith.cmpi sgt, %squeeze3A_126, %sign3A_129 : i32
      %sign3A_131 = arith.extui %sign3A_130 : i1 to i32
      %sign3A_132 = arith.constant 0 : i32
      %sign3A_133 = arith.cmpi slt, %squeeze3A_126, %sign3A_132 : i32
      %sign3A_134 = arith.extui %sign3A_133 : i1 to i32
      %sign3A_135 = arith.subi %sign3A_131, %sign3A_134 : i32
      %sign3A_136 = arith.constant 0 : i32
      %sign3A_137 = arith.cmpi sgt, %jit3A_127, %sign3A_136 : i32
      %sign3A_138 = arith.extui %sign3A_137 : i1 to i32
      %sign3A_139 = arith.constant 0 : i32
      %sign3A_140 = arith.cmpi slt, %jit3A_127, %sign3A_139 : i32
      %sign3A_141 = arith.extui %sign3A_140 : i1 to i32
      %sign3A_142 = arith.subi %sign3A_138, %sign3A_141 : i32
      %ne3A_143 = arith.cmpi ne, %sign3A_135, %sign3A_142 : i32
      %rem3A_144 = arith.remsi %squeeze3A_126, %jit3A_127 : i32
      %ne3A_145 = arith.constant 0 : i32
      %ne3A_146 = arith.cmpi ne, %rem3A_144, %ne3A_145 : i32
      %and3A_147 = arith.andi %ne3A_143, %ne3A_146 : i1
      %sub3A_148 = arith.constant 1 : i32
      %sub3A_149 = arith.subi %div3A_128, %sub3A_148 : i32
      %select_n3A_150 = arith.select %and3A_147, %sub3A_149, %div3A_128 : i32
      %ne3A_151 = arith.cmpi ne, %select_n3A, %select_n3A_150 : i32
      %jit3A_152 = arith.constant true
      %select_n3A_153 = arith.select %eq3A_102, %jit3A_152, %ne3A_151 : i1
      %and3A_154 = arith.andi %lt3A_99, %select_n3A_153 : i1
      %convert_element_type3A = arith.extui %and3A_154 : i1 to i32
      %cond3A = arith.constant 0 : i32
      %cond3A_155 = arith.cmpi ne, %convert_element_type3A, %cond3A : i32
      scf.if %cond3A_155 {
        %add3A_259 = arith.constant 6 : i32
        %add3A_260 = arith.addi %scan3A_94, %add3A_259 : i32
        %get3A_261 = arith.index_cast %add3A_260 : i32 to index
        %get3A_262 = tpu.vector_load %arg16[%get3A_261] {strides = array<i32>} : memref<528xi32, #tpu.memory_space<vmem>>, vector<16xi32>,
        %slice3A_263 = vector.extract_strided_slice %get3A_262 {offsets = [0], sizes = [1], strides = [1]} : vector<16xi32> to vector<1xi32>
        %squeeze3A_264 = vector.extract %slice3A_263[0] : i32 from vector<1xi32>
        %jit3A_265 = arith.constant 128 : i32
        %div3A_266 = arith.divsi %squeeze3A_264, %jit3A_265 : i32
        %sign3A_267 = arith.constant 0 : i32
        %sign3A_268 = arith.cmpi sgt, %squeeze3A_264, %sign3A_267 : i32
        %sign3A_269 = arith.extui %sign3A_268 : i1 to i32
        %sign3A_270 = arith.constant 0 : i32
        %sign3A_271 = arith.cmpi slt, %squeeze3A_264, %sign3A_270 : i32
        %sign3A_272 = arith.extui %sign3A_271 : i1 to i32
        %sign3A_273 = arith.subi %sign3A_269, %sign3A_272 : i32
        %sign3A_274 = arith.constant 0 : i32
        %sign3A_275 = arith.cmpi sgt, %jit3A_265, %sign3A_274 : i32
        %sign3A_276 = arith.extui %sign3A_275 : i1 to i32
        %sign3A_277 = arith.constant 0 : i32
        %sign3A_278 = arith.cmpi slt, %jit3A_265, %sign3A_277 : i32
        %sign3A_279 = arith.extui %sign3A_278 : i1 to i32
        %sign3A_280 = arith.subi %sign3A_276, %sign3A_279 : i32
        %ne3A_281 = arith.cmpi ne, %sign3A_273, %sign3A_280 : i32
        %rem3A_282 = arith.remsi %squeeze3A_264, %jit3A_265 : i32
        %ne3A_283 = arith.constant 0 : i32
        %ne3A_284 = arith.cmpi ne, %rem3A_282, %ne3A_283 : i32
        %and3A_285 = arith.andi %ne3A_281, %ne3A_284 : i1
        %sub3A_286 = arith.constant 1 : i32
        %sub3A_287 = arith.subi %div3A_266, %sub3A_286 : i32
        %select_n3A_288 = arith.select %and3A_285, %sub3A_287, %div3A_266 : i32
        %mul3A_289 = arith.constant 128 : i32
        %mul3A_290 = arith.muli %select_n3A_288, %mul3A_289 : i32
        %rem3A_291 = arith.constant 8 : i32
        %rem3A_292 = arith.remsi %scan3A_95, %rem3A_291 : i32
        %dma_start3A = arith.constant 0 : i32
        %dma_start3A_293 = arith.constant 0 : i32
        %dma_start3A_294 = tpu.memref_slice %arg19[%rem3A_292, %dma_start3A, %dma_start3A_293] : memref<8x64x128xf32, #tpu.memory_space<vmem>> -> memref<1x64x128xf32, #tpu.memory_space<vmem>>
        %dma_start3A_295 = tpu.memref_squeeze %dma_start3A_294 : memref<1x64x128xf32, #tpu.memory_space<vmem>> -> memref<64x128xf32, #tpu.memory_space<vmem>>
        %dma_start3A_296 = arith.constant 0 : i32
        %dma_start3A_297 = tpu.memref_slice %arg9[%dma_start3A_296, %mul3A_290] : memref<64x1000000xf32, #tpu.memory_space<hbm>> -> memref<64x128xf32, #tpu.memory_space<hbm>>
        %dma_start3A_298 = arith.constant 0 : i32
        %dma_start3A_299 = arith.constant 0 : i32
        %dma_start3A_300 = tpu.memref_slice %arg19[%rem3A_292, %dma_start3A_298, %dma_start3A_299] : memref<8x64x128xf32, #tpu.memory_space<vmem>> -> memref<1x64x128xf32, #tpu.memory_space<vmem>>
        %dma_start3A_301 = tpu.memref_squeeze %dma_start3A_300 : memref<1x64x128xf32, #tpu.memory_space<vmem>> -> memref<64x128xf32, #tpu.memory_space<vmem>>
        %dma_start3A_302 = arith.constant 0 : i32
        %dma_start3A_303 = tpu.memref_slice %arg9[%dma_start3A_302, %mul3A_290] : memref<64x1000000xf32, #tpu.memory_space<hbm>> -> memref<64x128xf32, #tpu.memory_space<hbm>>
        tpu.enqueue_dma source(%dma_start3A_303 : memref<64x128xf32, #tpu.memory_space<hbm>>) target(%dma_start3A_301 : memref<64x128xf32, #tpu.memory_space<vmem>>) target_semaphore(%arg22 : memref<!tpu.dma_semaphore, #tpu.memory_space<semaphore_mem>>)
      } else {
      }
      %convert_element_type3A_156 = arith.extui %and3A_154 : i1 to i32
      %add3A_157 = arith.addi %scan3A_95, %convert_element_type3A_156 : i32
      %eq3A_158 = arith.constant 0 : i32
      %eq3A_159 = arith.cmpi eq, %scan3A_94, %eq3A_158 : i32
      %get3A_160 = arith.index_cast %scan3A_94 : i32 to index
      %get3A_161 = tpu.vector_load %arg16[%get3A_160] {strides = array<i32>} : memref<528xi32, #tpu.memory_space<vmem>>, vector<16xi32>,
      %slice3A_162 = vector.extract_strided_slice %get3A_161 {offsets = [0], sizes = [1], strides = [1]} : vector<16xi32> to vector<1xi32>
      %squeeze3A_163 = vector.extract %slice3A_162[0] : i32 from vector<1xi32>
      %jit3A_164 = arith.constant 128 : i32
      %div3A_165 = arith.divsi %squeeze3A_163, %jit3A_164 : i32
      %sign3A_166 = arith.constant 0 : i32
      %sign3A_167 = arith.cmpi sgt, %squeeze3A_163, %sign3A_166 : i32
      %sign3A_168 = arith.extui %sign3A_167 : i1 to i32
      %sign3A_169 = arith.constant 0 : i32
      %sign3A_170 = arith.cmpi slt, %squeeze3A_163, %sign3A_169 : i32
      %sign3A_171 = arith.extui %sign3A_170 : i1 to i32
      %sign3A_172 = arith.subi %sign3A_168, %sign3A_171 : i32
      %sign3A_173 = arith.constant 0 : i32
      %sign3A_174 = arith.cmpi sgt, %jit3A_164, %sign3A_173 : i32
      %sign3A_175 = arith.extui %sign3A_174 : i1 to i32
      %sign3A_176 = arith.constant 0 : i32
      %sign3A_177 = arith.cmpi slt, %jit3A_164, %sign3A_176 : i32
      %sign3A_178 = arith.extui %sign3A_177 : i1 to i32
      %sign3A_179 = arith.subi %sign3A_175, %sign3A_178 : i32
      %ne3A_180 = arith.cmpi ne, %sign3A_172, %sign3A_179 : i32
      %rem3A_181 = arith.remsi %squeeze3A_163, %jit3A_164 : i32
      %ne3A_182 = arith.constant 0 : i32
      %ne3A_183 = arith.cmpi ne, %rem3A_181, %ne3A_182 : i32
      %and3A_184 = arith.andi %ne3A_180, %ne3A_183 : i1
      %sub3A_185 = arith.constant 1 : i32
      %sub3A_186 = arith.subi %div3A_165, %sub3A_185 : i32
      %select_n3A_187 = arith.select %and3A_184, %sub3A_186, %div3A_165 : i32
      %sub3A_188 = arith.constant 1 : i32
      %sub3A_189 = arith.subi %scan3A_94, %sub3A_188 : i32
      %max3A_190 = arith.constant 0 : i32
      %max3A_191 = arith.maxsi %sub3A_189, %max3A_190 : i32
      %get3A_192 = arith.index_cast %max3A_191 : i32 to index
      %get3A_193 = tpu.vector_load %arg16[%get3A_192] {strides = array<i32>} : memref<528xi32, #tpu.memory_space<vmem>>, vector<16xi32>,
      %slice3A_194 = vector.extract_strided_slice %get3A_193 {offsets = [0], sizes = [1], strides = [1]} : vector<16xi32> to vector<1xi32>
      %squeeze3A_195 = vector.extract %slice3A_194[0] : i32 from vector<1xi32>
      %jit3A_196 = arith.constant 128 : i32
      %div3A_197 = arith.divsi %squeeze3A_195, %jit3A_196 : i32
      %sign3A_198 = arith.constant 0 : i32
      %sign3A_199 = arith.cmpi sgt, %squeeze3A_195, %sign3A_198 : i32
      %sign3A_200 = arith.extui %sign3A_199 : i1 to i32
      %sign3A_201 = arith.constant 0 : i32
      %sign3A_202 = arith.cmpi slt, %squeeze3A_195, %sign3A_201 : i32
      %sign3A_203 = arith.extui %sign3A_202 : i1 to i32
      %sign3A_204 = arith.subi %sign3A_200, %sign3A_203 : i32
      %sign3A_205 = arith.constant 0 : i32
      %sign3A_206 = arith.cmpi sgt, %jit3A_196, %sign3A_205 : i32
      %sign3A_207 = arith.extui %sign3A_206 : i1 to i32
      %sign3A_208 = arith.constant 0 : i32
      %sign3A_209 = arith.cmpi slt, %jit3A_196, %sign3A_208 : i32
      %sign3A_210 = arith.extui %sign3A_209 : i1 to i32
      %sign3A_211 = arith.subi %sign3A_207, %sign3A_210 : i32
      %ne3A_212 = arith.cmpi ne, %sign3A_204, %sign3A_211 : i32
      %rem3A_213 = arith.remsi %squeeze3A_195, %jit3A_196 : i32
      %ne3A_214 = arith.constant 0 : i32
      %ne3A_215 = arith.cmpi ne, %rem3A_213, %ne3A_214 : i32
      %and3A_216 = arith.andi %ne3A_212, %ne3A_215 : i1
      %sub3A_217 = arith.constant 1 : i32
      %sub3A_218 = arith.subi %div3A_197, %sub3A_217 : i32
      %select_n3A_219 = arith.select %and3A_216, %sub3A_218, %div3A_197 : i32
      %ne3A_220 = arith.cmpi ne, %select_n3A_187, %select_n3A_219 : i32
      %jit3A_221 = arith.constant true
      %select_n3A_222 = arith.select %eq3A_159, %jit3A_221, %ne3A_220 : i1
      %convert_element_type3A_223 = arith.extui %select_n3A_222 : i1 to i32
      %cond3A_224 = arith.constant 0 : i32
      %cond3A_225 = arith.cmpi ne, %convert_element_type3A_223, %cond3A_224 : i32
      scf.if %cond3A_225 {
        %dma_wait3A = arith.constant 0 : i32
        %dma_wait3A_259 = arith.constant 0 : i32
        %dma_wait3A_260 = arith.constant 0 : i32
        %dma_wait3A_261 = tpu.memref_slice %arg19[%dma_wait3A, %dma_wait3A_259, %dma_wait3A_260] : memref<8x64x128xf32, #tpu.memory_space<vmem>> -> memref<1x64x128xf32, #tpu.memory_space<vmem>>
        %dma_wait3A_262 = tpu.memref_squeeze %dma_wait3A_261 : memref<1x64x128xf32, #tpu.memory_space<vmem>> -> memref<64x128xf32, #tpu.memory_space<vmem>>
        %dma_wait3A_263 = arith.constant 0 : i32
        %dma_wait3A_264 = arith.constant 0 : i32
        %dma_wait3A_265 = tpu.memref_slice %arg9[%dma_wait3A_263, %dma_wait3A_264] : memref<64x1000000xf32, #tpu.memory_space<hbm>> -> memref<64x128xf32, #tpu.memory_space<hbm>>
        %dma_wait3A_266 = arith.constant 0 : i32
        %dma_wait3A_267 = arith.constant 0 : i32
        %dma_wait3A_268 = tpu.memref_slice %arg19[%dma_wait3A, %dma_wait3A_266, %dma_wait3A_267] : memref<8x64x128xf32, #tpu.memory_space<vmem>> -> memref<1x64x128xf32, #tpu.memory_space<vmem>>
        %dma_wait3A_269 = tpu.memref_squeeze %dma_wait3A_268 : memref<1x64x128xf32, #tpu.memory_space<vmem>> -> memref<64x128xf32, #tpu.memory_space<vmem>>
        %dma_wait3A_270 = arith.constant 0 : i32
        %dma_wait3A_271 = arith.constant 0 : i32
        %dma_wait3A_272 = tpu.memref_slice %arg9[%dma_wait3A_270, %dma_wait3A_271] : memref<64x1000000xf32, #tpu.memory_space<hbm>> -> memref<64x128xf32, #tpu.memory_space<hbm>>
        tpu.wait_dma2 semaphore(%arg22 : memref<!tpu.dma_semaphore, #tpu.memory_space<semaphore_mem>>) src(%dma_wait3A_272 : memref<64x128xf32, #tpu.memory_space<hbm>>) dst(%dma_wait3A_269 : memref<64x128xf32, #tpu.memory_space<vmem>>)
      } else {
      }
      %convert_element_type3A_226 = arith.extui %select_n3A_222 : i1 to i32
      %add3A_227 = arith.addi %scan3A_96, %convert_element_type3A_226 : i32
      %sub3A_228 = arith.constant 1 : i32
      %sub3A_229 = arith.subi %add3A_227, %sub3A_228 : i32
      %rem3A_230 = arith.constant 8 : i32
      %rem3A_231 = arith.remsi %sub3A_229, %rem3A_230 : i32
      %get3A_232 = arith.index_cast %scan3A_94 : i32 to index
      %get3A_233 = tpu.vector_load %arg16[%get3A_232] {strides = array<i32>} : memref<528xi32, #tpu.memory_space<vmem>>, vector<16xi32>,
      %slice3A_234 = vector.extract_strided_slice %get3A_233 {offsets = [0], sizes = [1], strides = [1]} : vector<16xi32> to vector<1xi32>
      %squeeze3A_235 = vector.extract %slice3A_234[0] : i32 from vector<1xi32>
      %rem3A_236 = arith.constant 128 : i32
      %rem3A_237 = arith.remsi %squeeze3A_235, %rem3A_236 : i32
      %rem3A_238 = arith.constant 128 : i32
      %rem3A_239 = arith.remsi %scan3A_94, %rem3A_238 : i32
      %broadcast_in_dim3A = vector.broadcast %rem3A_231 : i32 to vector<16xi32>
      %broadcast_in_dim3A_240 = vector.broadcast %rem3A_237 : i32 to vector<16xi32>
      %gather3A = tpu.vector_load_idx %arg19[%broadcast_in_dim3A, %add3A_5, %broadcast_in_dim3A_240] : memref<8x64x128xf32, #tpu.memory_space<vmem>>[vector<16xi32>, vector<16xi32>, vector<16xi32>], vector<16xf32>,
      %broadcast_in_dim3A_241 = vector.broadcast %rem3A_239 : i32 to vector<16xi32>
      tpu.vector_store_idx %arg20[%broadcast_in_dim3A_241, %add3A_5], %gather3A : memref<128x128xf32, #tpu.memory_space<vmem>>[vector<16xi32>, vector<16xi32>], vector<16xf32>,
      %broadcast_in_dim3A_242 = vector.broadcast %rem3A_231 : i32 to vector<16xi32>
      %broadcast_in_dim3A_243 = vector.broadcast %rem3A_237 : i32 to vector<16xi32>
      %gather3A_244 = tpu.vector_load_idx %arg19[%broadcast_in_dim3A_242, %add3A_9, %broadcast_in_dim3A_243] : memref<8x64x128xf32, #tpu.memory_space<vmem>>[vector<16xi32>, vector<16xi32>, vector<16xi32>], vector<16xf32>,
      %broadcast_in_dim3A_245 = vector.broadcast %rem3A_239 : i32 to vector<16xi32>
      tpu.vector_store_idx %arg20[%broadcast_in_dim3A_245, %add3A_9], %gather3A_244 : memref<128x128xf32, #tpu.memory_space<vmem>>[vector<16xi32>, vector<16xi32>], vector<16xf32>,
      %broadcast_in_dim3A_246 = vector.broadcast %rem3A_231 : i32 to vector<16xi32>
      %broadcast_in_dim3A_247 = vector.broadcast %rem3A_237 : i32 to vector<16xi32>
      %gather3A_248 = tpu.vector_load_idx %arg19[%broadcast_in_dim3A_246, %add3A_13, %broadcast_in_dim3A_247] : memref<8x64x128xf32, #tpu.memory_space<vmem>>[vector<16xi32>, vector<16xi32>, vector<16xi32>], vector<16xf32>,
      %broadcast_in_dim3A_249 = vector.broadcast %rem3A_239 : i32 to vector<16xi32>
      tpu.vector_store_idx %arg20[%broadcast_in_dim3A_249, %add3A_13], %gather3A_248 : memref<128x128xf32, #tpu.memory_space<vmem>>[vector<16xi32>, vector<16xi32>], vector<16xf32>,
      %broadcast_in_dim3A_250 = vector.broadcast %rem3A_231 : i32 to vector<16xi32>
      %broadcast_in_dim3A_251 = vector.broadcast %rem3A_237 : i32 to vector<16xi32>
      %gather3A_252 = tpu.vector_load_idx %arg19[%broadcast_in_dim3A_250, %add3A_17, %broadcast_in_dim3A_251] : memref<8x64x128xf32, #tpu.memory_space<vmem>>[vector<16xi32>, vector<16xi32>, vector<16xi32>], vector<16xf32>,
      %broadcast_in_dim3A_253 = vector.broadcast %rem3A_239 : i32 to vector<16xi32>
      tpu.vector_store_idx %arg20[%broadcast_in_dim3A_253, %add3A_17], %gather3A_252 : memref<128x128xf32, #tpu.memory_space<vmem>>[vector<16xi32>, vector<16xi32>], vector<16xf32>,
      %eq3A_254 = arith.constant 127 : i32
      %eq3A_255 = arith.cmpi eq, %rem3A_239, %eq3A_254 : i32
      %convert_element_type3A_256 = arith.extui %eq3A_255 : i1 to i32
      %cond3A_257 = arith.constant 0 : i32
      %cond3A_258 = arith.cmpi ne, %convert_element_type3A_256, %cond3A_257 : i32
      scf.if %cond3A_258 {
        %jit3A_259 = arith.constant 128 : i32
        %div3A_260 = arith.divsi %scan3A_94, %jit3A_259 : i32
        %sign3A_261 = arith.constant 0 : i32
        %sign3A_262 = arith.cmpi sgt, %scan3A_94, %sign3A_261 : i32
        %sign3A_263 = arith.extui %sign3A_262 : i1 to i32
        %sign3A_264 = arith.constant 0 : i32
        %sign3A_265 = arith.cmpi slt, %scan3A_94, %sign3A_264 : i32
        %sign3A_266 = arith.extui %sign3A_265 : i1 to i32
        %sign3A_267 = arith.subi %sign3A_263, %sign3A_266 : i32
        %sign3A_268 = arith.constant 0 : i32
        %sign3A_269 = arith.cmpi sgt, %jit3A_259, %sign3A_268 : i32
        %sign3A_270 = arith.extui %sign3A_269 : i1 to i32
        %sign3A_271 = arith.constant 0 : i32
        %sign3A_272 = arith.cmpi slt, %jit3A_259, %sign3A_271 : i32
        %sign3A_273 = arith.extui %sign3A_272 : i1 to i32
        %sign3A_274 = arith.subi %sign3A_270, %sign3A_273 : i32
        %ne3A_275 = arith.cmpi ne, %sign3A_267, %sign3A_274 : i32
        %rem3A_276 = arith.remsi %scan3A_94, %jit3A_259 : i32
        %ne3A_277 = arith.constant 0 : i32
        %ne3A_278 = arith.cmpi ne, %rem3A_276, %ne3A_277 : i32
        %and3A_279 = arith.andi %ne3A_275, %ne3A_278 : i1
        %sub3A_280 = arith.constant 1 : i32
        %sub3A_281 = arith.subi %div3A_260, %sub3A_280 : i32
        %select_n3A_282 = arith.select %and3A_279, %sub3A_281, %div3A_260 : i32
        "tpu.region"() ({
          %run_scoped3A_283 = tpu.sem_alloc : memref<!tpu.dma_semaphore, #tpu.memory_space<semaphore_mem>>
          %dma_start3A = arith.constant 0 : i32
          %dma_start3A_284 = tpu.memref_slice %arg18[%select_n3A_282, %dma_start3A] : memref<4x128xi32, #tpu.memory_space<vmem>> -> memref<1x128xi32, #tpu.memory_space<vmem>>
          %dma_start3A_285 = tpu.memref_squeeze %dma_start3A_284 : memref<1x128xi32, #tpu.memory_space<vmem>> -> memref<128xi32, #tpu.memory_space<vmem>>
          %dma_start3A_286 = arith.constant 0 : i32
          %dma_start3A_287 = arith.constant 0 : i32
          %dma_start3A_288 = tpu.memref_slice %arg13[%dma_start3A_286, %dma_start3A_287] : memref<16384x128xf32, #tpu.memory_space<hbm>> -> memref<16384x128xf32, #tpu.memory_space<hbm>>
          tpu.enqueue_indirect_dma source(%arg20 : memref<128x128xf32, #tpu.memory_space<vmem>>) target(%dma_start3A_288 : memref<16384x128xf32, #tpu.memory_space<hbm>>) offsets(%dma_start3A_285 : memref<128xi32, #tpu.memory_space<vmem>>) semaphore(%run_scoped3A_283 : memref<!tpu.dma_semaphore, #tpu.memory_space<semaphore_mem>>)
          %dma_wait3A = arith.constant 0 : i32
          %dma_wait3A_289 = tpu.memref_slice %arg18[%select_n3A_282, %dma_wait3A] : memref<4x128xi32, #tpu.memory_space<vmem>> -> memref<1x128xi32, #tpu.memory_space<vmem>>
          %dma_wait3A_290 = tpu.memref_squeeze %dma_wait3A_289 : memref<1x128xi32, #tpu.memory_space<vmem>> -> memref<128xi32, #tpu.memory_space<vmem>>
          %dma_wait3A_291 = arith.constant 0 : i32
          %dma_wait3A_292 = arith.constant 0 : i32
          %dma_wait3A_293 = tpu.memref_slice %arg13[%dma_wait3A_291, %dma_wait3A_292] : memref<16384x128xf32, #tpu.memory_space<hbm>> -> memref<16384x128xf32, #tpu.memory_space<hbm>>
          tpu.wait_indirect_dma semaphore(%run_scoped3A_283 : memref<!tpu.dma_semaphore, #tpu.memory_space<semaphore_mem>>) src(%arg20 : memref<128x128xf32, #tpu.memory_space<vmem>>) dst(%dma_wait3A_293 : memref<16384x128xf32, #tpu.memory_space<hbm>>)
          tpu.yield
        }) : () -> ()
      } else {
      }
      scf.yield %add3A_157, %add3A_227 : i32, i32
    }
    %scan3A_41 = arith.constant 512 : i32
    "tpu.region"() ({
      %run_scoped3A_94 = tpu.sem_alloc : memref<!tpu.dma_semaphore, #tpu.memory_space<semaphore_mem>>
      %dma_start3A = arith.constant 0 : i32
      %dma_start3A_95 = tpu.memref_slice %arg16[%dma_start3A] : memref<528xi32, #tpu.memory_space<vmem>> -> memref<512xi32, #tpu.memory_space<vmem>>
      %dma_start3A_96 = tpu.memref_slice %arg3[%mul3A_2] : memref<16384xi32, #tpu.memory_space<hbm>> -> memref<512xi32, #tpu.memory_space<hbm>>
      %dma_start3A_97 = arith.constant 0 : i32
      %dma_start3A_98 = tpu.memref_slice %arg16[%dma_start3A_97] : memref<528xi32, #tpu.memory_space<vmem>> -> memref<512xi32, #tpu.memory_space<vmem>>
      %dma_start3A_99 = tpu.memref_slice %arg3[%mul3A_2] : memref<16384xi32, #tpu.memory_space<hbm>> -> memref<512xi32, #tpu.memory_space<hbm>>
      tpu.enqueue_dma source(%dma_start3A_99 : memref<512xi32, #tpu.memory_space<hbm>>) target(%dma_start3A_98 : memref<512xi32, #tpu.memory_space<vmem>>) target_semaphore(%run_scoped3A_94 : memref<!tpu.dma_semaphore, #tpu.memory_space<semaphore_mem>>)
      %dma_wait3A = arith.constant 0 : i32
      %dma_wait3A_100 = tpu.memref_slice %arg16[%dma_wait3A] : memref<528xi32, #tpu.memory_space<vmem>> -> memref<512xi32, #tpu.memory_space<vmem>>
      %dma_wait3A_101 = tpu.memref_slice %arg3[%mul3A_2] : memref<16384xi32, #tpu.memory_space<hbm>> -> memref<512xi32, #tpu.memory_space<hbm>>
      %dma_wait3A_102 = arith.constant 0 : i32
      %dma_wait3A_103 = tpu.memref_slice %arg16[%dma_wait3A_102] : memref<528xi32, #tpu.memory_space<vmem>> -> memref<512xi32, #tpu.memory_space<vmem>>
      %dma_wait3A_104 = tpu.memref_slice %arg3[%mul3A_2] : memref<16384xi32, #tpu.memory_space<hbm>> -> memref<512xi32, #tpu.memory_space<hbm>>
      tpu.wait_dma2 semaphore(%run_scoped3A_94 : memref<!tpu.dma_semaphore, #tpu.memory_space<semaphore_mem>>) src(%dma_wait3A_104 : memref<512xi32, #tpu.memory_space<hbm>>) dst(%dma_wait3A_103 : memref<512xi32, #tpu.memory_space<vmem>>)
      tpu.yield
    }) : () -> ()
    %add3A_42 = arith.constant 0 : i32
    %add3A_43 = arith.addi %mul3A_2, %add3A_42 : i32
    %run_scoped3A_44 = arith.constant 0 : i32
    "tpu.region"() ({
      %run_scoped3A_94 = tpu.sem_alloc : memref<!tpu.dma_semaphore, #tpu.memory_space<semaphore_mem>>
      %dma_start3A = arith.constant 0 : i32
      %dma_start3A_95 = tpu.memref_slice %arg18[%run_scoped3A_44, %dma_start3A] : memref<4x128xi32, #tpu.memory_space<vmem>> -> memref<1x128xi32, #tpu.memory_space<vmem>>
      %dma_start3A_96 = tpu.memref_squeeze %dma_start3A_95 : memref<1x128xi32, #tpu.memory_space<vmem>> -> memref<128xi32, #tpu.memory_space<vmem>>
      %dma_start3A_97 = tpu.memref_slice %arg6[%add3A_43] : memref<16384xi32, #tpu.memory_space<hbm>> -> memref<128xi32, #tpu.memory_space<hbm>>
      %dma_start3A_98 = arith.constant 0 : i32
      %dma_start3A_99 = tpu.memref_slice %arg18[%run_scoped3A_44, %dma_start3A_98] : memref<4x128xi32, #tpu.memory_space<vmem>> -> memref<1x128xi32, #tpu.memory_space<vmem>>
      %dma_start3A_100 = tpu.memref_squeeze %dma_start3A_99 : memref<1x128xi32, #tpu.memory_space<vmem>> -> memref<128xi32, #tpu.memory_space<vmem>>
      %dma_start3A_101 = tpu.memref_slice %arg6[%add3A_43] : memref<16384xi32, #tpu.memory_space<hbm>> -> memref<128xi32, #tpu.memory_space<hbm>>
      tpu.enqueue_dma source(%dma_start3A_101 : memref<128xi32, #tpu.memory_space<hbm>>) target(%dma_start3A_100 : memref<128xi32, #tpu.memory_space<vmem>>) target_semaphore(%run_scoped3A_94 : memref<!tpu.dma_semaphore, #tpu.memory_space<semaphore_mem>>)
      %dma_wait3A = arith.constant 0 : i32
      %dma_wait3A_102 = tpu.memref_slice %arg18[%run_scoped3A_44, %dma_wait3A] : memref<4x128xi32, #tpu.memory_space<vmem>> -> memref<1x128xi32, #tpu.memory_space<vmem>>
      %dma_wait3A_103 = tpu.memref_squeeze %dma_wait3A_102 : memref<1x128xi32, #tpu.memory_space<vmem>> -> memref<128xi32, #tpu.memory_space<vmem>>
      %dma_wait3A_104 = tpu.memref_slice %arg6[%add3A_43] : memref<16384xi32, #tpu.memory_space<hbm>> -> memref<128xi32, #tpu.memory_space<hbm>>
      %dma_wait3A_105 = arith.constant 0 : i32
      %dma_wait3A_106 = tpu.memref_slice %arg18[%run_scoped3A_44, %dma_wait3A_105] : memref<4x128xi32, #tpu.memory_space<vmem>> -> memref<1x128xi32, #tpu.memory_space<vmem>>
      %dma_wait3A_107 = tpu.memref_squeeze %dma_wait3A_106 : memref<1x128xi32, #tpu.memory_space<vmem>> -> memref<128xi32, #tpu.memory_space<vmem>>
      %dma_wait3A_108 = tpu.memref_slice %arg6[%add3A_43] : memref<16384xi32, #tpu.memory_space<hbm>> -> memref<128xi32, #tpu.memory_space<hbm>>
      tpu.wait_dma2 semaphore(%run_scoped3A_94 : memref<!tpu.dma_semaphore, #tpu.memory_space<semaphore_mem>>) src(%dma_wait3A_108 : memref<128xi32, #tpu.memory_space<hbm>>) dst(%dma_wait3A_107 : memref<128xi32, #tpu.memory_space<vmem>>)
      tpu.yield
    }) : () -> ()
    %add3A_45 = arith.constant 128 : i32
    %add3A_46 = arith.addi %mul3A_2, %add3A_45 : i32
    %run_scoped3A_47 = arith.constant 1 : i32
    "tpu.region"() ({
      %run_scoped3A_94 = tpu.sem_alloc : memref<!tpu.dma_semaphore, #tpu.memory_space<semaphore_mem>>
      %dma_start3A = arith.constant 0 : i32
      %dma_start3A_95 = tpu.memref_slice %arg18[%run_scoped3A_47, %dma_start3A] : memref<4x128xi32, #tpu.memory_space<vmem>> -> memref<1x128xi32, #tpu.memory_space<vmem>>
      %dma_start3A_96 = tpu.memref_squeeze %dma_start3A_95 : memref<1x128xi32, #tpu.memory_space<vmem>> -> memref<128xi32, #tpu.memory_space<vmem>>
      %dma_start3A_97 = tpu.memref_slice %arg6[%add3A_46] : memref<16384xi32, #tpu.memory_space<hbm>> -> memref<128xi32, #tpu.memory_space<hbm>>
      %dma_start3A_98 = arith.constant 0 : i32
      %dma_start3A_99 = tpu.memref_slice %arg18[%run_scoped3A_47, %dma_start3A_98] : memref<4x128xi32, #tpu.memory_space<vmem>> -> memref<1x128xi32, #tpu.memory_space<vmem>>
      %dma_start3A_100 = tpu.memref_squeeze %dma_start3A_99 : memref<1x128xi32, #tpu.memory_space<vmem>> -> memref<128xi32, #tpu.memory_space<vmem>>
      %dma_start3A_101 = tpu.memref_slice %arg6[%add3A_46] : memref<16384xi32, #tpu.memory_space<hbm>> -> memref<128xi32, #tpu.memory_space<hbm>>
      tpu.enqueue_dma source(%dma_start3A_101 : memref<128xi32, #tpu.memory_space<hbm>>) target(%dma_start3A_100 : memref<128xi32, #tpu.memory_space<vmem>>) target_semaphore(%run_scoped3A_94 : memref<!tpu.dma_semaphore, #tpu.memory_space<semaphore_mem>>)
      %dma_wait3A = arith.constant 0 : i32
      %dma_wait3A_102 = tpu.memref_slice %arg18[%run_scoped3A_47, %dma_wait3A] : memref<4x128xi32, #tpu.memory_space<vmem>> -> memref<1x128xi32, #tpu.memory_space<vmem>>
      %dma_wait3A_103 = tpu.memref_squeeze %dma_wait3A_102 : memref<1x128xi32, #tpu.memory_space<vmem>> -> memref<128xi32, #tpu.memory_space<vmem>>
      %dma_wait3A_104 = tpu.memref_slice %arg6[%add3A_46] : memref<16384xi32, #tpu.memory_space<hbm>> -> memref<128xi32, #tpu.memory_space<hbm>>
      %dma_wait3A_105 = arith.constant 0 : i32
      %dma_wait3A_106 = tpu.memref_slice %arg18[%run_scoped3A_47, %dma_wait3A_105] : memref<4x128xi32, #tpu.memory_space<vmem>> -> memref<1x128xi32, #tpu.memory_space<vmem>>
      %dma_wait3A_107 = tpu.memref_squeeze %dma_wait3A_106 : memref<1x128xi32, #tpu.memory_space<vmem>> -> memref<128xi32, #tpu.memory_space<vmem>>
      %dma_wait3A_108 = tpu.memref_slice %arg6[%add3A_46] : memref<16384xi32, #tpu.memory_space<hbm>> -> memref<128xi32, #tpu.memory_space<hbm>>
      tpu.wait_dma2 semaphore(%run_scoped3A_94 : memref<!tpu.dma_semaphore, #tpu.memory_space<semaphore_mem>>) src(%dma_wait3A_108 : memref<128xi32, #tpu.memory_space<hbm>>) dst(%dma_wait3A_107 : memref<128xi32, #tpu.memory_space<vmem>>)
      tpu.yield
    }) : () -> ()
    %add3A_48 = arith.constant 256 : i32
    %add3A_49 = arith.addi %mul3A_2, %add3A_48 : i32
    %run_scoped3A_50 = arith.constant 2 : i32
    "tpu.region"() ({
      %run_scoped3A_94 = tpu.sem_alloc : memref<!tpu.dma_semaphore, #tpu.memory_space<semaphore_mem>>
      %dma_start3A = arith.constant 0 : i32
      %dma_start3A_95 = tpu.memref_slice %arg18[%run_scoped3A_50, %dma_start3A] : memref<4x128xi32, #tpu.memory_space<vmem>> -> memref<1x128xi32, #tpu.memory_space<vmem>>
      %dma_start3A_96 = tpu.memref_squeeze %dma_start3A_95 : memref<1x128xi32, #tpu.memory_space<vmem>> -> memref<128xi32, #tpu.memory_space<vmem>>
      %dma_start3A_97 = tpu.memref_slice %arg6[%add3A_49] : memref<16384xi32, #tpu.memory_space<hbm>> -> memref<128xi32, #tpu.memory_space<hbm>>
      %dma_start3A_98 = arith.constant 0 : i32
      %dma_start3A_99 = tpu.memref_slice %arg18[%run_scoped3A_50, %dma_start3A_98] : memref<4x128xi32, #tpu.memory_space<vmem>> -> memref<1x128xi32, #tpu.memory_space<vmem>>
      %dma_start3A_100 = tpu.memref_squeeze %dma_start3A_99 : memref<1x128xi32, #tpu.memory_space<vmem>> -> memref<128xi32, #tpu.memory_space<vmem>>
      %dma_start3A_101 = tpu.memref_slice %arg6[%add3A_49] : memref<16384xi32, #tpu.memory_space<hbm>> -> memref<128xi32, #tpu.memory_space<hbm>>
      tpu.enqueue_dma source(%dma_start3A_101 : memref<128xi32, #tpu.memory_space<hbm>>) target(%dma_start3A_100 : memref<128xi32, #tpu.memory_space<vmem>>) target_semaphore(%run_scoped3A_94 : memref<!tpu.dma_semaphore, #tpu.memory_space<semaphore_mem>>)
      %dma_wait3A = arith.constant 0 : i32
      %dma_wait3A_102 = tpu.memref_slice %arg18[%run_scoped3A_50, %dma_wait3A] : memref<4x128xi32, #tpu.memory_space<vmem>> -> memref<1x128xi32, #tpu.memory_space<vmem>>
      %dma_wait3A_103 = tpu.memref_squeeze %dma_wait3A_102 : memref<1x128xi32, #tpu.memory_space<vmem>> -> memref<128xi32, #tpu.memory_space<vmem>>
      %dma_wait3A_104 = tpu.memref_slice %arg6[%add3A_49] : memref<16384xi32, #tpu.memory_space<hbm>> -> memref<128xi32, #tpu.memory_space<hbm>>
      %dma_wait3A_105 = arith.constant 0 : i32
      %dma_wait3A_106 = tpu.memref_slice %arg18[%run_scoped3A_50, %dma_wait3A_105] : memref<4x128xi32, #tpu.memory_space<vmem>> -> memref<1x128xi32, #tpu.memory_space<vmem>>
      %dma_wait3A_107 = tpu.memref_squeeze %dma_wait3A_106 : memref<1x128xi32, #tpu.memory_space<vmem>> -> memref<128xi32, #tpu.memory_space<vmem>>
      %dma_wait3A_108 = tpu.memref_slice %arg6[%add3A_49] : memref<16384xi32, #tpu.memory_space<hbm>> -> memref<128xi32, #tpu.memory_space<hbm>>
      tpu.wait_dma2 semaphore(%run_scoped3A_94 : memref<!tpu.dma_semaphore, #tpu.memory_space<semaphore_mem>>) src(%dma_wait3A_108 : memref<128xi32, #tpu.memory_space<hbm>>) dst(%dma_wait3A_107 : memref<128xi32, #tpu.memory_space<vmem>>)
      tpu.yield
    }) : () -> ()
    %add3A_51 = arith.constant 384 : i32
    %add3A_52 = arith.addi %mul3A_2, %add3A_51 : i32
    %run_scoped3A_53 = arith.constant 3 : i32
    "tpu.region"() ({
      %run_scoped3A_94 = tpu.sem_alloc : memref<!tpu.dma_semaphore, #tpu.memory_space<semaphore_mem>>
      %dma_start3A = arith.constant 0 : i32
      %dma_start3A_95 = tpu.memref_slice %arg18[%run_scoped3A_53, %dma_start3A] : memref<4x128xi32, #tpu.memory_space<vmem>> -> memref<1x128xi32, #tpu.memory_space<vmem>>
      %dma_start3A_96 = tpu.memref_squeeze %dma_start3A_95 : memref<1x128xi32, #tpu.memory_space<vmem>> -> memref<128xi32, #tpu.memory_space<vmem>>
      %dma_start3A_97 = tpu.memref_slice %arg6[%add3A_52] : memref<16384xi32, #tpu.memory_space<hbm>> -> memref<128xi32, #tpu.memory_space<hbm>>
      %dma_start3A_98 = arith.constant 0 : i32
      %dma_start3A_99 = tpu.memref_slice %arg18[%run_scoped3A_53, %dma_start3A_98] : memref<4x128xi32, #tpu.memory_space<vmem>> -> memref<1x128xi32, #tpu.memory_space<vmem>>
      %dma_start3A_100 = tpu.memref_squeeze %dma_start3A_99 : memref<1x128xi32, #tpu.memory_space<vmem>> -> memref<128xi32, #tpu.memory_space<vmem>>
      %dma_start3A_101 = tpu.memref_slice %arg6[%add3A_52] : memref<16384xi32, #tpu.memory_space<hbm>> -> memref<128xi32, #tpu.memory_space<hbm>>
      tpu.enqueue_dma source(%dma_start3A_101 : memref<128xi32, #tpu.memory_space<hbm>>) target(%dma_start3A_100 : memref<128xi32, #tpu.memory_space<vmem>>) target_semaphore(%run_scoped3A_94 : memref<!tpu.dma_semaphore, #tpu.memory_space<semaphore_mem>>)
      %dma_wait3A = arith.constant 0 : i32
      %dma_wait3A_102 = tpu.memref_slice %arg18[%run_scoped3A_53, %dma_wait3A] : memref<4x128xi32, #tpu.memory_space<vmem>> -> memref<1x128xi32, #tpu.memory_space<vmem>>
      %dma_wait3A_103 = tpu.memref_squeeze %dma_wait3A_102 : memref<1x128xi32, #tpu.memory_space<vmem>> -> memref<128xi32, #tpu.memory_space<vmem>>
      %dma_wait3A_104 = tpu.memref_slice %arg6[%add3A_52] : memref<16384xi32, #tpu.memory_space<hbm>> -> memref<128xi32, #tpu.memory_space<hbm>>
      %dma_wait3A_105 = arith.constant 0 : i32
      %dma_wait3A_106 = tpu.memref_slice %arg18[%run_scoped3A_53, %dma_wait3A_105] : memref<4x128xi32, #tpu.memory_space<vmem>> -> memref<1x128xi32, #tpu.memory_space<vmem>>
      %dma_wait3A_107 = tpu.memref_squeeze %dma_wait3A_106 : memref<1x128xi32, #tpu.memory_space<vmem>> -> memref<128xi32, #tpu.memory_space<vmem>>
      %dma_wait3A_108 = tpu.memref_slice %arg6[%add3A_52] : memref<16384xi32, #tpu.memory_space<hbm>> -> memref<128xi32, #tpu.memory_space<hbm>>
      tpu.wait_dma2 semaphore(%run_scoped3A_94 : memref<!tpu.dma_semaphore, #tpu.memory_space<semaphore_mem>>) src(%dma_wait3A_108 : memref<128xi32, #tpu.memory_space<hbm>>) dst(%dma_wait3A_107 : memref<128xi32, #tpu.memory_space<vmem>>)
      tpu.yield
    }) : () -> ()
    %scan3A_54 = arith.constant 0 : i32
    %scan3A_55 = arith.constant 0 : i32
    %scan3A_56 = arith.constant 6 : i32
    %scan3A_57 = arith.addi %scan3A_55, %scan3A_56 : i32
    %scan3A_58 = arith.constant 1 : i32
    %scan3A_59 = scf.for %scan3A_94 = %scan3A_55 to %scan3A_57 step %scan3A_58 iter_args(%scan3A_95 = %scan3A_54) -> (i32)  : i32 {
      %eq3A = arith.constant 0 : i32
      %eq3A_96 = arith.cmpi eq, %scan3A_94, %eq3A : i32
      %get3A = arith.index_cast %scan3A_94 : i32 to index
      %get3A_97 = tpu.vector_load %arg16[%get3A] {strides = array<i32>} : memref<528xi32, #tpu.memory_space<vmem>>, vector<16xi32>,
      %slice3A = vector.extract_strided_slice %get3A_97 {offsets = [0], sizes = [1], strides = [1]} : vector<16xi32> to vector<1xi32>
      %squeeze3A = vector.extract %slice3A[0] : i32 from vector<1xi32>
      %jit3A = arith.constant 128 : i32
      %div3A = arith.divsi %squeeze3A, %jit3A : i32
      %sign3A = arith.constant 0 : i32
      %sign3A_98 = arith.cmpi sgt, %squeeze3A, %sign3A : i32
      %sign3A_99 = arith.extui %sign3A_98 : i1 to i32
      %sign3A_100 = arith.constant 0 : i32
      %sign3A_101 = arith.cmpi slt, %squeeze3A, %sign3A_100 : i32
      %sign3A_102 = arith.extui %sign3A_101 : i1 to i32
      %sign3A_103 = arith.subi %sign3A_99, %sign3A_102 : i32
      %sign3A_104 = arith.constant 0 : i32
      %sign3A_105 = arith.cmpi sgt, %jit3A, %sign3A_104 : i32
      %sign3A_106 = arith.extui %sign3A_105 : i1 to i32
      %sign3A_107 = arith.constant 0 : i32
      %sign3A_108 = arith.cmpi slt, %jit3A, %sign3A_107 : i32
      %sign3A_109 = arith.extui %sign3A_108 : i1 to i32
      %sign3A_110 = arith.subi %sign3A_106, %sign3A_109 : i32
      %ne3A = arith.cmpi ne, %sign3A_103, %sign3A_110 : i32
      %rem3A = arith.remsi %squeeze3A, %jit3A : i32
      %ne3A_111 = arith.constant 0 : i32
      %ne3A_112 = arith.cmpi ne, %rem3A, %ne3A_111 : i32
      %and3A = arith.andi %ne3A, %ne3A_112 : i1
      %sub3A = arith.constant 1 : i32
      %sub3A_113 = arith.subi %div3A, %sub3A : i32
      %select_n3A = arith.select %and3A, %sub3A_113, %div3A : i32
      %sub3A_114 = arith.constant 1 : i32
      %sub3A_115 = arith.subi %scan3A_94, %sub3A_114 : i32
      %max3A = arith.constant 0 : i32
      %max3A_116 = arith.maxsi %sub3A_115, %max3A : i32
      %get3A_117 = arith.index_cast %max3A_116 : i32 to index
      %get3A_118 = tpu.vector_load %arg16[%get3A_117] {strides = array<i32>} : memref<528xi32, #tpu.memory_space<vmem>>, vector<16xi32>,
      %slice3A_119 = vector.extract_strided_slice %get3A_118 {offsets = [0], sizes = [1], strides = [1]} : vector<16xi32> to vector<1xi32>
      %squeeze3A_120 = vector.extract %slice3A_119[0] : i32 from vector<1xi32>
      %jit3A_121 = arith.constant 128 : i32
      %div3A_122 = arith.divsi %squeeze3A_120, %jit3A_121 : i32
      %sign3A_123 = arith.constant 0 : i32
      %sign3A_124 = arith.cmpi sgt, %squeeze3A_120, %sign3A_123 : i32
      %sign3A_125 = arith.extui %sign3A_124 : i1 to i32
      %sign3A_126 = arith.constant 0 : i32
      %sign3A_127 = arith.cmpi slt, %squeeze3A_120, %sign3A_126 : i32
      %sign3A_128 = arith.extui %sign3A_127 : i1 to i32
      %sign3A_129 = arith.subi %sign3A_125, %sign3A_128 : i32
      %sign3A_130 = arith.constant 0 : i32
      %sign3A_131 = arith.cmpi sgt, %jit3A_121, %sign3A_130 : i32
      %sign3A_132 = arith.extui %sign3A_131 : i1 to i32
      %sign3A_133 = arith.constant 0 : i32
      %sign3A_134 = arith.cmpi slt, %jit3A_121, %sign3A_133 : i32
      %sign3A_135 = arith.extui %sign3A_134 : i1 to i32
      %sign3A_136 = arith.subi %sign3A_132, %sign3A_135 : i32
      %ne3A_137 = arith.cmpi ne, %sign3A_129, %sign3A_136 : i32
      %rem3A_138 = arith.remsi %squeeze3A_120, %jit3A_121 : i32
      %ne3A_139 = arith.constant 0 : i32
      %ne3A_140 = arith.cmpi ne, %rem3A_138, %ne3A_139 : i32
      %and3A_141 = arith.andi %ne3A_137, %ne3A_140 : i1
      %sub3A_142 = arith.constant 1 : i32
      %sub3A_143 = arith.subi %div3A_122, %sub3A_142 : i32
      %select_n3A_144 = arith.select %and3A_141, %sub3A_143, %div3A_122 : i32
      %ne3A_145 = arith.cmpi ne, %select_n3A, %select_n3A_144 : i32
      %jit3A_146 = arith.constant true
      %select_n3A_147 = arith.select %eq3A_96, %jit3A_146, %ne3A_145 : i1
      %convert_element_type3A = arith.extui %select_n3A_147 : i1 to i32
      %cond3A = arith.constant 0 : i32
      %cond3A_148 = arith.cmpi ne, %convert_element_type3A, %cond3A : i32
      scf.if %cond3A_148 {
        %get3A_216 = arith.index_cast %scan3A_94 : i32 to index
        %get3A_217 = tpu.vector_load %arg16[%get3A_216] {strides = array<i32>} : memref<528xi32, #tpu.memory_space<vmem>>, vector<16xi32>,
        %slice3A_218 = vector.extract_strided_slice %get3A_217 {offsets = [0], sizes = [1], strides = [1]} : vector<16xi32> to vector<1xi32>
        %squeeze3A_219 = vector.extract %slice3A_218[0] : i32 from vector<1xi32>
        %jit3A_220 = arith.constant 128 : i32
        %div3A_221 = arith.divsi %squeeze3A_219, %jit3A_220 : i32
        %sign3A_222 = arith.constant 0 : i32
        %sign3A_223 = arith.cmpi sgt, %squeeze3A_219, %sign3A_222 : i32
        %sign3A_224 = arith.extui %sign3A_223 : i1 to i32
        %sign3A_225 = arith.constant 0 : i32
        %sign3A_226 = arith.cmpi slt, %squeeze3A_219, %sign3A_225 : i32
        %sign3A_227 = arith.extui %sign3A_226 : i1 to i32
        %sign3A_228 = arith.subi %sign3A_224, %sign3A_227 : i32
        %sign3A_229 = arith.constant 0 : i32
        %sign3A_230 = arith.cmpi sgt, %jit3A_220, %sign3A_229 : i32
        %sign3A_231 = arith.extui %sign3A_230 : i1 to i32
        %sign3A_232 = arith.constant 0 : i32
        %sign3A_233 = arith.cmpi slt, %jit3A_220, %sign3A_232 : i32
        %sign3A_234 = arith.extui %sign3A_233 : i1 to i32
        %sign3A_235 = arith.subi %sign3A_231, %sign3A_234 : i32
        %ne3A_236 = arith.cmpi ne, %sign3A_228, %sign3A_235 : i32
        %rem3A_237 = arith.remsi %squeeze3A_219, %jit3A_220 : i32
        %ne3A_238 = arith.constant 0 : i32
        %ne3A_239 = arith.cmpi ne, %rem3A_237, %ne3A_238 : i32
        %and3A_240 = arith.andi %ne3A_236, %ne3A_239 : i1
        %sub3A_241 = arith.constant 1 : i32
        %sub3A_242 = arith.subi %div3A_221, %sub3A_241 : i32
        %select_n3A_243 = arith.select %and3A_240, %sub3A_242, %div3A_221 : i32
        %mul3A_244 = arith.constant 128 : i32
        %mul3A_245 = arith.muli %select_n3A_243, %mul3A_244 : i32
        %rem3A_246 = arith.constant 8 : i32
        %rem3A_247 = arith.remsi %scan3A_95, %rem3A_246 : i32
        %dma_start3A = arith.constant 0 : i32
        %dma_start3A_248 = arith.constant 0 : i32
        %dma_start3A_249 = tpu.memref_slice %arg19[%rem3A_247, %dma_start3A, %dma_start3A_248] : memref<8x64x128xf32, #tpu.memory_space<vmem>> -> memref<1x64x128xf32, #tpu.memory_space<vmem>>
        %dma_start3A_250 = tpu.memref_squeeze %dma_start3A_249 : memref<1x64x128xf32, #tpu.memory_space<vmem>> -> memref<64x128xf32, #tpu.memory_space<vmem>>
        %dma_start3A_251 = arith.constant 0 : i32
        %dma_start3A_252 = tpu.memref_slice %arg10[%dma_start3A_251, %mul3A_245] : memref<64x1000000xf32, #tpu.memory_space<hbm>> -> memref<64x128xf32, #tpu.memory_space<hbm>>
        %dma_start3A_253 = arith.constant 0 : i32
        %dma_start3A_254 = arith.constant 0 : i32
        %dma_start3A_255 = tpu.memref_slice %arg19[%rem3A_247, %dma_start3A_253, %dma_start3A_254] : memref<8x64x128xf32, #tpu.memory_space<vmem>> -> memref<1x64x128xf32, #tpu.memory_space<vmem>>
        %dma_start3A_256 = tpu.memref_squeeze %dma_start3A_255 : memref<1x64x128xf32, #tpu.memory_space<vmem>> -> memref<64x128xf32, #tpu.memory_space<vmem>>
        %dma_start3A_257 = arith.constant 0 : i32
        %dma_start3A_258 = tpu.memref_slice %arg10[%dma_start3A_257, %mul3A_245] : memref<64x1000000xf32, #tpu.memory_space<hbm>> -> memref<64x128xf32, #tpu.memory_space<hbm>>
        tpu.enqueue_dma source(%dma_start3A_258 : memref<64x128xf32, #tpu.memory_space<hbm>>) target(%dma_start3A_256 : memref<64x128xf32, #tpu.memory_space<vmem>>) target_semaphore(%arg22 : memref<!tpu.dma_semaphore, #tpu.memory_space<semaphore_mem>>)
      } else {
      }
      %eq3A_149 = arith.constant 0 : i32
      %eq3A_150 = arith.cmpi eq, %scan3A_94, %eq3A_149 : i32
      %get3A_151 = arith.index_cast %scan3A_94 : i32 to index
      %get3A_152 = tpu.vector_load %arg16[%get3A_151] {strides = array<i32>} : memref<528xi32, #tpu.memory_space<vmem>>, vector<16xi32>,
      %slice3A_153 = vector.extract_strided_slice %get3A_152 {offsets = [0], sizes = [1], strides = [1]} : vector<16xi32> to vector<1xi32>
      %squeeze3A_154 = vector.extract %slice3A_153[0] : i32 from vector<1xi32>
      %jit3A_155 = arith.constant 128 : i32
      %div3A_156 = arith.divsi %squeeze3A_154, %jit3A_155 : i32
      %sign3A_157 = arith.constant 0 : i32
      %sign3A_158 = arith.cmpi sgt, %squeeze3A_154, %sign3A_157 : i32
      %sign3A_159 = arith.extui %sign3A_158 : i1 to i32
      %sign3A_160 = arith.constant 0 : i32
      %sign3A_161 = arith.cmpi slt, %squeeze3A_154, %sign3A_160 : i32
      %sign3A_162 = arith.extui %sign3A_161 : i1 to i32
      %sign3A_163 = arith.subi %sign3A_159, %sign3A_162 : i32
      %sign3A_164 = arith.constant 0 : i32
      %sign3A_165 = arith.cmpi sgt, %jit3A_155, %sign3A_164 : i32
      %sign3A_166 = arith.extui %sign3A_165 : i1 to i32
      %sign3A_167 = arith.constant 0 : i32
      %sign3A_168 = arith.cmpi slt, %jit3A_155, %sign3A_167 : i32
      %sign3A_169 = arith.extui %sign3A_168 : i1 to i32
      %sign3A_170 = arith.subi %sign3A_166, %sign3A_169 : i32
      %ne3A_171 = arith.cmpi ne, %sign3A_163, %sign3A_170 : i32
      %rem3A_172 = arith.remsi %squeeze3A_154, %jit3A_155 : i32
      %ne3A_173 = arith.constant 0 : i32
      %ne3A_174 = arith.cmpi ne, %rem3A_172, %ne3A_173 : i32
      %and3A_175 = arith.andi %ne3A_171, %ne3A_174 : i1
      %sub3A_176 = arith.constant 1 : i32
      %sub3A_177 = arith.subi %div3A_156, %sub3A_176 : i32
      %select_n3A_178 = arith.select %and3A_175, %sub3A_177, %div3A_156 : i32
      %sub3A_179 = arith.constant 1 : i32
      %sub3A_180 = arith.subi %scan3A_94, %sub3A_179 : i32
      %max3A_181 = arith.constant 0 : i32
      %max3A_182 = arith.maxsi %sub3A_180, %max3A_181 : i32
      %get3A_183 = arith.index_cast %max3A_182 : i32 to index
      %get3A_184 = tpu.vector_load %arg16[%get3A_183] {strides = array<i32>} : memref<528xi32, #tpu.memory_space<vmem>>, vector<16xi32>,
      %slice3A_185 = vector.extract_strided_slice %get3A_184 {offsets = [0], sizes = [1], strides = [1]} : vector<16xi32> to vector<1xi32>
      %squeeze3A_186 = vector.extract %slice3A_185[0] : i32 from vector<1xi32>
      %jit3A_187 = arith.constant 128 : i32
      %div3A_188 = arith.divsi %squeeze3A_186, %jit3A_187 : i32
      %sign3A_189 = arith.constant 0 : i32
      %sign3A_190 = arith.cmpi sgt, %squeeze3A_186, %sign3A_189 : i32
      %sign3A_191 = arith.extui %sign3A_190 : i1 to i32
      %sign3A_192 = arith.constant 0 : i32
      %sign3A_193 = arith.cmpi slt, %squeeze3A_186, %sign3A_192 : i32
      %sign3A_194 = arith.extui %sign3A_193 : i1 to i32
      %sign3A_195 = arith.subi %sign3A_191, %sign3A_194 : i32
      %sign3A_196 = arith.constant 0 : i32
      %sign3A_197 = arith.cmpi sgt, %jit3A_187, %sign3A_196 : i32
      %sign3A_198 = arith.extui %sign3A_197 : i1 to i32
      %sign3A_199 = arith.constant 0 : i32
      %sign3A_200 = arith.cmpi slt, %jit3A_187, %sign3A_199 : i32
      %sign3A_201 = arith.extui %sign3A_200 : i1 to i32
      %sign3A_202 = arith.subi %sign3A_198, %sign3A_201 : i32
      %ne3A_203 = arith.cmpi ne, %sign3A_195, %sign3A_202 : i32
      %rem3A_204 = arith.remsi %squeeze3A_186, %jit3A_187 : i32
      %ne3A_205 = arith.constant 0 : i32
      %ne3A_206 = arith.cmpi ne, %rem3A_204, %ne3A_205 : i32
      %and3A_207 = arith.andi %ne3A_203, %ne3A_206 : i1
      %sub3A_208 = arith.constant 1 : i32
      %sub3A_209 = arith.subi %div3A_188, %sub3A_208 : i32
      %select_n3A_210 = arith.select %and3A_207, %sub3A_209, %div3A_188 : i32
      %ne3A_211 = arith.cmpi ne, %select_n3A_178, %select_n3A_210 : i32
      %jit3A_212 = arith.constant true
      %select_n3A_213 = arith.select %eq3A_150, %jit3A_212, %ne3A_211 : i1
      %convert_element_type3A_214 = arith.extui %select_n3A_213 : i1 to i32
      %add3A_215 = arith.addi %scan3A_95, %convert_element_type3A_214 : i32
      scf.yield %add3A_215 : i32
    }
    %scan3A_60 = arith.constant 6 : i32
    %scan3A_61 = arith.constant 0 : i32
    %scan3A_62 = arith.constant 0 : i32
    %scan3A_63 = arith.constant 512 : i32
    %scan3A_64 = arith.addi %scan3A_62, %scan3A_63 : i32
    %scan3A_65 = arith.constant 1 : i32
    %scan3A_66:2 = scf.for %scan3A_94 = %scan3A_62 to %scan3A_64 step %scan3A_65 iter_args(%scan3A_95 = %scan3A_59, %scan3A_96 = %scan3A_61) -> (i32, i32)  : i32 {
      %add3A_97 = arith.constant 6 : i32
      %add3A_98 = arith.addi %scan3A_94, %add3A_97 : i32
      %lt3A = arith.constant 512 : i32
      %lt3A_99 = arith.cmpi slt, %add3A_98, %lt3A : i32
      %add3A_100 = arith.constant 6 : i32
      %add3A_101 = arith.addi %scan3A_94, %add3A_100 : i32
      %eq3A = arith.constant 0 : i32
      %eq3A_102 = arith.cmpi eq, %add3A_101, %eq3A : i32
      %get3A = arith.index_cast %add3A_101 : i32 to index
      %get3A_103 = tpu.vector_load %arg16[%get3A] {strides = array<i32>} : memref<528xi32, #tpu.memory_space<vmem>>, vector<16xi32>,
      %slice3A = vector.extract_strided_slice %get3A_103 {offsets = [0], sizes = [1], strides = [1]} : vector<16xi32> to vector<1xi32>
      %squeeze3A = vector.extract %slice3A[0] : i32 from vector<1xi32>
      %jit3A = arith.constant 128 : i32
      %div3A = arith.divsi %squeeze3A, %jit3A : i32
      %sign3A = arith.constant 0 : i32
      %sign3A_104 = arith.cmpi sgt, %squeeze3A, %sign3A : i32
      %sign3A_105 = arith.extui %sign3A_104 : i1 to i32
      %sign3A_106 = arith.constant 0 : i32
      %sign3A_107 = arith.cmpi slt, %squeeze3A, %sign3A_106 : i32
      %sign3A_108 = arith.extui %sign3A_107 : i1 to i32
      %sign3A_109 = arith.subi %sign3A_105, %sign3A_108 : i32
      %sign3A_110 = arith.constant 0 : i32
      %sign3A_111 = arith.cmpi sgt, %jit3A, %sign3A_110 : i32
      %sign3A_112 = arith.extui %sign3A_111 : i1 to i32
      %sign3A_113 = arith.constant 0 : i32
      %sign3A_114 = arith.cmpi slt, %jit3A, %sign3A_113 : i32
      %sign3A_115 = arith.extui %sign3A_114 : i1 to i32
      %sign3A_116 = arith.subi %sign3A_112, %sign3A_115 : i32
      %ne3A = arith.cmpi ne, %sign3A_109, %sign3A_116 : i32
      %rem3A = arith.remsi %squeeze3A, %jit3A : i32
      %ne3A_117 = arith.constant 0 : i32
      %ne3A_118 = arith.cmpi ne, %rem3A, %ne3A_117 : i32
      %and3A = arith.andi %ne3A, %ne3A_118 : i1
      %sub3A = arith.constant 1 : i32
      %sub3A_119 = arith.subi %div3A, %sub3A : i32
      %select_n3A = arith.select %and3A, %sub3A_119, %div3A : i32
      %sub3A_120 = arith.constant 1 : i32
      %sub3A_121 = arith.subi %add3A_101, %sub3A_120 : i32
      %max3A = arith.constant 0 : i32
      %max3A_122 = arith.maxsi %sub3A_121, %max3A : i32
      %get3A_123 = arith.index_cast %max3A_122 : i32 to index
      %get3A_124 = tpu.vector_load %arg16[%get3A_123] {strides = array<i32>} : memref<528xi32, #tpu.memory_space<vmem>>, vector<16xi32>,
      %slice3A_125 = vector.extract_strided_slice %get3A_124 {offsets = [0], sizes = [1], strides = [1]} : vector<16xi32> to vector<1xi32>
      %squeeze3A_126 = vector.extract %slice3A_125[0] : i32 from vector<1xi32>
      %jit3A_127 = arith.constant 128 : i32
      %div3A_128 = arith.divsi %squeeze3A_126, %jit3A_127 : i32
      %sign3A_129 = arith.constant 0 : i32
      %sign3A_130 = arith.cmpi sgt, %squeeze3A_126, %sign3A_129 : i32
      %sign3A_131 = arith.extui %sign3A_130 : i1 to i32
      %sign3A_132 = arith.constant 0 : i32
      %sign3A_133 = arith.cmpi slt, %squeeze3A_126, %sign3A_132 : i32
      %sign3A_134 = arith.extui %sign3A_133 : i1 to i32
      %sign3A_135 = arith.subi %sign3A_131, %sign3A_134 : i32
      %sign3A_136 = arith.constant 0 : i32
      %sign3A_137 = arith.cmpi sgt, %jit3A_127, %sign3A_136 : i32
      %sign3A_138 = arith.extui %sign3A_137 : i1 to i32
      %sign3A_139 = arith.constant 0 : i32
      %sign3A_140 = arith.cmpi slt, %jit3A_127, %sign3A_139 : i32
      %sign3A_141 = arith.extui %sign3A_140 : i1 to i32
      %sign3A_142 = arith.subi %sign3A_138, %sign3A_141 : i32
      %ne3A_143 = arith.cmpi ne, %sign3A_135, %sign3A_142 : i32
      %rem3A_144 = arith.remsi %squeeze3A_126, %jit3A_127 : i32
      %ne3A_145 = arith.constant 0 : i32
      %ne3A_146 = arith.cmpi ne, %rem3A_144, %ne3A_145 : i32
      %and3A_147 = arith.andi %ne3A_143, %ne3A_146 : i1
      %sub3A_148 = arith.constant 1 : i32
      %sub3A_149 = arith.subi %div3A_128, %sub3A_148 : i32
      %select_n3A_150 = arith.select %and3A_147, %sub3A_149, %div3A_128 : i32
      %ne3A_151 = arith.cmpi ne, %select_n3A, %select_n3A_150 : i32
      %jit3A_152 = arith.constant true
      %select_n3A_153 = arith.select %eq3A_102, %jit3A_152, %ne3A_151 : i1
      %and3A_154 = arith.andi %lt3A_99, %select_n3A_153 : i1
      %convert_element_type3A = arith.extui %and3A_154 : i1 to i32
      %cond3A = arith.constant 0 : i32
      %cond3A_155 = arith.cmpi ne, %convert_element_type3A, %cond3A : i32
      scf.if %cond3A_155 {
        %add3A_259 = arith.constant 6 : i32
        %add3A_260 = arith.addi %scan3A_94, %add3A_259 : i32
        %get3A_261 = arith.index_cast %add3A_260 : i32 to index
        %get3A_262 = tpu.vector_load %arg16[%get3A_261] {strides = array<i32>} : memref<528xi32, #tpu.memory_space<vmem>>, vector<16xi32>,
        %slice3A_263 = vector.extract_strided_slice %get3A_262 {offsets = [0], sizes = [1], strides = [1]} : vector<16xi32> to vector<1xi32>
        %squeeze3A_264 = vector.extract %slice3A_263[0] : i32 from vector<1xi32>
        %jit3A_265 = arith.constant 128 : i32
        %div3A_266 = arith.divsi %squeeze3A_264, %jit3A_265 : i32
        %sign3A_267 = arith.constant 0 : i32
        %sign3A_268 = arith.cmpi sgt, %squeeze3A_264, %sign3A_267 : i32
        %sign3A_269 = arith.extui %sign3A_268 : i1 to i32
        %sign3A_270 = arith.constant 0 : i32
        %sign3A_271 = arith.cmpi slt, %squeeze3A_264, %sign3A_270 : i32
        %sign3A_272 = arith.extui %sign3A_271 : i1 to i32
        %sign3A_273 = arith.subi %sign3A_269, %sign3A_272 : i32
        %sign3A_274 = arith.constant 0 : i32
        %sign3A_275 = arith.cmpi sgt, %jit3A_265, %sign3A_274 : i32
        %sign3A_276 = arith.extui %sign3A_275 : i1 to i32
        %sign3A_277 = arith.constant 0 : i32
        %sign3A_278 = arith.cmpi slt, %jit3A_265, %sign3A_277 : i32
        %sign3A_279 = arith.extui %sign3A_278 : i1 to i32
        %sign3A_280 = arith.subi %sign3A_276, %sign3A_279 : i32
        %ne3A_281 = arith.cmpi ne, %sign3A_273, %sign3A_280 : i32
        %rem3A_282 = arith.remsi %squeeze3A_264, %jit3A_265 : i32
        %ne3A_283 = arith.constant 0 : i32
        %ne3A_284 = arith.cmpi ne, %rem3A_282, %ne3A_283 : i32
        %and3A_285 = arith.andi %ne3A_281, %ne3A_284 : i1
        %sub3A_286 = arith.constant 1 : i32
        %sub3A_287 = arith.subi %div3A_266, %sub3A_286 : i32
        %select_n3A_288 = arith.select %and3A_285, %sub3A_287, %div3A_266 : i32
        %mul3A_289 = arith.constant 128 : i32
        %mul3A_290 = arith.muli %select_n3A_288, %mul3A_289 : i32
        %rem3A_291 = arith.constant 8 : i32
        %rem3A_292 = arith.remsi %scan3A_95, %rem3A_291 : i32
        %dma_start3A = arith.constant 0 : i32
        %dma_start3A_293 = arith.constant 0 : i32
        %dma_start3A_294 = tpu.memref_slice %arg19[%rem3A_292, %dma_start3A, %dma_start3A_293] : memref<8x64x128xf32, #tpu.memory_space<vmem>> -> memref<1x64x128xf32, #tpu.memory_space<vmem>>
        %dma_start3A_295 = tpu.memref_squeeze %dma_start3A_294 : memref<1x64x128xf32, #tpu.memory_space<vmem>> -> memref<64x128xf32, #tpu.memory_space<vmem>>
        %dma_start3A_296 = arith.constant 0 : i32
        %dma_start3A_297 = tpu.memref_slice %arg10[%dma_start3A_296, %mul3A_290] : memref<64x1000000xf32, #tpu.memory_space<hbm>> -> memref<64x128xf32, #tpu.memory_space<hbm>>
        %dma_start3A_298 = arith.constant 0 : i32
        %dma_start3A_299 = arith.constant 0 : i32
        %dma_start3A_300 = tpu.memref_slice %arg19[%rem3A_292, %dma_start3A_298, %dma_start3A_299] : memref<8x64x128xf32, #tpu.memory_space<vmem>> -> memref<1x64x128xf32, #tpu.memory_space<vmem>>
        %dma_start3A_301 = tpu.memref_squeeze %dma_start3A_300 : memref<1x64x128xf32, #tpu.memory_space<vmem>> -> memref<64x128xf32, #tpu.memory_space<vmem>>
        %dma_start3A_302 = arith.constant 0 : i32
        %dma_start3A_303 = tpu.memref_slice %arg10[%dma_start3A_302, %mul3A_290] : memref<64x1000000xf32, #tpu.memory_space<hbm>> -> memref<64x128xf32, #tpu.memory_space<hbm>>
        tpu.enqueue_dma source(%dma_start3A_303 : memref<64x128xf32, #tpu.memory_space<hbm>>) target(%dma_start3A_301 : memref<64x128xf32, #tpu.memory_space<vmem>>) target_semaphore(%arg22 : memref<!tpu.dma_semaphore, #tpu.memory_space<semaphore_mem>>)
      } else {
      }
      %convert_element_type3A_156 = arith.extui %and3A_154 : i1 to i32
      %add3A_157 = arith.addi %scan3A_95, %convert_element_type3A_156 : i32
      %eq3A_158 = arith.constant 0 : i32
      %eq3A_159 = arith.cmpi eq, %scan3A_94, %eq3A_158 : i32
      %get3A_160 = arith.index_cast %scan3A_94 : i32 to index
      %get3A_161 = tpu.vector_load %arg16[%get3A_160] {strides = array<i32>} : memref<528xi32, #tpu.memory_space<vmem>>, vector<16xi32>,
      %slice3A_162 = vector.extract_strided_slice %get3A_161 {offsets = [0], sizes = [1], strides = [1]} : vector<16xi32> to vector<1xi32>
      %squeeze3A_163 = vector.extract %slice3A_162[0] : i32 from vector<1xi32>
      %jit3A_164 = arith.constant 128 : i32
      %div3A_165 = arith.divsi %squeeze3A_163, %jit3A_164 : i32
      %sign3A_166 = arith.constant 0 : i32
      %sign3A_167 = arith.cmpi sgt, %squeeze3A_163, %sign3A_166 : i32
      %sign3A_168 = arith.extui %sign3A_167 : i1 to i32
      %sign3A_169 = arith.constant 0 : i32
      %sign3A_170 = arith.cmpi slt, %squeeze3A_163, %sign3A_169 : i32
      %sign3A_171 = arith.extui %sign3A_170 : i1 to i32
      %sign3A_172 = arith.subi %sign3A_168, %sign3A_171 : i32
      %sign3A_173 = arith.constant 0 : i32
      %sign3A_174 = arith.cmpi sgt, %jit3A_164, %sign3A_173 : i32
      %sign3A_175 = arith.extui %sign3A_174 : i1 to i32
      %sign3A_176 = arith.constant 0 : i32
      %sign3A_177 = arith.cmpi slt, %jit3A_164, %sign3A_176 : i32
      %sign3A_178 = arith.extui %sign3A_177 : i1 to i32
      %sign3A_179 = arith.subi %sign3A_175, %sign3A_178 : i32
      %ne3A_180 = arith.cmpi ne, %sign3A_172, %sign3A_179 : i32
      %rem3A_181 = arith.remsi %squeeze3A_163, %jit3A_164 : i32
      %ne3A_182 = arith.constant 0 : i32
      %ne3A_183 = arith.cmpi ne, %rem3A_181, %ne3A_182 : i32
      %and3A_184 = arith.andi %ne3A_180, %ne3A_183 : i1
      %sub3A_185 = arith.constant 1 : i32
      %sub3A_186 = arith.subi %div3A_165, %sub3A_185 : i32
      %select_n3A_187 = arith.select %and3A_184, %sub3A_186, %div3A_165 : i32
      %sub3A_188 = arith.constant 1 : i32
      %sub3A_189 = arith.subi %scan3A_94, %sub3A_188 : i32
      %max3A_190 = arith.constant 0 : i32
      %max3A_191 = arith.maxsi %sub3A_189, %max3A_190 : i32
      %get3A_192 = arith.index_cast %max3A_191 : i32 to index
      %get3A_193 = tpu.vector_load %arg16[%get3A_192] {strides = array<i32>} : memref<528xi32, #tpu.memory_space<vmem>>, vector<16xi32>,
      %slice3A_194 = vector.extract_strided_slice %get3A_193 {offsets = [0], sizes = [1], strides = [1]} : vector<16xi32> to vector<1xi32>
      %squeeze3A_195 = vector.extract %slice3A_194[0] : i32 from vector<1xi32>
      %jit3A_196 = arith.constant 128 : i32
      %div3A_197 = arith.divsi %squeeze3A_195, %jit3A_196 : i32
      %sign3A_198 = arith.constant 0 : i32
      %sign3A_199 = arith.cmpi sgt, %squeeze3A_195, %sign3A_198 : i32
      %sign3A_200 = arith.extui %sign3A_199 : i1 to i32
      %sign3A_201 = arith.constant 0 : i32
      %sign3A_202 = arith.cmpi slt, %squeeze3A_195, %sign3A_201 : i32
      %sign3A_203 = arith.extui %sign3A_202 : i1 to i32
      %sign3A_204 = arith.subi %sign3A_200, %sign3A_203 : i32
      %sign3A_205 = arith.constant 0 : i32
      %sign3A_206 = arith.cmpi sgt, %jit3A_196, %sign3A_205 : i32
      %sign3A_207 = arith.extui %sign3A_206 : i1 to i32
      %sign3A_208 = arith.constant 0 : i32
      %sign3A_209 = arith.cmpi slt, %jit3A_196, %sign3A_208 : i32
      %sign3A_210 = arith.extui %sign3A_209 : i1 to i32
      %sign3A_211 = arith.subi %sign3A_207, %sign3A_210 : i32
      %ne3A_212 = arith.cmpi ne, %sign3A_204, %sign3A_211 : i32
      %rem3A_213 = arith.remsi %squeeze3A_195, %jit3A_196 : i32
      %ne3A_214 = arith.constant 0 : i32
      %ne3A_215 = arith.cmpi ne, %rem3A_213, %ne3A_214 : i32
      %and3A_216 = arith.andi %ne3A_212, %ne3A_215 : i1
      %sub3A_217 = arith.constant 1 : i32
      %sub3A_218 = arith.subi %div3A_197, %sub3A_217 : i32
      %select_n3A_219 = arith.select %and3A_216, %sub3A_218, %div3A_197 : i32
      %ne3A_220 = arith.cmpi ne, %select_n3A_187, %select_n3A_219 : i32
      %jit3A_221 = arith.constant true
      %select_n3A_222 = arith.select %eq3A_159, %jit3A_221, %ne3A_220 : i1
      %convert_element_type3A_223 = arith.extui %select_n3A_222 : i1 to i32
      %cond3A_224 = arith.constant 0 : i32
      %cond3A_225 = arith.cmpi ne, %convert_element_type3A_223, %cond3A_224 : i32
      scf.if %cond3A_225 {
        %dma_wait3A = arith.constant 0 : i32
        %dma_wait3A_259 = arith.constant 0 : i32
        %dma_wait3A_260 = arith.constant 0 : i32
        %dma_wait3A_261 = tpu.memref_slice %arg19[%dma_wait3A, %dma_wait3A_259, %dma_wait3A_260] : memref<8x64x128xf32, #tpu.memory_space<vmem>> -> memref<1x64x128xf32, #tpu.memory_space<vmem>>
        %dma_wait3A_262 = tpu.memref_squeeze %dma_wait3A_261 : memref<1x64x128xf32, #tpu.memory_space<vmem>> -> memref<64x128xf32, #tpu.memory_space<vmem>>
        %dma_wait3A_263 = arith.constant 0 : i32
        %dma_wait3A_264 = arith.constant 0 : i32
        %dma_wait3A_265 = tpu.memref_slice %arg10[%dma_wait3A_263, %dma_wait3A_264] : memref<64x1000000xf32, #tpu.memory_space<hbm>> -> memref<64x128xf32, #tpu.memory_space<hbm>>
        %dma_wait3A_266 = arith.constant 0 : i32
        %dma_wait3A_267 = arith.constant 0 : i32
        %dma_wait3A_268 = tpu.memref_slice %arg19[%dma_wait3A, %dma_wait3A_266, %dma_wait3A_267] : memref<8x64x128xf32, #tpu.memory_space<vmem>> -> memref<1x64x128xf32, #tpu.memory_space<vmem>>
        %dma_wait3A_269 = tpu.memref_squeeze %dma_wait3A_268 : memref<1x64x128xf32, #tpu.memory_space<vmem>> -> memref<64x128xf32, #tpu.memory_space<vmem>>
        %dma_wait3A_270 = arith.constant 0 : i32
        %dma_wait3A_271 = arith.constant 0 : i32
        %dma_wait3A_272 = tpu.memref_slice %arg10[%dma_wait3A_270, %dma_wait3A_271] : memref<64x1000000xf32, #tpu.memory_space<hbm>> -> memref<64x128xf32, #tpu.memory_space<hbm>>
        tpu.wait_dma2 semaphore(%arg22 : memref<!tpu.dma_semaphore, #tpu.memory_space<semaphore_mem>>) src(%dma_wait3A_272 : memref<64x128xf32, #tpu.memory_space<hbm>>) dst(%dma_wait3A_269 : memref<64x128xf32, #tpu.memory_space<vmem>>)
      } else {
      }
      %convert_element_type3A_226 = arith.extui %select_n3A_222 : i1 to i32
      %add3A_227 = arith.addi %scan3A_96, %convert_element_type3A_226 : i32
      %sub3A_228 = arith.constant 1 : i32
      %sub3A_229 = arith.subi %add3A_227, %sub3A_228 : i32
      %rem3A_230 = arith.constant 8 : i32
      %rem3A_231 = arith.remsi %sub3A_229, %rem3A_230 : i32
      %get3A_232 = arith.index_cast %scan3A_94 : i32 to index
      %get3A_233 = tpu.vector_load %arg16[%get3A_232] {strides = array<i32>} : memref<528xi32, #tpu.memory_space<vmem>>, vector<16xi32>,
      %slice3A_234 = vector.extract_strided_slice %get3A_233 {offsets = [0], sizes = [1], strides = [1]} : vector<16xi32> to vector<1xi32>
      %squeeze3A_235 = vector.extract %slice3A_234[0] : i32 from vector<1xi32>
      %rem3A_236 = arith.constant 128 : i32
      %rem3A_237 = arith.remsi %squeeze3A_235, %rem3A_236 : i32
      %rem3A_238 = arith.constant 128 : i32
      %rem3A_239 = arith.remsi %scan3A_94, %rem3A_238 : i32
      %broadcast_in_dim3A = vector.broadcast %rem3A_231 : i32 to vector<16xi32>
      %broadcast_in_dim3A_240 = vector.broadcast %rem3A_237 : i32 to vector<16xi32>
      %gather3A = tpu.vector_load_idx %arg19[%broadcast_in_dim3A, %add3A_5, %broadcast_in_dim3A_240] : memref<8x64x128xf32, #tpu.memory_space<vmem>>[vector<16xi32>, vector<16xi32>, vector<16xi32>], vector<16xf32>,
      %broadcast_in_dim3A_241 = vector.broadcast %rem3A_239 : i32 to vector<16xi32>
      tpu.vector_store_idx %arg20[%broadcast_in_dim3A_241, %add3A_5], %gather3A : memref<128x128xf32, #tpu.memory_space<vmem>>[vector<16xi32>, vector<16xi32>], vector<16xf32>,
      %broadcast_in_dim3A_242 = vector.broadcast %rem3A_231 : i32 to vector<16xi32>
      %broadcast_in_dim3A_243 = vector.broadcast %rem3A_237 : i32 to vector<16xi32>
      %gather3A_244 = tpu.vector_load_idx %arg19[%broadcast_in_dim3A_242, %add3A_9, %broadcast_in_dim3A_243] : memref<8x64x128xf32, #tpu.memory_space<vmem>>[vector<16xi32>, vector<16xi32>, vector<16xi32>], vector<16xf32>,
      %broadcast_in_dim3A_245 = vector.broadcast %rem3A_239 : i32 to vector<16xi32>
      tpu.vector_store_idx %arg20[%broadcast_in_dim3A_245, %add3A_9], %gather3A_244 : memref<128x128xf32, #tpu.memory_space<vmem>>[vector<16xi32>, vector<16xi32>], vector<16xf32>,
      %broadcast_in_dim3A_246 = vector.broadcast %rem3A_231 : i32 to vector<16xi32>
      %broadcast_in_dim3A_247 = vector.broadcast %rem3A_237 : i32 to vector<16xi32>
      %gather3A_248 = tpu.vector_load_idx %arg19[%broadcast_in_dim3A_246, %add3A_13, %broadcast_in_dim3A_247] : memref<8x64x128xf32, #tpu.memory_space<vmem>>[vector<16xi32>, vector<16xi32>, vector<16xi32>], vector<16xf32>,
      %broadcast_in_dim3A_249 = vector.broadcast %rem3A_239 : i32 to vector<16xi32>
      tpu.vector_store_idx %arg20[%broadcast_in_dim3A_249, %add3A_13], %gather3A_248 : memref<128x128xf32, #tpu.memory_space<vmem>>[vector<16xi32>, vector<16xi32>], vector<16xf32>,
      %broadcast_in_dim3A_250 = vector.broadcast %rem3A_231 : i32 to vector<16xi32>
      %broadcast_in_dim3A_251 = vector.broadcast %rem3A_237 : i32 to vector<16xi32>
      %gather3A_252 = tpu.vector_load_idx %arg19[%broadcast_in_dim3A_250, %add3A_17, %broadcast_in_dim3A_251] : memref<8x64x128xf32, #tpu.memory_space<vmem>>[vector<16xi32>, vector<16xi32>, vector<16xi32>], vector<16xf32>,
      %broadcast_in_dim3A_253 = vector.broadcast %rem3A_239 : i32 to vector<16xi32>
      tpu.vector_store_idx %arg20[%broadcast_in_dim3A_253, %add3A_17], %gather3A_252 : memref<128x128xf32, #tpu.memory_space<vmem>>[vector<16xi32>, vector<16xi32>], vector<16xf32>,
      %eq3A_254 = arith.constant 127 : i32
      %eq3A_255 = arith.cmpi eq, %rem3A_239, %eq3A_254 : i32
      %convert_element_type3A_256 = arith.extui %eq3A_255 : i1 to i32
      %cond3A_257 = arith.constant 0 : i32
      %cond3A_258 = arith.cmpi ne, %convert_element_type3A_256, %cond3A_257 : i32
      scf.if %cond3A_258 {
        %jit3A_259 = arith.constant 128 : i32
        %div3A_260 = arith.divsi %scan3A_94, %jit3A_259 : i32
        %sign3A_261 = arith.constant 0 : i32
        %sign3A_262 = arith.cmpi sgt, %scan3A_94, %sign3A_261 : i32
        %sign3A_263 = arith.extui %sign3A_262 : i1 to i32
        %sign3A_264 = arith.constant 0 : i32
        %sign3A_265 = arith.cmpi slt, %scan3A_94, %sign3A_264 : i32
        %sign3A_266 = arith.extui %sign3A_265 : i1 to i32
        %sign3A_267 = arith.subi %sign3A_263, %sign3A_266 : i32
        %sign3A_268 = arith.constant 0 : i32
        %sign3A_269 = arith.cmpi sgt, %jit3A_259, %sign3A_268 : i32
        %sign3A_270 = arith.extui %sign3A_269 : i1 to i32
        %sign3A_271 = arith.constant 0 : i32
        %sign3A_272 = arith.cmpi slt, %jit3A_259, %sign3A_271 : i32
        %sign3A_273 = arith.extui %sign3A_272 : i1 to i32
        %sign3A_274 = arith.subi %sign3A_270, %sign3A_273 : i32
        %ne3A_275 = arith.cmpi ne, %sign3A_267, %sign3A_274 : i32
        %rem3A_276 = arith.remsi %scan3A_94, %jit3A_259 : i32
        %ne3A_277 = arith.constant 0 : i32
        %ne3A_278 = arith.cmpi ne, %rem3A_276, %ne3A_277 : i32
        %and3A_279 = arith.andi %ne3A_275, %ne3A_278 : i1
        %sub3A_280 = arith.constant 1 : i32
        %sub3A_281 = arith.subi %div3A_260, %sub3A_280 : i32
        %select_n3A_282 = arith.select %and3A_279, %sub3A_281, %div3A_260 : i32
        "tpu.region"() ({
          %run_scoped3A_283 = tpu.sem_alloc : memref<!tpu.dma_semaphore, #tpu.memory_space<semaphore_mem>>
          %dma_start3A = arith.constant 0 : i32
          %dma_start3A_284 = tpu.memref_slice %arg18[%select_n3A_282, %dma_start3A] : memref<4x128xi32, #tpu.memory_space<vmem>> -> memref<1x128xi32, #tpu.memory_space<vmem>>
          %dma_start3A_285 = tpu.memref_squeeze %dma_start3A_284 : memref<1x128xi32, #tpu.memory_space<vmem>> -> memref<128xi32, #tpu.memory_space<vmem>>
          %dma_start3A_286 = arith.constant 0 : i32
          %dma_start3A_287 = arith.constant 0 : i32
          %dma_start3A_288 = tpu.memref_slice %arg14[%dma_start3A_286, %dma_start3A_287] : memref<16384x128xf32, #tpu.memory_space<hbm>> -> memref<16384x128xf32, #tpu.memory_space<hbm>>
          tpu.enqueue_indirect_dma source(%arg20 : memref<128x128xf32, #tpu.memory_space<vmem>>) target(%dma_start3A_288 : memref<16384x128xf32, #tpu.memory_space<hbm>>) offsets(%dma_start3A_285 : memref<128xi32, #tpu.memory_space<vmem>>) semaphore(%run_scoped3A_283 : memref<!tpu.dma_semaphore, #tpu.memory_space<semaphore_mem>>)
          %dma_wait3A = arith.constant 0 : i32
          %dma_wait3A_289 = tpu.memref_slice %arg18[%select_n3A_282, %dma_wait3A] : memref<4x128xi32, #tpu.memory_space<vmem>> -> memref<1x128xi32, #tpu.memory_space<vmem>>
          %dma_wait3A_290 = tpu.memref_squeeze %dma_wait3A_289 : memref<1x128xi32, #tpu.memory_space<vmem>> -> memref<128xi32, #tpu.memory_space<vmem>>
          %dma_wait3A_291 = arith.constant 0 : i32
          %dma_wait3A_292 = arith.constant 0 : i32
          %dma_wait3A_293 = tpu.memref_slice %arg14[%dma_wait3A_291, %dma_wait3A_292] : memref<16384x128xf32, #tpu.memory_space<hbm>> -> memref<16384x128xf32, #tpu.memory_space<hbm>>
          tpu.wait_indirect_dma semaphore(%run_scoped3A_283 : memref<!tpu.dma_semaphore, #tpu.memory_space<semaphore_mem>>) src(%arg20 : memref<128x128xf32, #tpu.memory_space<vmem>>) dst(%dma_wait3A_293 : memref<16384x128xf32, #tpu.memory_space<hbm>>)
          tpu.yield
        }) : () -> ()
      } else {
      }
      scf.yield %add3A_157, %add3A_227 : i32, i32
    }
    %scan3A_67 = arith.constant 512 : i32
    "tpu.region"() ({
      %run_scoped3A_94 = tpu.sem_alloc : memref<!tpu.dma_semaphore, #tpu.memory_space<semaphore_mem>>
      %dma_start3A = arith.constant 0 : i32
      %dma_start3A_95 = tpu.memref_slice %arg16[%dma_start3A] : memref<528xi32, #tpu.memory_space<vmem>> -> memref<512xi32, #tpu.memory_space<vmem>>
      %dma_start3A_96 = tpu.memref_slice %arg4[%mul3A_2] : memref<16384xi32, #tpu.memory_space<hbm>> -> memref<512xi32, #tpu.memory_space<hbm>>
      %dma_start3A_97 = arith.constant 0 : i32
      %dma_start3A_98 = tpu.memref_slice %arg16[%dma_start3A_97] : memref<528xi32, #tpu.memory_space<vmem>> -> memref<512xi32, #tpu.memory_space<vmem>>
      %dma_start3A_99 = tpu.memref_slice %arg4[%mul3A_2] : memref<16384xi32, #tpu.memory_space<hbm>> -> memref<512xi32, #tpu.memory_space<hbm>>
      tpu.enqueue_dma source(%dma_start3A_99 : memref<512xi32, #tpu.memory_space<hbm>>) target(%dma_start3A_98 : memref<512xi32, #tpu.memory_space<vmem>>) target_semaphore(%run_scoped3A_94 : memref<!tpu.dma_semaphore, #tpu.memory_space<semaphore_mem>>)
      %dma_wait3A = arith.constant 0 : i32
      %dma_wait3A_100 = tpu.memref_slice %arg16[%dma_wait3A] : memref<528xi32, #tpu.memory_space<vmem>> -> memref<512xi32, #tpu.memory_space<vmem>>
      %dma_wait3A_101 = tpu.memref_slice %arg4[%mul3A_2] : memref<16384xi32, #tpu.memory_space<hbm>> -> memref<512xi32, #tpu.memory_space<hbm>>
      %dma_wait3A_102 = arith.constant 0 : i32
      %dma_wait3A_103 = tpu.memref_slice %arg16[%dma_wait3A_102] : memref<528xi32, #tpu.memory_space<vmem>> -> memref<512xi32, #tpu.memory_space<vmem>>
      %dma_wait3A_104 = tpu.memref_slice %arg4[%mul3A_2] : memref<16384xi32, #tpu.memory_space<hbm>> -> memref<512xi32, #tpu.memory_space<hbm>>
      tpu.wait_dma2 semaphore(%run_scoped3A_94 : memref<!tpu.dma_semaphore, #tpu.memory_space<semaphore_mem>>) src(%dma_wait3A_104 : memref<512xi32, #tpu.memory_space<hbm>>) dst(%dma_wait3A_103 : memref<512xi32, #tpu.memory_space<vmem>>)
      tpu.yield
    }) : () -> ()
    %add3A_68 = arith.constant 0 : i32
    %add3A_69 = arith.addi %mul3A_2, %add3A_68 : i32
    %run_scoped3A_70 = arith.constant 0 : i32
    "tpu.region"() ({
      %run_scoped3A_94 = tpu.sem_alloc : memref<!tpu.dma_semaphore, #tpu.memory_space<semaphore_mem>>
      %dma_start3A = arith.constant 0 : i32
      %dma_start3A_95 = tpu.memref_slice %arg18[%run_scoped3A_70, %dma_start3A] : memref<4x128xi32, #tpu.memory_space<vmem>> -> memref<1x128xi32, #tpu.memory_space<vmem>>
      %dma_start3A_96 = tpu.memref_squeeze %dma_start3A_95 : memref<1x128xi32, #tpu.memory_space<vmem>> -> memref<128xi32, #tpu.memory_space<vmem>>
      %dma_start3A_97 = tpu.memref_slice %arg7[%add3A_69] : memref<16384xi32, #tpu.memory_space<hbm>> -> memref<128xi32, #tpu.memory_space<hbm>>
      %dma_start3A_98 = arith.constant 0 : i32
      %dma_start3A_99 = tpu.memref_slice %arg18[%run_scoped3A_70, %dma_start3A_98] : memref<4x128xi32, #tpu.memory_space<vmem>> -> memref<1x128xi32, #tpu.memory_space<vmem>>
      %dma_start3A_100 = tpu.memref_squeeze %dma_start3A_99 : memref<1x128xi32, #tpu.memory_space<vmem>> -> memref<128xi32, #tpu.memory_space<vmem>>
      %dma_start3A_101 = tpu.memref_slice %arg7[%add3A_69] : memref<16384xi32, #tpu.memory_space<hbm>> -> memref<128xi32, #tpu.memory_space<hbm>>
      tpu.enqueue_dma source(%dma_start3A_101 : memref<128xi32, #tpu.memory_space<hbm>>) target(%dma_start3A_100 : memref<128xi32, #tpu.memory_space<vmem>>) target_semaphore(%run_scoped3A_94 : memref<!tpu.dma_semaphore, #tpu.memory_space<semaphore_mem>>)
      %dma_wait3A = arith.constant 0 : i32
      %dma_wait3A_102 = tpu.memref_slice %arg18[%run_scoped3A_70, %dma_wait3A] : memref<4x128xi32, #tpu.memory_space<vmem>> -> memref<1x128xi32, #tpu.memory_space<vmem>>
      %dma_wait3A_103 = tpu.memref_squeeze %dma_wait3A_102 : memref<1x128xi32, #tpu.memory_space<vmem>> -> memref<128xi32, #tpu.memory_space<vmem>>
      %dma_wait3A_104 = tpu.memref_slice %arg7[%add3A_69] : memref<16384xi32, #tpu.memory_space<hbm>> -> memref<128xi32, #tpu.memory_space<hbm>>
      %dma_wait3A_105 = arith.constant 0 : i32
      %dma_wait3A_106 = tpu.memref_slice %arg18[%run_scoped3A_70, %dma_wait3A_105] : memref<4x128xi32, #tpu.memory_space<vmem>> -> memref<1x128xi32, #tpu.memory_space<vmem>>
      %dma_wait3A_107 = tpu.memref_squeeze %dma_wait3A_106 : memref<1x128xi32, #tpu.memory_space<vmem>> -> memref<128xi32, #tpu.memory_space<vmem>>
      %dma_wait3A_108 = tpu.memref_slice %arg7[%add3A_69] : memref<16384xi32, #tpu.memory_space<hbm>> -> memref<128xi32, #tpu.memory_space<hbm>>
      tpu.wait_dma2 semaphore(%run_scoped3A_94 : memref<!tpu.dma_semaphore, #tpu.memory_space<semaphore_mem>>) src(%dma_wait3A_108 : memref<128xi32, #tpu.memory_space<hbm>>) dst(%dma_wait3A_107 : memref<128xi32, #tpu.memory_space<vmem>>)
      tpu.yield
    }) : () -> ()
    %add3A_71 = arith.constant 128 : i32
    %add3A_72 = arith.addi %mul3A_2, %add3A_71 : i32
    %run_scoped3A_73 = arith.constant 1 : i32
    "tpu.region"() ({
      %run_scoped3A_94 = tpu.sem_alloc : memref<!tpu.dma_semaphore, #tpu.memory_space<semaphore_mem>>
      %dma_start3A = arith.constant 0 : i32
      %dma_start3A_95 = tpu.memref_slice %arg18[%run_scoped3A_73, %dma_start3A] : memref<4x128xi32, #tpu.memory_space<vmem>> -> memref<1x128xi32, #tpu.memory_space<vmem>>
      %dma_start3A_96 = tpu.memref_squeeze %dma_start3A_95 : memref<1x128xi32, #tpu.memory_space<vmem>> -> memref<128xi32, #tpu.memory_space<vmem>>
      %dma_start3A_97 = tpu.memref_slice %arg7[%add3A_72] : memref<16384xi32, #tpu.memory_space<hbm>> -> memref<128xi32, #tpu.memory_space<hbm>>
      %dma_start3A_98 = arith.constant 0 : i32
      %dma_start3A_99 = tpu.memref_slice %arg18[%run_scoped3A_73, %dma_start3A_98] : memref<4x128xi32, #tpu.memory_space<vmem>> -> memref<1x128xi32, #tpu.memory_space<vmem>>
      %dma_start3A_100 = tpu.memref_squeeze %dma_start3A_99 : memref<1x128xi32, #tpu.memory_space<vmem>> -> memref<128xi32, #tpu.memory_space<vmem>>
      %dma_start3A_101 = tpu.memref_slice %arg7[%add3A_72] : memref<16384xi32, #tpu.memory_space<hbm>> -> memref<128xi32, #tpu.memory_space<hbm>>
      tpu.enqueue_dma source(%dma_start3A_101 : memref<128xi32, #tpu.memory_space<hbm>>) target(%dma_start3A_100 : memref<128xi32, #tpu.memory_space<vmem>>) target_semaphore(%run_scoped3A_94 : memref<!tpu.dma_semaphore, #tpu.memory_space<semaphore_mem>>)
      %dma_wait3A = arith.constant 0 : i32
      %dma_wait3A_102 = tpu.memref_slice %arg18[%run_scoped3A_73, %dma_wait3A] : memref<4x128xi32, #tpu.memory_space<vmem>> -> memref<1x128xi32, #tpu.memory_space<vmem>>
      %dma_wait3A_103 = tpu.memref_squeeze %dma_wait3A_102 : memref<1x128xi32, #tpu.memory_space<vmem>> -> memref<128xi32, #tpu.memory_space<vmem>>
      %dma_wait3A_104 = tpu.memref_slice %arg7[%add3A_72] : memref<16384xi32, #tpu.memory_space<hbm>> -> memref<128xi32, #tpu.memory_space<hbm>>
      %dma_wait3A_105 = arith.constant 0 : i32
      %dma_wait3A_106 = tpu.memref_slice %arg18[%run_scoped3A_73, %dma_wait3A_105] : memref<4x128xi32, #tpu.memory_space<vmem>> -> memref<1x128xi32, #tpu.memory_space<vmem>>
      %dma_wait3A_107 = tpu.memref_squeeze %dma_wait3A_106 : memref<1x128xi32, #tpu.memory_space<vmem>> -> memref<128xi32, #tpu.memory_space<vmem>>
      %dma_wait3A_108 = tpu.memref_slice %arg7[%add3A_72] : memref<16384xi32, #tpu.memory_space<hbm>> -> memref<128xi32, #tpu.memory_space<hbm>>
      tpu.wait_dma2 semaphore(%run_scoped3A_94 : memref<!tpu.dma_semaphore, #tpu.memory_space<semaphore_mem>>) src(%dma_wait3A_108 : memref<128xi32, #tpu.memory_space<hbm>>) dst(%dma_wait3A_107 : memref<128xi32, #tpu.memory_space<vmem>>)
      tpu.yield
    }) : () -> ()
    %add3A_74 = arith.constant 256 : i32
    %add3A_75 = arith.addi %mul3A_2, %add3A_74 : i32
    %run_scoped3A_76 = arith.constant 2 : i32
    "tpu.region"() ({
      %run_scoped3A_94 = tpu.sem_alloc : memref<!tpu.dma_semaphore, #tpu.memory_space<semaphore_mem>>
      %dma_start3A = arith.constant 0 : i32
      %dma_start3A_95 = tpu.memref_slice %arg18[%run_scoped3A_76, %dma_start3A] : memref<4x128xi32, #tpu.memory_space<vmem>> -> memref<1x128xi32, #tpu.memory_space<vmem>>
      %dma_start3A_96 = tpu.memref_squeeze %dma_start3A_95 : memref<1x128xi32, #tpu.memory_space<vmem>> -> memref<128xi32, #tpu.memory_space<vmem>>
      %dma_start3A_97 = tpu.memref_slice %arg7[%add3A_75] : memref<16384xi32, #tpu.memory_space<hbm>> -> memref<128xi32, #tpu.memory_space<hbm>>
      %dma_start3A_98 = arith.constant 0 : i32
      %dma_start3A_99 = tpu.memref_slice %arg18[%run_scoped3A_76, %dma_start3A_98] : memref<4x128xi32, #tpu.memory_space<vmem>> -> memref<1x128xi32, #tpu.memory_space<vmem>>
      %dma_start3A_100 = tpu.memref_squeeze %dma_start3A_99 : memref<1x128xi32, #tpu.memory_space<vmem>> -> memref<128xi32, #tpu.memory_space<vmem>>
      %dma_start3A_101 = tpu.memref_slice %arg7[%add3A_75] : memref<16384xi32, #tpu.memory_space<hbm>> -> memref<128xi32, #tpu.memory_space<hbm>>
      tpu.enqueue_dma source(%dma_start3A_101 : memref<128xi32, #tpu.memory_space<hbm>>) target(%dma_start3A_100 : memref<128xi32, #tpu.memory_space<vmem>>) target_semaphore(%run_scoped3A_94 : memref<!tpu.dma_semaphore, #tpu.memory_space<semaphore_mem>>)
      %dma_wait3A = arith.constant 0 : i32
      %dma_wait3A_102 = tpu.memref_slice %arg18[%run_scoped3A_76, %dma_wait3A] : memref<4x128xi32, #tpu.memory_space<vmem>> -> memref<1x128xi32, #tpu.memory_space<vmem>>
      %dma_wait3A_103 = tpu.memref_squeeze %dma_wait3A_102 : memref<1x128xi32, #tpu.memory_space<vmem>> -> memref<128xi32, #tpu.memory_space<vmem>>
      %dma_wait3A_104 = tpu.memref_slice %arg7[%add3A_75] : memref<16384xi32, #tpu.memory_space<hbm>> -> memref<128xi32, #tpu.memory_space<hbm>>
      %dma_wait3A_105 = arith.constant 0 : i32
      %dma_wait3A_106 = tpu.memref_slice %arg18[%run_scoped3A_76, %dma_wait3A_105] : memref<4x128xi32, #tpu.memory_space<vmem>> -> memref<1x128xi32, #tpu.memory_space<vmem>>
      %dma_wait3A_107 = tpu.memref_squeeze %dma_wait3A_106 : memref<1x128xi32, #tpu.memory_space<vmem>> -> memref<128xi32, #tpu.memory_space<vmem>>
      %dma_wait3A_108 = tpu.memref_slice %arg7[%add3A_75] : memref<16384xi32, #tpu.memory_space<hbm>> -> memref<128xi32, #tpu.memory_space<hbm>>
      tpu.wait_dma2 semaphore(%run_scoped3A_94 : memref<!tpu.dma_semaphore, #tpu.memory_space<semaphore_mem>>) src(%dma_wait3A_108 : memref<128xi32, #tpu.memory_space<hbm>>) dst(%dma_wait3A_107 : memref<128xi32, #tpu.memory_space<vmem>>)
      tpu.yield
    }) : () -> ()
    %add3A_77 = arith.constant 384 : i32
    %add3A_78 = arith.addi %mul3A_2, %add3A_77 : i32
    %run_scoped3A_79 = arith.constant 3 : i32
    "tpu.region"() ({
      %run_scoped3A_94 = tpu.sem_alloc : memref<!tpu.dma_semaphore, #tpu.memory_space<semaphore_mem>>
      %dma_start3A = arith.constant 0 : i32
      %dma_start3A_95 = tpu.memref_slice %arg18[%run_scoped3A_79, %dma_start3A] : memref<4x128xi32, #tpu.memory_space<vmem>> -> memref<1x128xi32, #tpu.memory_space<vmem>>
      %dma_start3A_96 = tpu.memref_squeeze %dma_start3A_95 : memref<1x128xi32, #tpu.memory_space<vmem>> -> memref<128xi32, #tpu.memory_space<vmem>>
      %dma_start3A_97 = tpu.memref_slice %arg7[%add3A_78] : memref<16384xi32, #tpu.memory_space<hbm>> -> memref<128xi32, #tpu.memory_space<hbm>>
      %dma_start3A_98 = arith.constant 0 : i32
      %dma_start3A_99 = tpu.memref_slice %arg18[%run_scoped3A_79, %dma_start3A_98] : memref<4x128xi32, #tpu.memory_space<vmem>> -> memref<1x128xi32, #tpu.memory_space<vmem>>
      %dma_start3A_100 = tpu.memref_squeeze %dma_start3A_99 : memref<1x128xi32, #tpu.memory_space<vmem>> -> memref<128xi32, #tpu.memory_space<vmem>>
      %dma_start3A_101 = tpu.memref_slice %arg7[%add3A_78] : memref<16384xi32, #tpu.memory_space<hbm>> -> memref<128xi32, #tpu.memory_space<hbm>>
      tpu.enqueue_dma source(%dma_start3A_101 : memref<128xi32, #tpu.memory_space<hbm>>) target(%dma_start3A_100 : memref<128xi32, #tpu.memory_space<vmem>>) target_semaphore(%run_scoped3A_94 : memref<!tpu.dma_semaphore, #tpu.memory_space<semaphore_mem>>)
      %dma_wait3A = arith.constant 0 : i32
      %dma_wait3A_102 = tpu.memref_slice %arg18[%run_scoped3A_79, %dma_wait3A] : memref<4x128xi32, #tpu.memory_space<vmem>> -> memref<1x128xi32, #tpu.memory_space<vmem>>
      %dma_wait3A_103 = tpu.memref_squeeze %dma_wait3A_102 : memref<1x128xi32, #tpu.memory_space<vmem>> -> memref<128xi32, #tpu.memory_space<vmem>>
      %dma_wait3A_104 = tpu.memref_slice %arg7[%add3A_78] : memref<16384xi32, #tpu.memory_space<hbm>> -> memref<128xi32, #tpu.memory_space<hbm>>
      %dma_wait3A_105 = arith.constant 0 : i32
      %dma_wait3A_106 = tpu.memref_slice %arg18[%run_scoped3A_79, %dma_wait3A_105] : memref<4x128xi32, #tpu.memory_space<vmem>> -> memref<1x128xi32, #tpu.memory_space<vmem>>
      %dma_wait3A_107 = tpu.memref_squeeze %dma_wait3A_106 : memref<1x128xi32, #tpu.memory_space<vmem>> -> memref<128xi32, #tpu.memory_space<vmem>>
      %dma_wait3A_108 = tpu.memref_slice %arg7[%add3A_78] : memref<16384xi32, #tpu.memory_space<hbm>> -> memref<128xi32, #tpu.memory_space<hbm>>
      tpu.wait_dma2 semaphore(%run_scoped3A_94 : memref<!tpu.dma_semaphore, #tpu.memory_space<semaphore_mem>>) src(%dma_wait3A_108 : memref<128xi32, #tpu.memory_space<hbm>>) dst(%dma_wait3A_107 : memref<128xi32, #tpu.memory_space<vmem>>)
      tpu.yield
    }) : () -> ()
    "tpu.region"() ({
      %run_scoped3A_94 = tpu.sem_alloc : memref<!tpu.dma_semaphore, #tpu.memory_space<semaphore_mem>>
      %dma_start3A = arith.constant 0 : i32
      %dma_start3A_95 = tpu.memref_slice %arg17[%dma_start3A] : memref<528xi32, #tpu.memory_space<vmem>> -> memref<512xi32, #tpu.memory_space<vmem>>
      %dma_start3A_96 = tpu.memref_slice %arg8[%mul3A_2] : memref<16384xi32, #tpu.memory_space<hbm>> -> memref<512xi32, #tpu.memory_space<hbm>>
      %dma_start3A_97 = arith.constant 0 : i32
      %dma_start3A_98 = tpu.memref_slice %arg17[%dma_start3A_97] : memref<528xi32, #tpu.memory_space<vmem>> -> memref<512xi32, #tpu.memory_space<vmem>>
      %dma_start3A_99 = tpu.memref_slice %arg8[%mul3A_2] : memref<16384xi32, #tpu.memory_space<hbm>> -> memref<512xi32, #tpu.memory_space<hbm>>
      tpu.enqueue_dma source(%dma_start3A_99 : memref<512xi32, #tpu.memory_space<hbm>>) target(%dma_start3A_98 : memref<512xi32, #tpu.memory_space<vmem>>) target_semaphore(%run_scoped3A_94 : memref<!tpu.dma_semaphore, #tpu.memory_space<semaphore_mem>>)
      %dma_wait3A = arith.constant 0 : i32
      %dma_wait3A_100 = tpu.memref_slice %arg17[%dma_wait3A] : memref<528xi32, #tpu.memory_space<vmem>> -> memref<512xi32, #tpu.memory_space<vmem>>
      %dma_wait3A_101 = tpu.memref_slice %arg8[%mul3A_2] : memref<16384xi32, #tpu.memory_space<hbm>> -> memref<512xi32, #tpu.memory_space<hbm>>
      %dma_wait3A_102 = arith.constant 0 : i32
      %dma_wait3A_103 = tpu.memref_slice %arg17[%dma_wait3A_102] : memref<528xi32, #tpu.memory_space<vmem>> -> memref<512xi32, #tpu.memory_space<vmem>>
      %dma_wait3A_104 = tpu.memref_slice %arg8[%mul3A_2] : memref<16384xi32, #tpu.memory_space<hbm>> -> memref<512xi32, #tpu.memory_space<hbm>>
      tpu.wait_dma2 semaphore(%run_scoped3A_94 : memref<!tpu.dma_semaphore, #tpu.memory_space<semaphore_mem>>) src(%dma_wait3A_104 : memref<512xi32, #tpu.memory_space<hbm>>) dst(%dma_wait3A_103 : memref<512xi32, #tpu.memory_space<vmem>>)
      tpu.yield
    }) : () -> ()
    %scan3A_80 = arith.constant 0 : i32
    %scan3A_81 = arith.constant 0 : i32
    %scan3A_82 = arith.constant 6 : i32
    %scan3A_83 = arith.addi %scan3A_81, %scan3A_82 : i32
    %scan3A_84 = arith.constant 1 : i32
    %scan3A_85 = scf.for %scan3A_94 = %scan3A_81 to %scan3A_83 step %scan3A_84 iter_args(%scan3A_95 = %scan3A_80) -> (i32)  : i32 {
      %eq3A = arith.constant 0 : i32
      %eq3A_96 = arith.cmpi eq, %scan3A_94, %eq3A : i32
      %get3A = arith.index_cast %scan3A_94 : i32 to index
      %get3A_97 = tpu.vector_load %arg16[%get3A] {strides = array<i32>} : memref<528xi32, #tpu.memory_space<vmem>>, vector<16xi32>,
      %slice3A = vector.extract_strided_slice %get3A_97 {offsets = [0], sizes = [1], strides = [1]} : vector<16xi32> to vector<1xi32>
      %squeeze3A = vector.extract %slice3A[0] : i32 from vector<1xi32>
      %jit3A = arith.constant 128 : i32
      %div3A = arith.divsi %squeeze3A, %jit3A : i32
      %sign3A = arith.constant 0 : i32
      %sign3A_98 = arith.cmpi sgt, %squeeze3A, %sign3A : i32
      %sign3A_99 = arith.extui %sign3A_98 : i1 to i32
      %sign3A_100 = arith.constant 0 : i32
      %sign3A_101 = arith.cmpi slt, %squeeze3A, %sign3A_100 : i32
      %sign3A_102 = arith.extui %sign3A_101 : i1 to i32
      %sign3A_103 = arith.subi %sign3A_99, %sign3A_102 : i32
      %sign3A_104 = arith.constant 0 : i32
      %sign3A_105 = arith.cmpi sgt, %jit3A, %sign3A_104 : i32
      %sign3A_106 = arith.extui %sign3A_105 : i1 to i32
      %sign3A_107 = arith.constant 0 : i32
      %sign3A_108 = arith.cmpi slt, %jit3A, %sign3A_107 : i32
      %sign3A_109 = arith.extui %sign3A_108 : i1 to i32
      %sign3A_110 = arith.subi %sign3A_106, %sign3A_109 : i32
      %ne3A = arith.cmpi ne, %sign3A_103, %sign3A_110 : i32
      %rem3A = arith.remsi %squeeze3A, %jit3A : i32
      %ne3A_111 = arith.constant 0 : i32
      %ne3A_112 = arith.cmpi ne, %rem3A, %ne3A_111 : i32
      %and3A = arith.andi %ne3A, %ne3A_112 : i1
      %sub3A = arith.constant 1 : i32
      %sub3A_113 = arith.subi %div3A, %sub3A : i32
      %select_n3A = arith.select %and3A, %sub3A_113, %div3A : i32
      %sub3A_114 = arith.constant 1 : i32
      %sub3A_115 = arith.subi %scan3A_94, %sub3A_114 : i32
      %max3A = arith.constant 0 : i32
      %max3A_116 = arith.maxsi %sub3A_115, %max3A : i32
      %get3A_117 = arith.index_cast %max3A_116 : i32 to index
      %get3A_118 = tpu.vector_load %arg16[%get3A_117] {strides = array<i32>} : memref<528xi32, #tpu.memory_space<vmem>>, vector<16xi32>,
      %slice3A_119 = vector.extract_strided_slice %get3A_118 {offsets = [0], sizes = [1], strides = [1]} : vector<16xi32> to vector<1xi32>
      %squeeze3A_120 = vector.extract %slice3A_119[0] : i32 from vector<1xi32>
      %jit3A_121 = arith.constant 128 : i32
      %div3A_122 = arith.divsi %squeeze3A_120, %jit3A_121 : i32
      %sign3A_123 = arith.constant 0 : i32
      %sign3A_124 = arith.cmpi sgt, %squeeze3A_120, %sign3A_123 : i32
      %sign3A_125 = arith.extui %sign3A_124 : i1 to i32
      %sign3A_126 = arith.constant 0 : i32
      %sign3A_127 = arith.cmpi slt, %squeeze3A_120, %sign3A_126 : i32
      %sign3A_128 = arith.extui %sign3A_127 : i1 to i32
      %sign3A_129 = arith.subi %sign3A_125, %sign3A_128 : i32
      %sign3A_130 = arith.constant 0 : i32
      %sign3A_131 = arith.cmpi sgt, %jit3A_121, %sign3A_130 : i32
      %sign3A_132 = arith.extui %sign3A_131 : i1 to i32
      %sign3A_133 = arith.constant 0 : i32
      %sign3A_134 = arith.cmpi slt, %jit3A_121, %sign3A_133 : i32
      %sign3A_135 = arith.extui %sign3A_134 : i1 to i32
      %sign3A_136 = arith.subi %sign3A_132, %sign3A_135 : i32
      %ne3A_137 = arith.cmpi ne, %sign3A_129, %sign3A_136 : i32
      %rem3A_138 = arith.remsi %squeeze3A_120, %jit3A_121 : i32
      %ne3A_139 = arith.constant 0 : i32
      %ne3A_140 = arith.cmpi ne, %rem3A_138, %ne3A_139 : i32
      %and3A_141 = arith.andi %ne3A_137, %ne3A_140 : i1
      %sub3A_142 = arith.constant 1 : i32
      %sub3A_143 = arith.subi %div3A_122, %sub3A_142 : i32
      %select_n3A_144 = arith.select %and3A_141, %sub3A_143, %div3A_122 : i32
      %ne3A_145 = arith.cmpi ne, %select_n3A, %select_n3A_144 : i32
      %jit3A_146 = arith.constant true
      %select_n3A_147 = arith.select %eq3A_96, %jit3A_146, %ne3A_145 : i1
      %convert_element_type3A = arith.extui %select_n3A_147 : i1 to i32
      %cond3A = arith.constant 0 : i32
      %cond3A_148 = arith.cmpi ne, %convert_element_type3A, %cond3A : i32
      scf.if %cond3A_148 {
        %get3A_216 = arith.index_cast %scan3A_94 : i32 to index
        %get3A_217 = tpu.vector_load %arg16[%get3A_216] {strides = array<i32>} : memref<528xi32, #tpu.memory_space<vmem>>, vector<16xi32>,
        %slice3A_218 = vector.extract_strided_slice %get3A_217 {offsets = [0], sizes = [1], strides = [1]} : vector<16xi32> to vector<1xi32>
        %squeeze3A_219 = vector.extract %slice3A_218[0] : i32 from vector<1xi32>
        %jit3A_220 = arith.constant 128 : i32
        %div3A_221 = arith.divsi %squeeze3A_219, %jit3A_220 : i32
        %sign3A_222 = arith.constant 0 : i32
        %sign3A_223 = arith.cmpi sgt, %squeeze3A_219, %sign3A_222 : i32
        %sign3A_224 = arith.extui %sign3A_223 : i1 to i32
        %sign3A_225 = arith.constant 0 : i32
        %sign3A_226 = arith.cmpi slt, %squeeze3A_219, %sign3A_225 : i32
        %sign3A_227 = arith.extui %sign3A_226 : i1 to i32
        %sign3A_228 = arith.subi %sign3A_224, %sign3A_227 : i32
        %sign3A_229 = arith.constant 0 : i32
        %sign3A_230 = arith.cmpi sgt, %jit3A_220, %sign3A_229 : i32
        %sign3A_231 = arith.extui %sign3A_230 : i1 to i32
        %sign3A_232 = arith.constant 0 : i32
        %sign3A_233 = arith.cmpi slt, %jit3A_220, %sign3A_232 : i32
        %sign3A_234 = arith.extui %sign3A_233 : i1 to i32
        %sign3A_235 = arith.subi %sign3A_231, %sign3A_234 : i32
        %ne3A_236 = arith.cmpi ne, %sign3A_228, %sign3A_235 : i32
        %rem3A_237 = arith.remsi %squeeze3A_219, %jit3A_220 : i32
        %ne3A_238 = arith.constant 0 : i32
        %ne3A_239 = arith.cmpi ne, %rem3A_237, %ne3A_238 : i32
        %and3A_240 = arith.andi %ne3A_236, %ne3A_239 : i1
        %sub3A_241 = arith.constant 1 : i32
        %sub3A_242 = arith.subi %div3A_221, %sub3A_241 : i32
        %select_n3A_243 = arith.select %and3A_240, %sub3A_242, %div3A_221 : i32
        %mul3A_244 = arith.constant 128 : i32
        %mul3A_245 = arith.muli %select_n3A_243, %mul3A_244 : i32
        %rem3A_246 = arith.constant 8 : i32
        %rem3A_247 = arith.remsi %scan3A_95, %rem3A_246 : i32
        %dma_start3A = arith.constant 0 : i32
        %dma_start3A_248 = arith.constant 0 : i32
        %dma_start3A_249 = tpu.memref_slice %arg19[%rem3A_247, %dma_start3A, %dma_start3A_248] : memref<8x64x128xf32, #tpu.memory_space<vmem>> -> memref<1x64x128xf32, #tpu.memory_space<vmem>>
        %dma_start3A_250 = tpu.memref_squeeze %dma_start3A_249 : memref<1x64x128xf32, #tpu.memory_space<vmem>> -> memref<64x128xf32, #tpu.memory_space<vmem>>
        %dma_start3A_251 = arith.constant 0 : i32
        %dma_start3A_252 = tpu.memref_slice %arg11[%dma_start3A_251, %mul3A_245] : memref<64x100000xf32, #tpu.memory_space<hbm>> -> memref<64x128xf32, #tpu.memory_space<hbm>>
        %dma_start3A_253 = arith.constant 0 : i32
        %dma_start3A_254 = arith.constant 0 : i32
        %dma_start3A_255 = tpu.memref_slice %arg19[%rem3A_247, %dma_start3A_253, %dma_start3A_254] : memref<8x64x128xf32, #tpu.memory_space<vmem>> -> memref<1x64x128xf32, #tpu.memory_space<vmem>>
        %dma_start3A_256 = tpu.memref_squeeze %dma_start3A_255 : memref<1x64x128xf32, #tpu.memory_space<vmem>> -> memref<64x128xf32, #tpu.memory_space<vmem>>
        %dma_start3A_257 = arith.constant 0 : i32
        %dma_start3A_258 = tpu.memref_slice %arg11[%dma_start3A_257, %mul3A_245] : memref<64x100000xf32, #tpu.memory_space<hbm>> -> memref<64x128xf32, #tpu.memory_space<hbm>>
        tpu.enqueue_dma source(%dma_start3A_258 : memref<64x128xf32, #tpu.memory_space<hbm>>) target(%dma_start3A_256 : memref<64x128xf32, #tpu.memory_space<vmem>>) target_semaphore(%arg22 : memref<!tpu.dma_semaphore, #tpu.memory_space<semaphore_mem>>)
      } else {
      }
      %eq3A_149 = arith.constant 0 : i32
      %eq3A_150 = arith.cmpi eq, %scan3A_94, %eq3A_149 : i32
      %get3A_151 = arith.index_cast %scan3A_94 : i32 to index
      %get3A_152 = tpu.vector_load %arg16[%get3A_151] {strides = array<i32>} : memref<528xi32, #tpu.memory_space<vmem>>, vector<16xi32>,
      %slice3A_153 = vector.extract_strided_slice %get3A_152 {offsets = [0], sizes = [1], strides = [1]} : vector<16xi32> to vector<1xi32>
      %squeeze3A_154 = vector.extract %slice3A_153[0] : i32 from vector<1xi32>
      %jit3A_155 = arith.constant 128 : i32
      %div3A_156 = arith.divsi %squeeze3A_154, %jit3A_155 : i32
      %sign3A_157 = arith.constant 0 : i32
      %sign3A_158 = arith.cmpi sgt, %squeeze3A_154, %sign3A_157 : i32
      %sign3A_159 = arith.extui %sign3A_158 : i1 to i32
      %sign3A_160 = arith.constant 0 : i32
      %sign3A_161 = arith.cmpi slt, %squeeze3A_154, %sign3A_160 : i32
      %sign3A_162 = arith.extui %sign3A_161 : i1 to i32
      %sign3A_163 = arith.subi %sign3A_159, %sign3A_162 : i32
      %sign3A_164 = arith.constant 0 : i32
      %sign3A_165 = arith.cmpi sgt, %jit3A_155, %sign3A_164 : i32
      %sign3A_166 = arith.extui %sign3A_165 : i1 to i32
      %sign3A_167 = arith.constant 0 : i32
      %sign3A_168 = arith.cmpi slt, %jit3A_155, %sign3A_167 : i32
      %sign3A_169 = arith.extui %sign3A_168 : i1 to i32
      %sign3A_170 = arith.subi %sign3A_166, %sign3A_169 : i32
      %ne3A_171 = arith.cmpi ne, %sign3A_163, %sign3A_170 : i32
      %rem3A_172 = arith.remsi %squeeze3A_154, %jit3A_155 : i32
      %ne3A_173 = arith.constant 0 : i32
      %ne3A_174 = arith.cmpi ne, %rem3A_172, %ne3A_173 : i32
      %and3A_175 = arith.andi %ne3A_171, %ne3A_174 : i1
      %sub3A_176 = arith.constant 1 : i32
      %sub3A_177 = arith.subi %div3A_156, %sub3A_176 : i32
      %select_n3A_178 = arith.select %and3A_175, %sub3A_177, %div3A_156 : i32
      %sub3A_179 = arith.constant 1 : i32
      %sub3A_180 = arith.subi %scan3A_94, %sub3A_179 : i32
      %max3A_181 = arith.constant 0 : i32
      %max3A_182 = arith.maxsi %sub3A_180, %max3A_181 : i32
      %get3A_183 = arith.index_cast %max3A_182 : i32 to index
      %get3A_184 = tpu.vector_load %arg16[%get3A_183] {strides = array<i32>} : memref<528xi32, #tpu.memory_space<vmem>>, vector<16xi32>,
      %slice3A_185 = vector.extract_strided_slice %get3A_184 {offsets = [0], sizes = [1], strides = [1]} : vector<16xi32> to vector<1xi32>
      %squeeze3A_186 = vector.extract %slice3A_185[0] : i32 from vector<1xi32>
      %jit3A_187 = arith.constant 128 : i32
      %div3A_188 = arith.divsi %squeeze3A_186, %jit3A_187 : i32
      %sign3A_189 = arith.constant 0 : i32
      %sign3A_190 = arith.cmpi sgt, %squeeze3A_186, %sign3A_189 : i32
      %sign3A_191 = arith.extui %sign3A_190 : i1 to i32
      %sign3A_192 = arith.constant 0 : i32
      %sign3A_193 = arith.cmpi slt, %squeeze3A_186, %sign3A_192 : i32
      %sign3A_194 = arith.extui %sign3A_193 : i1 to i32
      %sign3A_195 = arith.subi %sign3A_191, %sign3A_194 : i32
      %sign3A_196 = arith.constant 0 : i32
      %sign3A_197 = arith.cmpi sgt, %jit3A_187, %sign3A_196 : i32
      %sign3A_198 = arith.extui %sign3A_197 : i1 to i32
      %sign3A_199 = arith.constant 0 : i32
      %sign3A_200 = arith.cmpi slt, %jit3A_187, %sign3A_199 : i32
      %sign3A_201 = arith.extui %sign3A_200 : i1 to i32
      %sign3A_202 = arith.subi %sign3A_198, %sign3A_201 : i32
      %ne3A_203 = arith.cmpi ne, %sign3A_195, %sign3A_202 : i32
      %rem3A_204 = arith.remsi %squeeze3A_186, %jit3A_187 : i32
      %ne3A_205 = arith.constant 0 : i32
      %ne3A_206 = arith.cmpi ne, %rem3A_204, %ne3A_205 : i32
      %and3A_207 = arith.andi %ne3A_203, %ne3A_206 : i1
      %sub3A_208 = arith.constant 1 : i32
      %sub3A_209 = arith.subi %div3A_188, %sub3A_208 : i32
      %select_n3A_210 = arith.select %and3A_207, %sub3A_209, %div3A_188 : i32
      %ne3A_211 = arith.cmpi ne, %select_n3A_178, %select_n3A_210 : i32
      %jit3A_212 = arith.constant true
      %select_n3A_213 = arith.select %eq3A_150, %jit3A_212, %ne3A_211 : i1
      %convert_element_type3A_214 = arith.extui %select_n3A_213 : i1 to i32
      %add3A_215 = arith.addi %scan3A_95, %convert_element_type3A_214 : i32
      scf.yield %add3A_215 : i32
    }
    %scan3A_86 = arith.constant 6 : i32
    %scan3A_87 = arith.constant 0 : i32
    %scan3A_88 = arith.constant 0 : i32
    %scan3A_89 = arith.constant 512 : i32
    %scan3A_90 = arith.addi %scan3A_88, %scan3A_89 : i32
    %scan3A_91 = arith.constant 1 : i32
    %scan3A_92:2 = scf.for %scan3A_94 = %scan3A_88 to %scan3A_90 step %scan3A_91 iter_args(%scan3A_95 = %scan3A_85, %scan3A_96 = %scan3A_87) -> (i32, i32)  : i32 {
      %add3A_97 = arith.constant 6 : i32
      %add3A_98 = arith.addi %scan3A_94, %add3A_97 : i32
      %lt3A = arith.constant 512 : i32
      %lt3A_99 = arith.cmpi slt, %add3A_98, %lt3A : i32
      %add3A_100 = arith.constant 6 : i32
      %add3A_101 = arith.addi %scan3A_94, %add3A_100 : i32
      %eq3A = arith.constant 0 : i32
      %eq3A_102 = arith.cmpi eq, %add3A_101, %eq3A : i32
      %get3A = arith.index_cast %add3A_101 : i32 to index
      %get3A_103 = tpu.vector_load %arg16[%get3A] {strides = array<i32>} : memref<528xi32, #tpu.memory_space<vmem>>, vector<16xi32>,
      %slice3A = vector.extract_strided_slice %get3A_103 {offsets = [0], sizes = [1], strides = [1]} : vector<16xi32> to vector<1xi32>
      %squeeze3A = vector.extract %slice3A[0] : i32 from vector<1xi32>
      %jit3A = arith.constant 128 : i32
      %div3A = arith.divsi %squeeze3A, %jit3A : i32
      %sign3A = arith.constant 0 : i32
      %sign3A_104 = arith.cmpi sgt, %squeeze3A, %sign3A : i32
      %sign3A_105 = arith.extui %sign3A_104 : i1 to i32
      %sign3A_106 = arith.constant 0 : i32
      %sign3A_107 = arith.cmpi slt, %squeeze3A, %sign3A_106 : i32
      %sign3A_108 = arith.extui %sign3A_107 : i1 to i32
      %sign3A_109 = arith.subi %sign3A_105, %sign3A_108 : i32
      %sign3A_110 = arith.constant 0 : i32
      %sign3A_111 = arith.cmpi sgt, %jit3A, %sign3A_110 : i32
      %sign3A_112 = arith.extui %sign3A_111 : i1 to i32
      %sign3A_113 = arith.constant 0 : i32
      %sign3A_114 = arith.cmpi slt, %jit3A, %sign3A_113 : i32
      %sign3A_115 = arith.extui %sign3A_114 : i1 to i32
      %sign3A_116 = arith.subi %sign3A_112, %sign3A_115 : i32
      %ne3A = arith.cmpi ne, %sign3A_109, %sign3A_116 : i32
      %rem3A = arith.remsi %squeeze3A, %jit3A : i32
      %ne3A_117 = arith.constant 0 : i32
      %ne3A_118 = arith.cmpi ne, %rem3A, %ne3A_117 : i32
      %and3A = arith.andi %ne3A, %ne3A_118 : i1
      %sub3A = arith.constant 1 : i32
      %sub3A_119 = arith.subi %div3A, %sub3A : i32
      %select_n3A = arith.select %and3A, %sub3A_119, %div3A : i32
      %sub3A_120 = arith.constant 1 : i32
      %sub3A_121 = arith.subi %add3A_101, %sub3A_120 : i32
      %max3A = arith.constant 0 : i32
      %max3A_122 = arith.maxsi %sub3A_121, %max3A : i32
      %get3A_123 = arith.index_cast %max3A_122 : i32 to index
      %get3A_124 = tpu.vector_load %arg16[%get3A_123] {strides = array<i32>} : memref<528xi32, #tpu.memory_space<vmem>>, vector<16xi32>,
      %slice3A_125 = vector.extract_strided_slice %get3A_124 {offsets = [0], sizes = [1], strides = [1]} : vector<16xi32> to vector<1xi32>
      %squeeze3A_126 = vector.extract %slice3A_125[0] : i32 from vector<1xi32>
      %jit3A_127 = arith.constant 128 : i32
      %div3A_128 = arith.divsi %squeeze3A_126, %jit3A_127 : i32
      %sign3A_129 = arith.constant 0 : i32
      %sign3A_130 = arith.cmpi sgt, %squeeze3A_126, %sign3A_129 : i32
      %sign3A_131 = arith.extui %sign3A_130 : i1 to i32
      %sign3A_132 = arith.constant 0 : i32
      %sign3A_133 = arith.cmpi slt, %squeeze3A_126, %sign3A_132 : i32
      %sign3A_134 = arith.extui %sign3A_133 : i1 to i32
      %sign3A_135 = arith.subi %sign3A_131, %sign3A_134 : i32
      %sign3A_136 = arith.constant 0 : i32
      %sign3A_137 = arith.cmpi sgt, %jit3A_127, %sign3A_136 : i32
      %sign3A_138 = arith.extui %sign3A_137 : i1 to i32
      %sign3A_139 = arith.constant 0 : i32
      %sign3A_140 = arith.cmpi slt, %jit3A_127, %sign3A_139 : i32
      %sign3A_141 = arith.extui %sign3A_140 : i1 to i32
      %sign3A_142 = arith.subi %sign3A_138, %sign3A_141 : i32
      %ne3A_143 = arith.cmpi ne, %sign3A_135, %sign3A_142 : i32
      %rem3A_144 = arith.remsi %squeeze3A_126, %jit3A_127 : i32
      %ne3A_145 = arith.constant 0 : i32
      %ne3A_146 = arith.cmpi ne, %rem3A_144, %ne3A_145 : i32
      %and3A_147 = arith.andi %ne3A_143, %ne3A_146 : i1
      %sub3A_148 = arith.constant 1 : i32
      %sub3A_149 = arith.subi %div3A_128, %sub3A_148 : i32
      %select_n3A_150 = arith.select %and3A_147, %sub3A_149, %div3A_128 : i32
      %ne3A_151 = arith.cmpi ne, %select_n3A, %select_n3A_150 : i32
      %jit3A_152 = arith.constant true
      %select_n3A_153 = arith.select %eq3A_102, %jit3A_152, %ne3A_151 : i1
      %and3A_154 = arith.andi %lt3A_99, %select_n3A_153 : i1
      %convert_element_type3A = arith.extui %and3A_154 : i1 to i32
      %cond3A = arith.constant 0 : i32
      %cond3A_155 = arith.cmpi ne, %convert_element_type3A, %cond3A : i32
      scf.if %cond3A_155 {
        %add3A_275 = arith.constant 6 : i32
        %add3A_276 = arith.addi %scan3A_94, %add3A_275 : i32
        %get3A_277 = arith.index_cast %add3A_276 : i32 to index
        %get3A_278 = tpu.vector_load %arg16[%get3A_277] {strides = array<i32>} : memref<528xi32, #tpu.memory_space<vmem>>, vector<16xi32>,
        %slice3A_279 = vector.extract_strided_slice %get3A_278 {offsets = [0], sizes = [1], strides = [1]} : vector<16xi32> to vector<1xi32>
        %squeeze3A_280 = vector.extract %slice3A_279[0] : i32 from vector<1xi32>
        %jit3A_281 = arith.constant 128 : i32
        %div3A_282 = arith.divsi %squeeze3A_280, %jit3A_281 : i32
        %sign3A_283 = arith.constant 0 : i32
        %sign3A_284 = arith.cmpi sgt, %squeeze3A_280, %sign3A_283 : i32
        %sign3A_285 = arith.extui %sign3A_284 : i1 to i32
        %sign3A_286 = arith.constant 0 : i32
        %sign3A_287 = arith.cmpi slt, %squeeze3A_280, %sign3A_286 : i32
        %sign3A_288 = arith.extui %sign3A_287 : i1 to i32
        %sign3A_289 = arith.subi %sign3A_285, %sign3A_288 : i32
        %sign3A_290 = arith.constant 0 : i32
        %sign3A_291 = arith.cmpi sgt, %jit3A_281, %sign3A_290 : i32
        %sign3A_292 = arith.extui %sign3A_291 : i1 to i32
        %sign3A_293 = arith.constant 0 : i32
        %sign3A_294 = arith.cmpi slt, %jit3A_281, %sign3A_293 : i32
        %sign3A_295 = arith.extui %sign3A_294 : i1 to i32
        %sign3A_296 = arith.subi %sign3A_292, %sign3A_295 : i32
        %ne3A_297 = arith.cmpi ne, %sign3A_289, %sign3A_296 : i32
        %rem3A_298 = arith.remsi %squeeze3A_280, %jit3A_281 : i32
        %ne3A_299 = arith.constant 0 : i32
        %ne3A_300 = arith.cmpi ne, %rem3A_298, %ne3A_299 : i32
        %and3A_301 = arith.andi %ne3A_297, %ne3A_300 : i1
        %sub3A_302 = arith.constant 1 : i32
        %sub3A_303 = arith.subi %div3A_282, %sub3A_302 : i32
        %select_n3A_304 = arith.select %and3A_301, %sub3A_303, %div3A_282 : i32
        %mul3A_305 = arith.constant 128 : i32
        %mul3A_306 = arith.muli %select_n3A_304, %mul3A_305 : i32
        %rem3A_307 = arith.constant 8 : i32
        %rem3A_308 = arith.remsi %scan3A_95, %rem3A_307 : i32
        %dma_start3A = arith.constant 0 : i32
        %dma_start3A_309 = arith.constant 0 : i32
        %dma_start3A_310 = tpu.memref_slice %arg19[%rem3A_308, %dma_start3A, %dma_start3A_309] : memref<8x64x128xf32, #tpu.memory_space<vmem>> -> memref<1x64x128xf32, #tpu.memory_space<vmem>>
        %dma_start3A_311 = tpu.memref_squeeze %dma_start3A_310 : memref<1x64x128xf32, #tpu.memory_space<vmem>> -> memref<64x128xf32, #tpu.memory_space<vmem>>
        %dma_start3A_312 = arith.constant 0 : i32
        %dma_start3A_313 = tpu.memref_slice %arg11[%dma_start3A_312, %mul3A_306] : memref<64x100000xf32, #tpu.memory_space<hbm>> -> memref<64x128xf32, #tpu.memory_space<hbm>>
        %dma_start3A_314 = arith.constant 0 : i32
        %dma_start3A_315 = arith.constant 0 : i32
        %dma_start3A_316 = tpu.memref_slice %arg19[%rem3A_308, %dma_start3A_314, %dma_start3A_315] : memref<8x64x128xf32, #tpu.memory_space<vmem>> -> memref<1x64x128xf32, #tpu.memory_space<vmem>>
        %dma_start3A_317 = tpu.memref_squeeze %dma_start3A_316 : memref<1x64x128xf32, #tpu.memory_space<vmem>> -> memref<64x128xf32, #tpu.memory_space<vmem>>
        %dma_start3A_318 = arith.constant 0 : i32
        %dma_start3A_319 = tpu.memref_slice %arg11[%dma_start3A_318, %mul3A_306] : memref<64x100000xf32, #tpu.memory_space<hbm>> -> memref<64x128xf32, #tpu.memory_space<hbm>>
        tpu.enqueue_dma source(%dma_start3A_319 : memref<64x128xf32, #tpu.memory_space<hbm>>) target(%dma_start3A_317 : memref<64x128xf32, #tpu.memory_space<vmem>>) target_semaphore(%arg22 : memref<!tpu.dma_semaphore, #tpu.memory_space<semaphore_mem>>)
      } else {
      }
      %convert_element_type3A_156 = arith.extui %and3A_154 : i1 to i32
      %add3A_157 = arith.addi %scan3A_95, %convert_element_type3A_156 : i32
      %eq3A_158 = arith.constant 0 : i32
      %eq3A_159 = arith.cmpi eq, %scan3A_94, %eq3A_158 : i32
      %get3A_160 = arith.index_cast %scan3A_94 : i32 to index
      %get3A_161 = tpu.vector_load %arg16[%get3A_160] {strides = array<i32>} : memref<528xi32, #tpu.memory_space<vmem>>, vector<16xi32>,
      %slice3A_162 = vector.extract_strided_slice %get3A_161 {offsets = [0], sizes = [1], strides = [1]} : vector<16xi32> to vector<1xi32>
      %squeeze3A_163 = vector.extract %slice3A_162[0] : i32 from vector<1xi32>
      %jit3A_164 = arith.constant 128 : i32
      %div3A_165 = arith.divsi %squeeze3A_163, %jit3A_164 : i32
      %sign3A_166 = arith.constant 0 : i32
      %sign3A_167 = arith.cmpi sgt, %squeeze3A_163, %sign3A_166 : i32
      %sign3A_168 = arith.extui %sign3A_167 : i1 to i32
      %sign3A_169 = arith.constant 0 : i32
      %sign3A_170 = arith.cmpi slt, %squeeze3A_163, %sign3A_169 : i32
      %sign3A_171 = arith.extui %sign3A_170 : i1 to i32
      %sign3A_172 = arith.subi %sign3A_168, %sign3A_171 : i32
      %sign3A_173 = arith.constant 0 : i32
      %sign3A_174 = arith.cmpi sgt, %jit3A_164, %sign3A_173 : i32
      %sign3A_175 = arith.extui %sign3A_174 : i1 to i32
      %sign3A_176 = arith.constant 0 : i32
      %sign3A_177 = arith.cmpi slt, %jit3A_164, %sign3A_176 : i32
      %sign3A_178 = arith.extui %sign3A_177 : i1 to i32
      %sign3A_179 = arith.subi %sign3A_175, %sign3A_178 : i32
      %ne3A_180 = arith.cmpi ne, %sign3A_172, %sign3A_179 : i32
      %rem3A_181 = arith.remsi %squeeze3A_163, %jit3A_164 : i32
      %ne3A_182 = arith.constant 0 : i32
      %ne3A_183 = arith.cmpi ne, %rem3A_181, %ne3A_182 : i32
      %and3A_184 = arith.andi %ne3A_180, %ne3A_183 : i1
      %sub3A_185 = arith.constant 1 : i32
      %sub3A_186 = arith.subi %div3A_165, %sub3A_185 : i32
      %select_n3A_187 = arith.select %and3A_184, %sub3A_186, %div3A_165 : i32
      %sub3A_188 = arith.constant 1 : i32
      %sub3A_189 = arith.subi %scan3A_94, %sub3A_188 : i32
      %max3A_190 = arith.constant 0 : i32
      %max3A_191 = arith.maxsi %sub3A_189, %max3A_190 : i32
      %get3A_192 = arith.index_cast %max3A_191 : i32 to index
      %get3A_193 = tpu.vector_load %arg16[%get3A_192] {strides = array<i32>} : memref<528xi32, #tpu.memory_space<vmem>>, vector<16xi32>,
      %slice3A_194 = vector.extract_strided_slice %get3A_193 {offsets = [0], sizes = [1], strides = [1]} : vector<16xi32> to vector<1xi32>
      %squeeze3A_195 = vector.extract %slice3A_194[0] : i32 from vector<1xi32>
      %jit3A_196 = arith.constant 128 : i32
      %div3A_197 = arith.divsi %squeeze3A_195, %jit3A_196 : i32
      %sign3A_198 = arith.constant 0 : i32
      %sign3A_199 = arith.cmpi sgt, %squeeze3A_195, %sign3A_198 : i32
      %sign3A_200 = arith.extui %sign3A_199 : i1 to i32
      %sign3A_201 = arith.constant 0 : i32
      %sign3A_202 = arith.cmpi slt, %squeeze3A_195, %sign3A_201 : i32
      %sign3A_203 = arith.extui %sign3A_202 : i1 to i32
      %sign3A_204 = arith.subi %sign3A_200, %sign3A_203 : i32
      %sign3A_205 = arith.constant 0 : i32
      %sign3A_206 = arith.cmpi sgt, %jit3A_196, %sign3A_205 : i32
      %sign3A_207 = arith.extui %sign3A_206 : i1 to i32
      %sign3A_208 = arith.constant 0 : i32
      %sign3A_209 = arith.cmpi slt, %jit3A_196, %sign3A_208 : i32
      %sign3A_210 = arith.extui %sign3A_209 : i1 to i32
      %sign3A_211 = arith.subi %sign3A_207, %sign3A_210 : i32
      %ne3A_212 = arith.cmpi ne, %sign3A_204, %sign3A_211 : i32
      %rem3A_213 = arith.remsi %squeeze3A_195, %jit3A_196 : i32
      %ne3A_214 = arith.constant 0 : i32
      %ne3A_215 = arith.cmpi ne, %rem3A_213, %ne3A_214 : i32
      %and3A_216 = arith.andi %ne3A_212, %ne3A_215 : i1
      %sub3A_217 = arith.constant 1 : i32
      %sub3A_218 = arith.subi %div3A_197, %sub3A_217 : i32
      %select_n3A_219 = arith.select %and3A_216, %sub3A_218, %div3A_197 : i32
      %ne3A_220 = arith.cmpi ne, %select_n3A_187, %select_n3A_219 : i32
      %jit3A_221 = arith.constant true
      %select_n3A_222 = arith.select %eq3A_159, %jit3A_221, %ne3A_220 : i1
      %convert_element_type3A_223 = arith.extui %select_n3A_222 : i1 to i32
      %cond3A_224 = arith.constant 0 : i32
      %cond3A_225 = arith.cmpi ne, %convert_element_type3A_223, %cond3A_224 : i32
      scf.if %cond3A_225 {
        %dma_wait3A = arith.constant 0 : i32
        %dma_wait3A_275 = arith.constant 0 : i32
        %dma_wait3A_276 = arith.constant 0 : i32
        %dma_wait3A_277 = tpu.memref_slice %arg19[%dma_wait3A, %dma_wait3A_275, %dma_wait3A_276] : memref<8x64x128xf32, #tpu.memory_space<vmem>> -> memref<1x64x128xf32, #tpu.memory_space<vmem>>
        %dma_wait3A_278 = tpu.memref_squeeze %dma_wait3A_277 : memref<1x64x128xf32, #tpu.memory_space<vmem>> -> memref<64x128xf32, #tpu.memory_space<vmem>>
        %dma_wait3A_279 = arith.constant 0 : i32
        %dma_wait3A_280 = arith.constant 0 : i32
        %dma_wait3A_281 = tpu.memref_slice %arg11[%dma_wait3A_279, %dma_wait3A_280] : memref<64x100000xf32, #tpu.memory_space<hbm>> -> memref<64x128xf32, #tpu.memory_space<hbm>>
        %dma_wait3A_282 = arith.constant 0 : i32
        %dma_wait3A_283 = arith.constant 0 : i32
        %dma_wait3A_284 = tpu.memref_slice %arg19[%dma_wait3A, %dma_wait3A_282, %dma_wait3A_283] : memref<8x64x128xf32, #tpu.memory_space<vmem>> -> memref<1x64x128xf32, #tpu.memory_space<vmem>>
        %dma_wait3A_285 = tpu.memref_squeeze %dma_wait3A_284 : memref<1x64x128xf32, #tpu.memory_space<vmem>> -> memref<64x128xf32, #tpu.memory_space<vmem>>
        %dma_wait3A_286 = arith.constant 0 : i32
        %dma_wait3A_287 = arith.constant 0 : i32
        %dma_wait3A_288 = tpu.memref_slice %arg11[%dma_wait3A_286, %dma_wait3A_287] : memref<64x100000xf32, #tpu.memory_space<hbm>> -> memref<64x128xf32, #tpu.memory_space<hbm>>
        tpu.wait_dma2 semaphore(%arg22 : memref<!tpu.dma_semaphore, #tpu.memory_space<semaphore_mem>>) src(%dma_wait3A_288 : memref<64x128xf32, #tpu.memory_space<hbm>>) dst(%dma_wait3A_285 : memref<64x128xf32, #tpu.memory_space<vmem>>)
      } else {
      }
      %convert_element_type3A_226 = arith.extui %select_n3A_222 : i1 to i32
      %add3A_227 = arith.addi %scan3A_96, %convert_element_type3A_226 : i32
      %sub3A_228 = arith.constant 1 : i32
      %sub3A_229 = arith.subi %add3A_227, %sub3A_228 : i32
      %rem3A_230 = arith.constant 8 : i32
      %rem3A_231 = arith.remsi %sub3A_229, %rem3A_230 : i32
      %get3A_232 = arith.index_cast %scan3A_94 : i32 to index
      %get3A_233 = tpu.vector_load %arg16[%get3A_232] {strides = array<i32>} : memref<528xi32, #tpu.memory_space<vmem>>, vector<16xi32>,
      %slice3A_234 = vector.extract_strided_slice %get3A_233 {offsets = [0], sizes = [1], strides = [1]} : vector<16xi32> to vector<1xi32>
      %squeeze3A_235 = vector.extract %slice3A_234[0] : i32 from vector<1xi32>
      %rem3A_236 = arith.constant 128 : i32
      %rem3A_237 = arith.remsi %squeeze3A_235, %rem3A_236 : i32
      %rem3A_238 = arith.constant 128 : i32
      %rem3A_239 = arith.remsi %scan3A_94, %rem3A_238 : i32
      %get3A_240 = arith.index_cast %scan3A_94 : i32 to index
      %get3A_241 = tpu.vector_load %arg17[%get3A_240] {strides = array<i32>} : memref<528xi32, #tpu.memory_space<vmem>>, vector<16xi32>,
      %slice3A_242 = vector.extract_strided_slice %get3A_241 {offsets = [0], sizes = [1], strides = [1]} : vector<16xi32> to vector<1xi32>
      %squeeze3A_243 = vector.extract %slice3A_242[0] : i32 from vector<1xi32>
      %broadcast_in_dim3A = vector.broadcast %rem3A_231 : i32 to vector<16xi32>
      %broadcast_in_dim3A_244 = vector.broadcast %rem3A_237 : i32 to vector<16xi32>
      %gather3A = tpu.vector_load_idx %arg19[%broadcast_in_dim3A, %add3A_5, %broadcast_in_dim3A_244] : memref<8x64x128xf32, #tpu.memory_space<vmem>>[vector<16xi32>, vector<16xi32>, vector<16xi32>], vector<16xf32>,
      %broadcast_in_dim3A_245 = vector.broadcast %squeeze3A_243 : i32 to vector<16xi32>
      %gather3A_246 = tpu.vector_load_idx %arg21[%add3A_5, %broadcast_in_dim3A_245] : memref<64x128xf32, #tpu.memory_space<vmem>>[vector<16xi32>, vector<16xi32>], vector<16xf32>,
      %add3A_247 = arith.addf %gather3A, %gather3A_246 : vector<16xf32>
      %broadcast_in_dim3A_248 = vector.broadcast %rem3A_239 : i32 to vector<16xi32>
      tpu.vector_store_idx %arg20[%broadcast_in_dim3A_248, %add3A_5], %add3A_247 : memref<128x128xf32, #tpu.memory_space<vmem>>[vector<16xi32>, vector<16xi32>], vector<16xf32>,
      %broadcast_in_dim3A_249 = vector.broadcast %rem3A_231 : i32 to vector<16xi32>
      %broadcast_in_dim3A_250 = vector.broadcast %rem3A_237 : i32 to vector<16xi32>
      %gather3A_251 = tpu.vector_load_idx %arg19[%broadcast_in_dim3A_249, %add3A_9, %broadcast_in_dim3A_250] : memref<8x64x128xf32, #tpu.memory_space<vmem>>[vector<16xi32>, vector<16xi32>, vector<16xi32>], vector<16xf32>,
      %broadcast_in_dim3A_252 = vector.broadcast %squeeze3A_243 : i32 to vector<16xi32>
      %gather3A_253 = tpu.vector_load_idx %arg21[%add3A_9, %broadcast_in_dim3A_252] : memref<64x128xf32, #tpu.memory_space<vmem>>[vector<16xi32>, vector<16xi32>], vector<16xf32>,
      %add3A_254 = arith.addf %gather3A_251, %gather3A_253 : vector<16xf32>
      %broadcast_in_dim3A_255 = vector.broadcast %rem3A_239 : i32 to vector<16xi32>
      tpu.vector_store_idx %arg20[%broadcast_in_dim3A_255, %add3A_9], %add3A_254 : memref<128x128xf32, #tpu.memory_space<vmem>>[vector<16xi32>, vector<16xi32>], vector<16xf32>,
      %broadcast_in_dim3A_256 = vector.broadcast %rem3A_231 : i32 to vector<16xi32>
      %broadcast_in_dim3A_257 = vector.broadcast %rem3A_237 : i32 to vector<16xi32>
      %gather3A_258 = tpu.vector_load_idx %arg19[%broadcast_in_dim3A_256, %add3A_13, %broadcast_in_dim3A_257] : memref<8x64x128xf32, #tpu.memory_space<vmem>>[vector<16xi32>, vector<16xi32>, vector<16xi32>], vector<16xf32>,
      %broadcast_in_dim3A_259 = vector.broadcast %squeeze3A_243 : i32 to vector<16xi32>
      %gather3A_260 = tpu.vector_load_idx %arg21[%add3A_13, %broadcast_in_dim3A_259] : memref<64x128xf32, #tpu.memory_space<vmem>>[vector<16xi32>, vector<16xi32>], vector<16xf32>,
      %add3A_261 = arith.addf %gather3A_258, %gather3A_260 : vector<16xf32>
      %broadcast_in_dim3A_262 = vector.broadcast %rem3A_239 : i32 to vector<16xi32>
      tpu.vector_store_idx %arg20[%broadcast_in_dim3A_262, %add3A_13], %add3A_261 : memref<128x128xf32, #tpu.memory_space<vmem>>[vector<16xi32>, vector<16xi32>], vector<16xf32>,
      %broadcast_in_dim3A_263 = vector.broadcast %rem3A_231 : i32 to vector<16xi32>
      %broadcast_in_dim3A_264 = vector.broadcast %rem3A_237 : i32 to vector<16xi32>
      %gather3A_265 = tpu.vector_load_idx %arg19[%broadcast_in_dim3A_263, %add3A_17, %broadcast_in_dim3A_264] : memref<8x64x128xf32, #tpu.memory_space<vmem>>[vector<16xi32>, vector<16xi32>, vector<16xi32>], vector<16xf32>,
      %broadcast_in_dim3A_266 = vector.broadcast %squeeze3A_243 : i32 to vector<16xi32>
      %gather3A_267 = tpu.vector_load_idx %arg21[%add3A_17, %broadcast_in_dim3A_266] : memref<64x128xf32, #tpu.memory_space<vmem>>[vector<16xi32>, vector<16xi32>], vector<16xf32>,
      %add3A_268 = arith.addf %gather3A_265, %gather3A_267 : vector<16xf32>
      %broadcast_in_dim3A_269 = vector.broadcast %rem3A_239 : i32 to vector<16xi32>
      tpu.vector_store_idx %arg20[%broadcast_in_dim3A_269, %add3A_17], %add3A_268 : memref<128x128xf32, #tpu.memory_space<vmem>>[vector<16xi32>, vector<16xi32>], vector<16xf32>,
      %eq3A_270 = arith.constant 127 : i32
      %eq3A_271 = arith.cmpi eq, %rem3A_239, %eq3A_270 : i32
      %convert_element_type3A_272 = arith.extui %eq3A_271 : i1 to i32
      %cond3A_273 = arith.constant 0 : i32
      %cond3A_274 = arith.cmpi ne, %convert_element_type3A_272, %cond3A_273 : i32
      scf.if %cond3A_274 {
        %jit3A_275 = arith.constant 128 : i32
        %div3A_276 = arith.divsi %scan3A_94, %jit3A_275 : i32
        %sign3A_277 = arith.constant 0 : i32
        %sign3A_278 = arith.cmpi sgt, %scan3A_94, %sign3A_277 : i32
        %sign3A_279 = arith.extui %sign3A_278 : i1 to i32
        %sign3A_280 = arith.constant 0 : i32
        %sign3A_281 = arith.cmpi slt, %scan3A_94, %sign3A_280 : i32
        %sign3A_282 = arith.extui %sign3A_281 : i1 to i32
        %sign3A_283 = arith.subi %sign3A_279, %sign3A_282 : i32
        %sign3A_284 = arith.constant 0 : i32
        %sign3A_285 = arith.cmpi sgt, %jit3A_275, %sign3A_284 : i32
        %sign3A_286 = arith.extui %sign3A_285 : i1 to i32
        %sign3A_287 = arith.constant 0 : i32
        %sign3A_288 = arith.cmpi slt, %jit3A_275, %sign3A_287 : i32
        %sign3A_289 = arith.extui %sign3A_288 : i1 to i32
        %sign3A_290 = arith.subi %sign3A_286, %sign3A_289 : i32
        %ne3A_291 = arith.cmpi ne, %sign3A_283, %sign3A_290 : i32
        %rem3A_292 = arith.remsi %scan3A_94, %jit3A_275 : i32
        %ne3A_293 = arith.constant 0 : i32
        %ne3A_294 = arith.cmpi ne, %rem3A_292, %ne3A_293 : i32
        %and3A_295 = arith.andi %ne3A_291, %ne3A_294 : i1
        %sub3A_296 = arith.constant 1 : i32
        %sub3A_297 = arith.subi %div3A_276, %sub3A_296 : i32
        %select_n3A_298 = arith.select %and3A_295, %sub3A_297, %div3A_276 : i32
        "tpu.region"() ({
          %run_scoped3A_299 = tpu.sem_alloc : memref<!tpu.dma_semaphore, #tpu.memory_space<semaphore_mem>>
          %dma_start3A = arith.constant 0 : i32
          %dma_start3A_300 = tpu.memref_slice %arg18[%select_n3A_298, %dma_start3A] : memref<4x128xi32, #tpu.memory_space<vmem>> -> memref<1x128xi32, #tpu.memory_space<vmem>>
          %dma_start3A_301 = tpu.memref_squeeze %dma_start3A_300 : memref<1x128xi32, #tpu.memory_space<vmem>> -> memref<128xi32, #tpu.memory_space<vmem>>
          %dma_start3A_302 = arith.constant 0 : i32
          %dma_start3A_303 = arith.constant 0 : i32
          %dma_start3A_304 = tpu.memref_slice %arg15[%dma_start3A_302, %dma_start3A_303] : memref<16384x128xf32, #tpu.memory_space<hbm>> -> memref<16384x128xf32, #tpu.memory_space<hbm>>
          tpu.enqueue_indirect_dma source(%arg20 : memref<128x128xf32, #tpu.memory_space<vmem>>) target(%dma_start3A_304 : memref<16384x128xf32, #tpu.memory_space<hbm>>) offsets(%dma_start3A_301 : memref<128xi32, #tpu.memory_space<vmem>>) semaphore(%run_scoped3A_299 : memref<!tpu.dma_semaphore, #tpu.memory_space<semaphore_mem>>)
          %dma_wait3A = arith.constant 0 : i32
          %dma_wait3A_305 = tpu.memref_slice %arg18[%select_n3A_298, %dma_wait3A] : memref<4x128xi32, #tpu.memory_space<vmem>> -> memref<1x128xi32, #tpu.memory_space<vmem>>
          %dma_wait3A_306 = tpu.memref_squeeze %dma_wait3A_305 : memref<1x128xi32, #tpu.memory_space<vmem>> -> memref<128xi32, #tpu.memory_space<vmem>>
          %dma_wait3A_307 = arith.constant 0 : i32
          %dma_wait3A_308 = arith.constant 0 : i32
          %dma_wait3A_309 = tpu.memref_slice %arg15[%dma_wait3A_307, %dma_wait3A_308] : memref<16384x128xf32, #tpu.memory_space<hbm>> -> memref<16384x128xf32, #tpu.memory_space<hbm>>
          tpu.wait_indirect_dma semaphore(%run_scoped3A_299 : memref<!tpu.dma_semaphore, #tpu.memory_space<semaphore_mem>>) src(%arg20 : memref<128x128xf32, #tpu.memory_space<vmem>>) dst(%dma_wait3A_309 : memref<16384x128xf32, #tpu.memory_space<hbm>>)
          tpu.yield
        }) : () -> ()
      } else {
      }
      scf.yield %add3A_157, %add3A_227 : i32, i32
    }
    %scan3A_93 = arith.constant 512 : i32
    return
  }
}

</mosaic_0001>

<sc_bundles>
// kernel: kernel.3.cloned.1.call-start
scs
__scs_entry_jumppad:
0x0: {  	(pc) =	sbr.rel $0x88, $3  }
0x1: {  	(tag) =	ssettag $0x0;
	lr =	simm.s32 $0x1  }
0x2: {  	[smem:$0x3F99] =	sst lr;
	_ =	strace $0xD0000000  }
0x3: {  	_ = 	snop  }
0x4: {  	_ = 	snop  }
0x5: {  	_ = 	snop  }
0x6: {  	_ = 	snop  }
0x7: {  	_ = 	snop  }
__scs_overlays_trampoline_lowered:
0x8: {  	[smem:$0x3FA8] =	sst s0  }
0x9: {  	[smem:$0x3FA9] =	sst s1  }
0xa: {  	[smem:$0x3FAA] =	sst s2  }
0xb: {  	[smem:$0x3FAB] =	sst s3  }
0xc: {  	[smem:$0x3FAC] =	sst s4  }
0xd: {  	[smem:$0x3FAD] =	sst s5  }
0xe: {  	[smem:$0x3FAE] =	sst s6  }
0xf: {  	[smem:$0x3FAF] =	sst s7  }
0x10: {  	[smem:$0x3FB0] =	sst s8  }
0x11: {  	[smem:$0x3FB1] =	sst s9;
	s0 =	simm.s32 @!p0 $0x0  }
0x12: {  	s1 =	sld [smem:$0x3F97];
	s0 =	simm.s32 @p0 $0x1  }
0x13: {  	[smem:$0x3FB2] =	sst s0;
	s0 =	simm.s32 @!p1 $0x0  }
0x14: {  	s2 =	sld [smem:$0x3F96];
	s0 =	simm.s32 @p1 $0x1  }
0x15: {  	[smem:$0x3FB3] =	sst s0;
	s0 =	simm.s32 @!p2 $0x0  }
0x16: {  	s3 =	sld [smem:$0x3FDB];
	s0 =	simm.s32 @p2 $0x1  }
0x17: {  	s4 =	simm.s32 $0x1BF5;
	[smem:$0x3FB5] =	sst s0  }
0x18: {  	s0 =	sld [smem:$0x3F98];
	_ =	swait.ge [sflag:s4], $0x0  }
0x19: {  	s7 =	sld [smem:$0x3F99]  }
0x1a: {  	s8 =	sadd.s32 $0xFFFFE003, lr  }
0x1b: {  	s9 =	sadd.s32 $0xFFFFFEF7, lr;
	s5 =	simm.s32 $0xFFFFFFFF;
	p2 =	slt.u32 s8, $0xFFFFF086  }
0x1c: {  	p1 =	slt.u32 s9, $0xF7A;
	s5 =	simm.s32 @!p2 $0x0  }
0x1d: {  	s5 =	simm.s32 @p1 $0x1;
	p0 =	seq.s32 s7, s2  }
0x1e: {  	s7 =	smul.u32 @!p0 $0xF7A, s2;
	p2 =	seq.s32 @!p0 s5, $0x0  }
0x1f: {  	s9 =	smul.u32 $0xF7A, s1;
	s8 =	simm.s32 @!p0 $0x1BF5;
	p2 =	por !p2, p0  }
0x20: {  	[sflag:s8] =	ssyncset.s32 @!p0 $0xFFFFF086;
	s6 =	sadd.s32 @!p0 s3, s7;
	s7 =	simm.s32 @!p0 $0x108  }
0x21: {  	s3 =	sadd.s32 s3, s9;
	s6 =	sadd.s32 @!p0 $0x88, s6;
	s7 =	simm.s32 @p2 $0x1082  }
0x22: {  	[simem:s7], [sflag:s8] =	dma.local @!p0 [hbm:s6], $0xF7A  }
0x23: {  	s9 =	sor.u32 $0xD0000000, s2;
	s6 =	simm.s32 $0x108;
	_ =	swait.ge @!p0 [sflag:s8], $0x0  }
0x24: {  	s3 =	sadd.s32 $0x88, s3;
	s6 =	simm.s32 @!p1 $0x1082;
	[sflag:s4] =	ssyncset.s32 $0xFFFFF086  }
0x25: {  	[simem:s6], [sflag:s4] =	dma.local [hbm:s3], $0xF7A  }
0x26: {  	[smem:$0x3F99] =	sst s1;
	(tag) =	ssettag s2;
	_ =	strace s9  }
0x27: {  	s1 =	sld [smem:$0x3FA9]  }
0x28: {  	s2 =	sld [smem:$0x3FAA]  }
0x29: {  	s4 =	sld [smem:$0x3FAC]  }
0x2a: {  	p0 =	seq.s32 s5, $0x0;
	s5 =	sld [smem:$0x3FAD]  }
0x2b: {  	s6 =	sld [smem:$0x3FAE]  }
0x2c: {  	s7 =	sld [smem:$0x3FAF]  }
0x2d: {  	s3 =	simm.s32 $0x108;
	s8 =	sld [smem:$0x3FB0]  }
0x2e: {  	s3 =	simm.s32 @!p0 $0x1082;
	s9 =	sld [smem:$0x3FB1]  }
0x2f: {  	lr =	sadd.s32 s0, s3;
	s0 =	sld [smem:$0x3FA8]  }
0x30: {  	s3 =	sld [smem:$0x3FAB]  }
0x31: {  	[smem:$0x3FB4] =	sst s10  }
0x32: {  	s10 =	sld [smem:$0x3FB2];
	_ =	sdelay $0x3  }
0x33: {  	p0 =	seq.s32 s10, $0x1;
	s10 =	sld [smem:$0x3FB4];
	_ =	sdelay $0x3  }
0x34: {  	[smem:$0x3FB4] =	sst s10  }
0x35: {  	s10 =	sld [smem:$0x3FB3];
	_ =	sdelay $0x3  }
0x36: {  	p1 =	seq.s32 s10, $0x1;
	s10 =	sld [smem:$0x3FB4];
	_ =	sdelay $0x3  }
0x37: {  	[smem:$0x3FB4] =	sst s10  }
0x38: {  	s10 =	sld [smem:$0x3FB5]  }
0x39: {  	_ = 	snop;
	(pc) =	sbr.ind lr, $3  }
0x3a: {  	_ = 	snop  }
0x3b: {  	_ = 	snop  }
0x3c: {  	p2 =	seq.s32 s10, $0x1;
	s10 =	sld [smem:$0x3FB4]  }
0x3d: {  	_ =	shalt  }
0x3e: {  	_ =	shalt  }
0x3f: {  	_ =	shalt  }
0x40: {  	_ =	shalt  }
0x41: {  	_ =	shalt  }
0x42: {  	_ =	shalt  }
0x43: {  	_ =	shalt  }
0x44: {  	_ =	shalt  }
0x45: {  	_ =	shalt  }
0x46: {  	_ =	shalt  }
0x47: {  	_ =	shalt  }
0x48: {  	_ =	shalt  }
0x49: {  	_ =	shalt  }
0x4a: {  	_ =	shalt  }
0x4b: {  	_ =	shalt  }
0x4c: {  	_ =	shalt  }
0x4d: {  	_ =	shalt  }
0x4e: {  	_ =	shalt  }
0x4f: {  	_ =	shalt  }
0x50: {  	_ =	shalt  }
0x51: {  	_ =	shalt  }
0x52: {  	_ =	shalt  }
0x53: {  	_ =	shalt  }
0x54: {  	_ =	shalt  }
0x55: {  	_ =	shalt  }
0x56: {  	_ =	shalt  }
0x57: {  	_ =	shalt  }
0x58: {  	_ =	shalt  }
0x59: {  	_ =	shalt  }
0x5a: {  	_ =	shalt  }
0x5b: {  	_ =	shalt  }
0x5c: {  	_ =	shalt  }
0x5d: {  	_ =	shalt  }
0x5e: {  	_ =	shalt  }
0x5f: {  	_ =	shalt  }
0x60: {  	_ =	shalt  }
0x61: {  	_ =	shalt  }
0x62: {  	_ =	shalt  }
0x63: {  	_ =	shalt  }
0x64: {  	_ =	shalt  }
0x65: {  	_ =	shalt  }
0x66: {  	_ =	shalt  }
0x67: {  	_ =	shalt  }
0x68: {  	_ =	shalt  }
0x69: {  	_ =	shalt  }
0x6a: {  	_ =	shalt  }
0x6b: {  	_ =	shalt  }
0x6c: {  	_ =	shalt  }
0x6d: {  	_ =	shalt  }
0x6e: {  	_ =	shalt  }
0x6f: {  	_ =	shalt  }
0x70: {  	_ =	shalt  }
0x71: {  	_ =	shalt  }
0x72: {  	_ =	shalt  }
0x73: {  	_ =	shalt  }
0x74: {  	_ =	shalt  }
0x75: {  	_ =	shalt  }
0x76: {  	_ =	shalt  }
0x77: {  	_ =	shalt  }
0x78: {  	_ =	shalt  }
0x79: {  	_ =	shalt  }
0x7a: {  	_ =	shalt  }
0x7b: {  	_ =	shalt  }
0x7c: {  	_ =	shalt  }
0x7d: {  	_ =	shalt  }
0x7e: {  	_ =	shalt  }
0x7f: {  	_ =	shalt  }
0x80: {  	_ =	shalt  }
0x81: {  	_ =	shalt  }
0x82: {  	_ =	shalt  }
0x83: {  	_ =	shalt  }
0x84: {  	_ =	shalt  }
0x85: {  	_ =	shalt  }
0x86: {  	_ =	shalt  }
0x87: {  	_ =	shalt  }
.Lfunc_end0:
.L_simem_size_0:
called_computation_lowered:
.L_overlay_start_0:
0x88: {  	s2 =	sld [smem:$0x3FD9]  }
0x89: {  	s3 =	sld [smem:$0x3FFE];
	_ =	sdelay $0x1  }
0x8a: {  	s1 =	srdreg.scid  }
0x8b: {  	s0 =	sand.u32 $0x1, s1  }
0x8c: {  	s17 =	sshll.u32 s0, $0xA;
	s2 =	sadd.s32 s3, s2  }
0x8d: {  	s2 =	sadd.s32 s2, s17  }
0x8e: {  	[smem:$0x3FC0] =	sst s2  }
0x8f: {  	_ = 	snop  }
0x90: {  	s2 =	sld [smem:$0x3FC5]  }
0x91: {  	s18 =	sld [smem:$0x3FC4]  }
0x92: {  	s4 =	sld [smem:$0x3FC3]  }
0x93: {  	s5 =	sld [smem:$0x3FC2]  }
0x94: {  	s6 =	sld [smem:$0x3FD0];
	(tm) =	ssettm $0x1  }
0x95: {  	s7 =	sld [smem:$0x3FFB];
	_ =	sdelay $0x3  }
0x96: {  	_ =	strace s7  }
0x97: {  	s7 =	sld [smem:$0x3FFC];
	_ =	sdelay $0x3  }
0x98: {  	_ =	strace s7  }
0x99: {  	s7 =	sld [smem:$0x3FFD];
	_ =	sdelay $0x3  }
0x9a: {  	_ =	strace s7  }
0x9b: {  	_ =	strace $0x8FFFFFFF  }
0x9c: {  	s19 =	sld [smem:$0x3FDB];
	_ =	sdelay $0x1  }
0x9d: {  	s8 =	simm.s32 $_scs_section_size  }
0x9e: {  	s9 =	simm.s32 $_size__tile_overlayer_lowered;
	s10 =	simm.s32 $_tile_overlayer_lowered  }
0x9f: {  	s22 =	simm.s32 $0x1BFF;
	s21 =	sshll.u32 s10, $0x1;
	s7 =	sadd.s32 s8, s19  }
0xa0: {  	s11 =	simm.s32 $0x0;
	s20 =	sshll.u32 s9, $0x1;
	s9 =	sadd.s32 s21, s7  }
0xa1: {  	[timem:s11], [sflag:s22] =	dma.local [hbm:s9], s20  }
0xa2: {  	_ =	swait.ge [sflag:s22], s20  }
0xa3: {  	s8 =	ssub.s32 $0x0, s20;
	[sflag:s22] =	ssyncset.done $0x0  }
0xa4: {  	[sflag:s22] =	ssyncadd.s32 s8;
	_ =	sdelay $0x1  }
0xa5: {  	s23 =	simm.s32 $0x1B8B  }
0xa6: {  	_ =	swait.ge [sflag:s23], $0x1  }
0xa7: {  	[sflag:s23] =	ssyncset.done $0x0  }
0xa8: {  	s25 =	simm.s32 $0x1B8E;
	s24 =	sld [smem:$0x3FFE];
	[sflag:s23] =	ssyncadd.s32 $0xFFFFFFFF  }
0xa9: {  	s26 =	simm.s32 $execute0_lowered;
	[smem:$0x3FD2] =	sst s25  }
0xaa: {  	s9 =	sshll.u32 s26, $0x1;
	_ =	strace $0x80000046;
	[dreg:$0x1] =	wrdreg $0xFFFFFFFF  }
0xab: {  	s28 =	simm.s32 $_size_execute0_lowered;
	s7 =	sadd.s32 s7, s9;
	[dreg:$0x0] =	wrdreg $0x0  }
0xac: {  	s9 =	sshll.u32 s28, $0x1;
	[dreg:$0x2] =	wrdreg s7  }
0xad: {  	[dreg:$0x3] =	wrdreg s9  }
0xae: {  	[dreg:$0x4] =	wrdreg $0xC0  }
0xaf: {  	_ =	task [dreg:s11], $0x5FFFF  }
0xb0: {  	[dreg:$0x1] =	wrdreg $0xFFFFFFFF  }
0xb1: {  	[dreg:$0x0] =	wrdreg $0x60  }
0xb2: {  	[dreg:$0x2] =	wrdreg s24  }
0xb3: {  	[dreg:$0x3] =	wrdreg s2  }
0xb4: {  	[dreg:$0x4] =	wrdreg s18  }
0xb5: {  	[dreg:$0x5] =	wrdreg s4  }
0xb6: {  	[dreg:$0x6] =	wrdreg s5  }
0xb7: {  	[dreg:$0x7] =	wrdreg s6  }
0xb8: {  	[dreg:$0x8] =	wrdreg $0x9  }
0xb9: {  	_ =	task.clear_ibuf [dreg:s11], $0x9FFFF;
	_ =	strace $0x90000046  }
0xba: {  	s29 =	simm.s32 $0x9;
	_ =	strace $0x80000048  }
0xbb: {  	_ =	swait.ge [sflag:s29], $0x1  }
0xbc: {  	[sflag:s29] =	ssyncadd.s32 $0xFFFFFFFF  }
0xbd: {  	_ =	strace $0x90000048  }
0xbe: {  	_ =	sfence  }
0xbf: {  	s30 =	sld [smem:$0x0];
	_ =	sdelay $0x2  }
0xc0: {  	s31 =	sshll.u32 s1, $0xD;
	s1 =	sshrl.u32 s1, $0x2  }
0xc1: {  	s3 =	sand.u32 $0x4000, s31;
	s1 =	sadd.s32 s1, s30  }
0xc2: {  	s0 =	sor.u32 s3, s0;
	s1 =	sshll.u32 s1, $0x11  }
0xc3: {  	s0 =	sor.u32 s1, s0  }
0xc4: {  	s0 =	sadd.s32 $0x8F2B, s0  }
0xc5: {  	[sflag:s0] =	ssyncadd.remote.s32 $0x1  }
0xc6: {  	_ =	sfence.sel $0xFFFF  }
0xc7: {  	[dreg:$0x0] =	wrdreg $0xFFFFFFFF;
	(pc) =	sbr.abs _section_cstart, $3  }
0xc8: {  	[dreg:$0x1] =	wrdreg $0xFFFFFFFF  }
0xc9: {  	_ =	task.clear_ibuf [dreg:s11], $0x2FFFF;
	_ =	strace $0x9FFFFFFF  }
0xca: {  	(tm) =	ssettm $0x7FFFFFFF  }
0xcb: {  	_ =	shalt  }
tec
execute0_lowered:
.L_overlay_start_1:
0x0: {  	(tag) =	ssettag $0x1  }
0x1: {  	s0 =	rddreg [dreg:$0x0]  }
0x2: {  	s1 =	rddreg [dreg:$0x1]  }
0x3: {  	s2 =	rddreg [dreg:$0x2]  }
0x4: {  	s3 =	rddreg [dreg:$0x3]  }
0x5: {  	s4 =	rddreg [dreg:$0x5]  }
0x6: {  	s5 =	simm.s32 $0x0;
	s7 =	srdreg.scid;
	[dreg:$0x7] =	wrdreg s4  }
0x7: {  	s10 =	stileid.u32;
	[smem:$0x7FF] =	sst s5;
	s22 =	sadd.s32 $0x1800, s0  }
0x8: {  	s6 =	sadd.s32 $0x800, s0;
	s8 =	sadd.s32 $0x2800, s0;
	s9 =	sadd.s32 $0x3800, s0  }
0x9: {  	s7 =	sand.u32 $0x1, s7;
	s23 =	sshll.u32 s10, $0x7;
	s11 =	sadd.s32 $0x43800, s0  }
0xa: {  	_ =	strace $0x80000047;
	[dreg:$0x8] =	wrdreg s9;
	s24 =	sshll.u32 s7, $0x6  }
0xb: {  	s12 =	ssub.s32 $0x2, s7;
	[dreg:$0x9] =	wrdreg s11;
	s9 =	sor.u32 s24, s23  }
0xc: {  	s25 =	sshrl.u32 s12, $0x1;
	s7 =	sadd.s32 s0, s9;
	s11 =	sadd.s32 s22, s9  }
0xd: {  	s0 =	ssub.s32 s12, s25;
	s17 =	sadd.s32 s6, s9;
	[dreg:$0xb] =	wrdreg s11  }
0xe: {  	s12 =	sor.u32 $0x10, s9;
	s26 =	sadd.s32 $0x1000, s7;
	[dreg:$0xf] =	wrdreg s17  }
0xf: {  	s14 =	sor.u32 $0x20, s9;
	s13 =	sadd.s32 s22, s12;
	[dreg:$0xa] =	wrdreg s26  }
0x10: {  	s15 =	sor.u32 $0x30, s9;
	s16 =	sadd.s32 s22, s14;
	[dreg:$0xc] =	wrdreg s13  }
0x11: {  	s4 =	sadd.s32 s22, s15;
	[dreg:$0xd] =	wrdreg s16  }
0x12: {  	s18 =	sadd.s32 s6, s12;
	[dreg:$0xe] =	wrdreg s4  }
0x13: {  	s28 =	simm.s32 $0x580;
	s19 =	sadd.s32 s6, s14;
	[dreg:$0x10] =	wrdreg s18  }
0x14: {  	s29 =	simm.s32 $0x600;
	s20 =	sadd.s32 s6, s15;
	[dreg:$0x11] =	wrdreg s19  }
0x15: {  	s30 =	simm.s32 $0x680;
	s21 =	sadd.s32 $0x2000, s7;
	[dreg:$0x12] =	wrdreg s20  }
0x16: {  	s31 =	simm.s32 $0x400;
	s22 =	sadd.s32 s8, s9;
	[dreg:$0x13] =	wrdreg s21  }
0x17: {  	s23 =	sadd.s32 s8, s12;
	s24 =	sadd.s32 s8, s14;
	[dreg:$0x14] =	wrdreg s22  }
0x18: {  	s25 =	sadd.s32 s8, s15;
	s6 =	simm.s32 $0x700;
	[dreg:$0x15] =	wrdreg s23  }
0x19: {  	v0 =	vlaneseq.u32;
	s8 =	simm.s32 $0xC3800;
	s9 =	simm.s32 $0x0;
	[dreg:$0x16] =	wrdreg s24  }
0x1a: {  	v1 =	vmul.u32 $0x80, v0;
	[dreg:$0x17] =	wrdreg s25;
	s26 =	sadd.s32 $0x3000, s7;
	s23 =	smax.u32 s0, $0x1  }
0x1b: {  	v3 =	vor.u32 $0x10, v0;
	v5 =	vor.u32 $0x20, v0;
	v7 =	vor.u32 $0x30, v0;
	s24 =	simm.s32 $0x14700;
	s25 =	simm.s32 $0x2;
	s0 =	simm.s32 $0x7A1400  }
0x1c: {  	v2 =	vor.u32 $0x800, v1;
	v4 =	vor.u32 $0x1000, v1;
	v6 =	vor.u32 $0x1800, v1;
	s4 =	simm.s32 $0x10700;
	[dreg:$0x18] =	wrdreg s26;
	s26 =	simm.s32 $0x500  }
.LBB2_1:
0x1d: {  	s10 =	rddreg [dreg:$0x4]  }
0x1e: {  	[tilespmem:s24], [sflag:$0x2] =	stream.linear.gather [hbm4b:s10+s5], $0x2000, $0x38;
	[tilespmem:$0x16700] =	vst v63  }
0x1f: {  	_ =	swait.ge [sflag:s25], $0x2000  }
0x20: {  	[sflag:s25] =	ssyncset.done $0x0  }
0x21: {  	s18 =	rddreg [dreg:$0xa];
	[sflag:s25] =	ssyncadd.s32 $0xFFFFE000  }
0x22: {  	[tilespmem:s5], [sflag:$0x2] =	stream.linear.gather [hbm4b:s18+s5], $0x200, $0x38;
	[tilespmem:$0x16700] =	vst v63  }
0x23: {  	_ =	swait.ge [sflag:s25], $0x200  }
0x24: {  	[sflag:s25] =	ssyncset.done $0x0  }
0x25: {  	s19 =	rddreg [dreg:$0xb];
	[sflag:s25] =	ssyncadd.s32 $0xFFFFFE00  }
0x26: {  	[tilespmem:s26], [sflag:$0x2] =	stream.linear.gather [hbm4b:s19+s5], $0x80, $0x38;
	[tilespmem:$0x16700] =	vst v63  }
0x27: {  	_ =	swait.ge [sflag:s25], $0x80  }
0x28: {  	[sflag:s25] =	ssyncset.done $0x0  }
0x29: {  	s20 =	rddreg [dreg:$0xc];
	[sflag:s25] =	ssyncadd.s32 $0xFFFFFF80  }
0x2a: {  	[tilespmem:s28], [sflag:$0x2] =	stream.linear.gather [hbm4b:s20+s5], $0x80, $0x38;
	[tilespmem:$0x16700] =	vst v63  }
0x2b: {  	_ =	swait.ge [sflag:s25], $0x80  }
0x2c: {  	[sflag:s25] =	ssyncset.done $0x0  }
0x2d: {  	s21 =	rddreg [dreg:$0xd];
	[sflag:s25] =	ssyncadd.s32 $0xFFFFFF80  }
0x2e: {  	[tilespmem:s29], [sflag:$0x2] =	stream.linear.gather [hbm4b:s21+s5], $0x80, $0x38;
	[tilespmem:$0x16700] =	vst v63  }
0x2f: {  	_ =	swait.ge [sflag:s25], $0x80  }
0x30: {  	[sflag:s25] =	ssyncset.done $0x0  }
0x31: {  	s22 =	rddreg [dreg:$0xe];
	[sflag:s25] =	ssyncadd.s32 $0xFFFFFF80  }
0x32: {  	[tilespmem:s30], [sflag:$0x2] =	stream.linear.gather [hbm4b:s22+s5], $0x80, $0x38;
	[tilespmem:$0x16700] =	vst v63  }
0x33: {  	_ =	swait.ge [sflag:s25], $0x80  }
0x34: {  	s11 =	simm.s32 $0x0;
	[sflag:s25] =	ssyncset.done $0x0  }
0x35: {  	s12 =	simm.s32 $0x0;
	s10 =	simm.s32 $0x0;
	[sflag:s25] =	ssyncadd.s32 $0xFFFFFF80  }
.LBB2_2:
0x36: {  	v8 =	vld [tilespmem:s10+$0x0]  }
0x37: {  	s13 =	smax.u32 s12, $0x1  }
0x38: {  	v9 =	vld [tilespmem:s13+$0xFFFFFFFF];
	_ =	sdelay $0x2  }
0x39: {  	(v2sf) =	vpush v8, $0x0;
	_ =	sdelay $0x1  }
0x3a: {  	(v2sf) =	vpush v9, $0x0;
	_ =	sdelay $0xc  }
0x3b: {  	s14 =	spop (v2sf)  }
0x3c: {  	s15 =	sshra.s32 s14, $0x1F;
	s16 =	sand.u32 $0x7F, s14  }
0x3d: {  	p0 =	slt.s32 s14, $0x1;
	s21 =	spop (v2sf);
	s15 =	sshrl.u32 s15, $0x19  }
0x3e: {  	p1 =	sne.s32 s16, $0x0;
	s22 =	sand.u32 $0x7F, s21;
	s17 =	sshra.s32 s21, $0x1F  }
0x3f: {  	p6 =	slt.s32 s21, $0x1;
	s16 =	simm.s32 $0x1;
	s14 =	sadd.s32 s15, s14  }
0x40: {  	p0 =	por !p0, !p1;
	p2 =	sne.s32 s22, $0x0;
	s17 =	sshrl.u32 s17, $0x19  }
0x41: {  	s14 =	sshra.s32 s14, $0x7;
	p0 =	por !p0, !p0;
	p1 =	por !p6, !p2  }
0x42: {  	s15 =	sadd.s32 s17, s21;
	s17 =	simm.s32 $0x1;
	p1 =	por !p1, !p1  }
0x43: {  	s16 =	simm.s32 @!p0 $0x0;
	s15 =	sshra.s32 s15, $0x7;
	s17 =	simm.s32 @!p1 $0x0  }
0x44: {  	p0 =	seq.s32 s12, $0x0;
	s14 =	ssub.s32 s14, s16;
	s15 =	ssub.s32 s15, s17  }
0x45: {  	p1 =	seq.s32 @!p0 s14, s15  }
0x46: {  	p1 =	por p0, !p1  }
0x47: {  	s15 =	sshra.s32 @p1 s11, $0x1F  }
0x48: {  	s15 =	sshrl.u32 @p1 s15, $0x1D  }
0x49: {  	s15 =	sadd.s32 @p1 s15, s11  }
0x4a: {  	s15 =	sand.u32 @p1 $0x1FFF8, s15  }
0x4b: {  	s15 =	ssub.s32 @p1 s11, s15  }
0x4c: {  	s14 =	sshll.u32 @p1 s14, $0x7;
	s15 =	sshll.u32 @p1 s15, $0xF  }
0x4d: {  	s14 =	sand.u32 @p1 $0x1FFFFF80, s14;
	s15 =	sshra.s32 @p1 s15, $0x2  }
0x4e: {  	s14 =	sadd.s32 @p1 s1, s14;
	s15 =	sor.u32 @p1 $0x700, s15  }
0x4f: {  	[tilespmem:s15], [sflag:$0x1] =	stream.strided.gather @p1 [hbm4b:s14+s31], $0x2000, s0, s31, $0x38;
	[tilespmem:$0x16700] =	vst v63  }
0x50: {  	v8 =	vld [tilespmem:s10+$0x0];
	_ =	sdelay $0x1  }
0x51: {  	v63 =	vld [tilespmem:s13+$0xFFFFFFFF];
	_ =	sdelay $0x2  }
0x52: {  	(v2sf) =	vpush v8, $0x0;
	_ =	sdelay $0x1  }
0x53: {  	(v2sf) =	vpush v63, $0x0;
	_ =	sdelay $0xc  }
0x54: {  	s16 =	spop (v2sf)  }
0x55: {  	s15 =	simm.s32 $0x1;
	s17 =	sshra.s32 s16, $0x1F  }
0x56: {  	s18 =	sand.u32 $0x7F, s16;
	s19 =	spop (v2sf);
	p3 =	slt.s32 s16, $0x1  }
0x57: {  	s14 =	sshrl.u32 s17, $0x19;
	p4 =	sne.s32 s18, $0x0;
	s20 =	sand.u32 $0x7F, s19  }
0x58: {  	p5 =	slt.s32 s19, $0x1;
	s22 =	sshra.s32 s19, $0x1F;
	s14 =	sadd.s32 s14, s16  }
0x59: {  	p1 =	por !p3, !p4;
	p3 =	sne.s32 s20, $0x0;
	s16 =	simm.s32 $0x1  }
0x5a: {  	p2 =	por !p5, !p3;
	s21 =	sshra.s32 s14, $0x7;
	s14 =	sshrl.u32 s22, $0x19  }
0x5b: {  	p1 =	por !p1, !p1;
	s14 =	sadd.s32 s14, s19;
	p2 =	por !p2, !p2  }
0x5c: {  	s15 =	simm.s32 @!p1 $0x0;
	s14 =	sshra.s32 s14, $0x7;
	s16 =	simm.s32 @!p2 $0x0  }
0x5d: {  	s13 =	ssub.s32 s21, s15;
	s14 =	ssub.s32 s14, s16  }
0x5e: {  	p6 =	sne.s32 s13, s14  }
0x5f: {  	s12 =	sadd.s32 $0x1, s12;
	s13 =	simm.s32 $0x1;
	p0 =	por p0, p6  }
0x60: {  	s13 =	simm.s32 @!p0 $0x0;
	p0 =	sne.s32 s12, $0x6  }
.Ltmp0:
0x61: {  	_ = 	snop;
	(pc) =	sbr.rel @p0 .LBB2_2-.Ltmp0, $2  }
0x62: {  	_ =	sdelay $0x2  }
0x63: {  	s10 =	sadd.s32 $0x1, s10;
	s11 =	sadd.s32 s13, s11  }
0x64: {  	s12 =	simm.s32 $0x6  }
0x65: {  	v8 =	vld [tilespmem:s12+$0x0]  }
0x66: {  	v9 =	vld [tilespmem:s12+$0xFFFFFFFF];
	_ =	sdelay $0x3  }
0x67: {  	(v2sf) =	vpush v8, $0x0  }
0x68: {  	(v2sf) =	vpush v9, $0x0;
	_ =	sdelay $0xd  }
0x69: {  	s10 =	spop (v2sf)  }
0x6a: {  	s13 =	sand.u32 $0x7F, s10;
	s14 =	spop (v2sf)  }
0x6b: {  	s15 =	sshra.s32 s10, $0x1F;
	p1 =	slt.s32 s10, $0x1;
	p0 =	sne.s32 s13, $0x0  }
0x6c: {  	s20 =	sshra.s32 s14, $0x1F;
	s16 =	sand.u32 $0x7F, s14;
	s15 =	sshrl.u32 s15, $0x19  }
0x6d: {  	p4 =	slt.s32 s14, $0x1;
	p2 =	sne.s32 s16, $0x0;
	p0 =	por !p1, !p0  }
0x6e: {  	s13 =	sshrl.u32 s20, $0x19;
	s10 =	sadd.s32 s15, s10;
	s15 =	simm.s32 $0x1  }
0x6f: {  	p0 =	por !p0, !p0;
	s13 =	sadd.s32 s13, s14;
	p1 =	por !p4, !p2  }
0x70: {  	s14 =	simm.s32 $0x1;
	s10 =	sshra.s32 s10, $0x7;
	p1 =	por !p1, !p1  }
0x71: {  	s13 =	sshra.s32 s13, $0x7;
	s14 =	simm.s32 @!p0 $0x0;
	s15 =	simm.s32 @!p1 $0x0  }
0x72: {  	s10 =	ssub.s32 s10, s14;
	s13 =	ssub.s32 s13, s15  }
0x73: {  	p5 =	por $0x1, $0x1;
	p6 =	sne.s32 s10, s13  }
0x74: {  	p0 =	por !p5, !p6  }
0x75: {  	p0 =	por !p0, !p0  }
0x76: {  	s13 =	sshra.s32 @p0 s11, $0x1F  }
0x77: {  	s13 =	sshrl.u32 @p0 s13, $0x1D  }
0x78: {  	s13 =	sadd.s32 @p0 s13, s11  }
0x79: {  	s13 =	sand.u32 @p0 $0x1FFF8, s13  }
0x7a: {  	s13 =	ssub.s32 @p0 s11, s13  }
0x7b: {  	s10 =	sshll.u32 @p0 s10, $0x7;
	s13 =	sshll.u32 @p0 s13, $0xF  }
0x7c: {  	s14 =	simm.s32 @p0 $0x400;
	s10 =	sand.u32 @p0 $0x1FFFFF80, s10;
	s13 =	sshra.s32 @p0 s13, $0x2  }
0x7d: {  	s15 =	simm.s32 @p0 $0x7A1400;
	s10 =	sadd.s32 @p0 s1, s10;
	s13 =	sor.u32 @p0 $0x700, s13  }
0x7e: {  	[tilespmem:s13], [sflag:$0x1] =	stream.strided.gather @p0 [hbm4b:s10+s14], $0x2000, s15, s14, $0x38;
	[tilespmem:$0x16700] =	vst v63  }
0x7f: {  	s10 =	simm.s32 $0x0  }
0x80: {  	v8 =	vld [tilespmem:s12+$0xFFFFFFFA];
	s21 =	smax.u32 s10, $0x1  }
0x81: {  	v63 =	vld [tilespmem:s21+$0xFFFFFFFF];
	_ =	sdelay $0x3  }
0x82: {  	(v2sf) =	vpush v8, $0x0  }
0x83: {  	(v2sf) =	vpush v63, $0x0;
	_ =	sdelay $0xb  }
0x84: {  	s13 =	simm.s32 $0x1  }
0x85: {  	s14 =	simm.s32 $0x7;
	s12 =	simm.s32 $0x1;
	s13 =	simm.s32 @!p0 $0x0  }
0x86: {  	s13 =	sadd.s32 s13, s11;
	s11 =	simm.s32 $0x0;
	s17 =	spop (v2sf)  }
0x87: {  	p1 =	slt.s32 s17, $0x1;
	s22 =	sand.u32 $0x7F, s17;
	s18 =	spop (v2sf)  }
0x88: {  	s19 =	sshra.s32 s17, $0x1F;
	p2 =	sne.s32 s22, $0x0;
	s15 =	sand.u32 $0x7F, s18  }
.LBB2_4:
0x89: {  	s20 =	sshra.s32 s18, $0x1F;
	p0 =	slt.s32 s18, $0x1  }
0x8a: {  	p3 =	sne.s32 s15, $0x0;
	p1 =	por !p1, !p2;
	s19 =	sshrl.u32 s19, $0x19  }
0x8b: {  	s21 =	simm.s32 $0x1;
	s22 =	simm.s32 $0x1;
	s20 =	sshrl.u32 s20, $0x19  }
0x8c: {  	p0 =	por !p0, !p3;
	p1 =	por !p1, !p1;
	s19 =	sadd.s32 s19, s17  }
0x8d: {  	p0 =	por !p0, !p0;
	s21 =	simm.s32 @!p1 $0x0;
	s20 =	sadd.s32 s20, s18  }
0x8e: {  	s19 =	sshra.s32 s19, $0x7;
	s22 =	simm.s32 @!p0 $0x0;
	s18 =	sshra.s32 s20, $0x7  }
0x8f: {  	s21 =	ssub.s32 s19, s21;
	s18 =	ssub.s32 s18, s22  }
0x90: {  	p2 =	seq.s32 s10, $0x0;
	s19 =	sshll.u32 s19, $0x7;
	p3 =	sne.s32 s21, s18  }
0x91: {  	s22 =	ssub.s32 s17, s19;
	s19 =	simm.s32 $0x1;
	p1 =	por p2, p3  }
0x92: {  	s19 =	simm.s32 @!p1 $0x0  }
0x93: {  	s11 =	sadd.s32 s19, s11  }
0x94: {  	s19 =	sadd.s32 $0xFFFFFFFF, s11  }
0x95: {  	s21 =	sshra.s32 s19, $0x1F  }
0x96: {  	s20 =	sshrl.u32 s21, $0x1D  }
0x97: {  	s20 =	sadd.s32 s20, s19  }
0x98: {  	s20 =	sand.u32 $0x7FFF8, s20  }
0x99: {  	s19 =	ssub.s32 s19, s20  }
0x9a: {  	v8 =	vmov s22;
	s22 =	sshll.u32 s19, $0xD  }
0x9b: {  	v8 =	vadd.s32 s22, v8  }
0x9c: {  	s18 =	simm.s32 @p1 $0x1;
	v9 =	vadd.s32 v1, v8  }
0x9d: {  	_ =	swait.ge @p1 [sflag:s18], $0x2000  }
0x9e: {  	[sflag:s18] =	ssyncset.done @p1 $0x0  }
0x9f: {  	[sflag:s18] =	ssyncadd.s32 @p1 $0xFFFFE000;
	s18 =	sand.u32 $0x7F, s10  }
0xa0: {  	s19 =	sshll.u32 s18, $0x7  }
0xa1: {  	v10 =	vor.u32 s19, v0;
	v9 =	vld.idx.msk [tilespmem:v9+s6+$0x0], $0xffff  }
0xa2: {  	v11 =	vadd.s32 v2, v8;
	_ =	sdelay $0x3  }
0xa3: {  	[tilespmem:v10+s4+$0x0] =	vst.idx.msk $0xffff, v9  }
0xa4: {  	v58 =	vor.u32 s19, v3;
	v9 =	vld.idx.msk [tilespmem:v11+s6+$0x0], $0xffff  }
0xa5: {  	v59 =	vadd.s32 v4, v8;
	_ =	sdelay $0x3  }
0xa6: {  	[tilespmem:v58+s4+$0x0] =	vst.idx.msk $0xffff, v9  }
0xa7: {  	v60 =	vor.u32 s19, v5;
	v9 =	vld.idx.msk [tilespmem:v59+s6+$0x0], $0xffff  }
0xa8: {  	v8 =	vadd.s32 v6, v8;
	_ =	sdelay $0x2  }
0xa9: {  	p1 =	sne.s32 s18, $0x7F  }
0xaa: {  	p2 =	seq.s32 @!p1 s10, $0x0;
	[tilespmem:v60+s4+$0x0] =	vst.idx.msk $0xffff, v9  }
0xab: {  	s17 =	simm.s32 @!p1 $0x1;
	p2 =	por !p2, p1;
	v61 =	vor.u32 s19, v7;
	v8 =	vld.idx.msk [tilespmem:v8+s6+$0x0], $0xffff  }
0xac: {  	s16 =	smov.u32 s12;
	s17 =	simm.s32 @p2 $0x0;
	s18 =	sshrl.u32 @!p1 s10, $0x7  }
0xad: {  	s10 =	smov.u32 s16;
	s16 =	ssub.s32 @!p1 s18, s17  }
0xae: {  	s16 =	sshll.u32 @!p1 s16, $0x9  }
0xaf: {  	s20 =	simm.s32 @!p1 $0x10700;
	s17 =	rddreg [dreg:$0x7];
	s16 =	sshra.s32 @!p1 s16, $0x2  }
0xb0: {  	s18 =	simm.s32 @!p1 $0x2;
	s19 =	simm.s32 @!p1 $0x80;
	s16 =	sadd.s32 @!p1 $0x500, s16;
	[tilespmem:v61+s4+$0x0] =	vst.idx.msk $0xffff, v8  }
0xb1: {  	[hbm4b:s17+s19] =	stream.indirect.scatter @!p1 [tilespmem:s20], [sflag:$0x2], $0x80, s16, s19, $0xb8;
	[tilespmem:$0x16700] =	vst v63  }
0xb2: {  	_ =	swait.ge @!p1 [sflag:s18], $0x4000  }
0xb3: {  	[sflag:s18] =	ssyncset.done @!p1 $0x0  }
0xb4: {  	[sflag:s18] =	ssyncadd.s32 @!p1 $0xFFFFC000  }
0xb5: {  	v8 =	vld [tilespmem:s14+$0x0];
	_ =	sdelay $0x1  }
0xb6: {  	v62 =	vld [tilespmem:s14+$0xFFFFFFFF];
	_ =	sdelay $0x2  }
0xb7: {  	(v2sf) =	vpush v8, $0x0;
	_ =	sdelay $0x1  }
0xb8: {  	(v2sf) =	vpush v62, $0x0;
	_ =	sdelay $0xc  }
0xb9: {  	s16 =	spop (v2sf)  }
0xba: {  	s17 =	sshra.s32 s16, $0x1F;
	s20 =	sand.u32 $0x7F, s16  }
0xbb: {  	s19 =	spop (v2sf);
	p5 =	slt.s32 s16, $0x1;
	p4 =	sne.s32 s20, $0x0  }
0xbc: {  	s21 =	sshra.s32 s19, $0x1F;
	s22 =	sand.u32 $0x7F, s19;
	s17 =	sshrl.u32 s17, $0x19  }
0xbd: {  	p6 =	sne.s32 s22, $0x0;
	p1 =	por !p5, !p4;
	s18 =	sshrl.u32 s21, $0x19  }
0xbe: {  	p4 =	slt.s32 s19, $0x1;
	s16 =	sadd.s32 s17, s16;
	p1 =	por !p1, !p1  }
0xbf: {  	s18 =	sadd.s32 s18, s19;
	p2 =	por !p4, !p6;
	s19 =	simm.s32 $0x1  }
0xc0: {  	s20 =	sshra.s32 s18, $0x7;
	p2 =	por !p2, !p2;
	s18 =	simm.s32 $0x1  }
0xc1: {  	s16 =	sshra.s32 s16, $0x7;
	s18 =	simm.s32 @!p1 $0x0;
	s19 =	simm.s32 @!p2 $0x0  }
0xc2: {  	s16 =	ssub.s32 s16, s18;
	s17 =	ssub.s32 s20, s19  }
0xc3: {  	p5 =	slt.u32 s10, $0x1FA;
	p6 =	sne.s32 s16, s17  }
0xc4: {  	p1 =	por !p5, !p6  }
0xc5: {  	p1 =	por !p1, !p1  }
0xc6: {  	s17 =	sshra.s32 @p1 s13, $0x1F  }
0xc7: {  	s15 =	smov.u32 s13;
	s17 =	sshrl.u32 @p1 s17, $0x1D  }
0xc8: {  	s17 =	sadd.s32 @p1 s17, s15  }
0xc9: {  	s17 =	sand.u32 @p1 $0x1FFF8, s17  }
0xca: {  	s18 =	simm.s32 $0x1;
	s16 =	sshll.u32 @p1 s16, $0x7;
	s15 =	ssub.s32 @p1 s15, s17  }
0xcb: {  	s18 =	simm.s32 @!p1 $0x0;
	s16 =	sand.u32 @p1 $0x1FFFFF80, s16;
	s15 =	sshll.u32 @p1 s15, $0xF  }
0xcc: {  	s13 =	sadd.s32 s18, s13;
	s18 =	simm.s32 @p1 $0x7A1400;
	s15 =	sshra.s32 @p1 s15, $0x2  }
0xcd: {  	s16 =	sadd.s32 @p1 s1, s16;
	s17 =	simm.s32 @p1 $0x400;
	s15 =	sor.u32 @p1 $0x700, s15  }
0xce: {  	[tilespmem:s15], [sflag:$0x1] =	stream.strided.gather @p1 [hbm4b:s16+s17], $0x2000, s18, s17, $0x38;
	[tilespmem:$0x16700] =	vst v63  }
0xcf: {  	s21 =	smax.u32 s10, $0x1;
	v8 =	vld [tilespmem:s14+$0xFFFFFFFA]  }
0xd0: {  	v63 =	vld [tilespmem:s21+$0xFFFFFFFF];
	_ =	sdelay $0x3  }
0xd1: {  	(v2sf) =	vpush v8, $0x0  }
0xd2: {  	(v2sf) =	vpush v63, $0x0;
	_ =	sdelay $0x9  }
0xd3: {  	s12 =	sadd.s32 $0x1, s12  }
0xd4: {  	p0 =	sne.s32 s12, $0x200  }
.Ltmp1:
0xd5: {  	_ = 	snop;
	(pc) =	sbr.rel @p0 .LBB2_4-.Ltmp1, $4  }
0xd6: {  	_ = 	snop  }
0xd7: {  	s14 =	sadd.s32 $0x1, s14;
	s17 =	spop (v2sf)  }
0xd8: {  	p1 =	slt.s32 s17, $0x1;
	s22 =	sand.u32 $0x7F, s17;
	s18 =	spop (v2sf)  }
0xd9: {  	s19 =	sshra.s32 s17, $0x1F;
	p2 =	sne.s32 s22, $0x0;
	s15 =	sand.u32 $0x7F, s18  }
0xda: {  	s12 =	sshra.s32 s18, $0x1F;
	p0 =	slt.s32 s18, $0x1  }
0xdb: {  	p3 =	sne.s32 s15, $0x0;
	p1 =	por !p1, !p2;
	s13 =	sshrl.u32 s19, $0x19  }
0xdc: {  	s14 =	simm.s32 $0x1;
	s15 =	simm.s32 $0x1;
	s12 =	sshrl.u32 s12, $0x19  }
0xdd: {  	p0 =	por !p0, !p3;
	p1 =	por !p1, !p1;
	s13 =	sadd.s32 s13, s17  }
0xde: {  	p0 =	por !p0, !p0;
	s14 =	simm.s32 @!p1 $0x0;
	s12 =	sadd.s32 s12, s18  }
0xdf: {  	s13 =	sshra.s32 s13, $0x7;
	s15 =	simm.s32 @!p0 $0x0;
	s12 =	sshra.s32 s12, $0x7  }
0xe0: {  	s14 =	ssub.s32 s13, s14;
	s12 =	ssub.s32 s12, s15  }
0xe1: {  	p5 =	seq.s32 s10, $0x0;
	p6 =	sne.s32 s14, s12  }
0xe2: {  	s12 =	simm.s32 $0x1;
	p0 =	por p5, p6  }
0xe3: {  	s12 =	simm.s32 @!p0 $0x0  }
0xe4: {  	s11 =	sadd.s32 s12, s11  }
0xe5: {  	s11 =	sadd.s32 $0xFFFFFFFF, s11  }
0xe6: {  	s16 =	sshra.s32 s11, $0x1F  }
0xe7: {  	s12 =	sshrl.u32 s16, $0x1D  }
0xe8: {  	s12 =	sadd.s32 s12, s11  }
0xe9: {  	s13 =	sshll.u32 s13, $0x7;
	s12 =	sand.u32 $0x7FFF8, s12  }
0xea: {  	s13 =	ssub.s32 s17, s13;
	s11 =	ssub.s32 s11, s12  }
0xeb: {  	v8 =	vmov s13;
	s11 =	sshll.u32 s11, $0xD  }
0xec: {  	v8 =	vadd.s32 s11, v8  }
0xed: {  	v9 =	vadd.s32 v1, v8  }
0xee: {  	s11 =	simm.s32 @p0 $0x1  }
0xef: {  	_ =	swait.ge @p0 [sflag:s11], $0x2000  }
0xf0: {  	s17 =	sand.u32 $0x7F, s10;
	[sflag:s11] =	ssyncset.done @p0 $0x0  }
0xf1: {  	s18 =	sshll.u32 s17, $0x7;
	[sflag:s11] =	ssyncadd.s32 @p0 $0xFFFFE000  }
0xf2: {  	v10 =	vor.u32 s18, v0;
	v9 =	vld.idx.msk [tilespmem:v9+s6+$0x0], $0xffff  }
0xf3: {  	v11 =	vadd.s32 v2, v8;
	_ =	sdelay $0x3  }
0xf4: {  	[tilespmem:v10+s4+$0x0] =	vst.idx.msk $0xffff, v9  }
0xf5: {  	v60 =	vor.u32 s18, v3;
	v9 =	vld.idx.msk [tilespmem:v11+s6+$0x0], $0xffff  }
0xf6: {  	v61 =	vadd.s32 v4, v8;
	_ =	sdelay $0x3  }
0xf7: {  	[tilespmem:v60+s4+$0x0] =	vst.idx.msk $0xffff, v9  }
0xf8: {  	v62 =	vor.u32 s18, v5;
	v9 =	vld.idx.msk [tilespmem:v61+s6+$0x0], $0xffff  }
0xf9: {  	v8 =	vadd.s32 v6, v8;
	_ =	sdelay $0x2  }
0xfa: {  	p0 =	sne.s32 s17, $0x7F  }
0xfb: {  	p1 =	seq.s32 @!p0 s10, $0x0;
	[tilespmem:v62+s4+$0x0] =	vst.idx.msk $0xffff, v9  }
0xfc: {  	v63 =	vor.u32 s18, v7;
	s11 =	simm.s32 @!p0 $0x1;
	p1 =	por !p1, p0;
	v8 =	vld.idx.msk [tilespmem:v8+s6+$0x0], $0xffff  }
0xfd: {  	s10 =	sshrl.u32 @!p0 s10, $0x7;
	s11 =	simm.s32 @p1 $0x0  }
0xfe: {  	s10 =	ssub.s32 @!p0 s10, s11  }
0xff: {  	s10 =	sshll.u32 @!p0 s10, $0x9  }
0x100: {  	s12 =	simm.s32 @!p0 $0x2;
	s13 =	simm.s32 @!p0 $0x80;
	s10 =	sshra.s32 @!p0 s10, $0x2  }
0x101: {  	s14 =	simm.s32 @!p0 $0x10700;
	s11 =	rddreg [dreg:$0x7];
	s10 =	sadd.s32 @!p0 $0x500, s10;
	[tilespmem:v63+s4+$0x0] =	vst.idx.msk $0xffff, v8  }
0x102: {  	[hbm4b:s11+s13] =	stream.indirect.scatter @!p0 [tilespmem:s14], [sflag:$0x2], $0x80, s10, s13, $0xb8;
	[tilespmem:$0x16700] =	vst v63  }
0x103: {  	_ =	swait.ge @!p0 [sflag:s12], $0x4000  }
0x104: {  	[sflag:s12] =	ssyncset.done @!p0 $0x0  }
0x105: {  	s10 =	simm.s32 $0x0;
	[sflag:s12] =	ssyncadd.s32 @!p0 $0xFFFFC000  }
0x106: {  	[tilespmem:s10], [sflag:$0x2] =	stream.linear.gather [hbm4b:s7+s10], $0x200, $0x38;
	[tilespmem:$0x16700] =	vst v63  }
0x107: {  	_ =	swait.ge [sflag:s25], $0x200  }
0x108: {  	[sflag:s25] =	ssyncset.done $0x0  }
0x109: {  	s19 =	rddreg [dreg:$0xf];
	[sflag:s25] =	ssyncadd.s32 $0xFFFFFE00  }
0x10a: {  	[tilespmem:s26], [sflag:$0x2] =	stream.linear.gather [hbm4b:s19+s10], $0x80, $0x38;
	[tilespmem:$0x16700] =	vst v63  }
0x10b: {  	_ =	swait.ge [sflag:s25], $0x80  }
0x10c: {  	[sflag:s25] =	ssyncset.done $0x0  }
0x10d: {  	s20 =	rddreg [dreg:$0x10];
	[sflag:s25] =	ssyncadd.s32 $0xFFFFFF80  }
0x10e: {  	[tilespmem:s28], [sflag:$0x2] =	stream.linear.gather [hbm4b:s20+s10], $0x80, $0x38;
	[tilespmem:$0x16700] =	vst v63  }
0x10f: {  	_ =	swait.ge [sflag:s25], $0x80  }
0x110: {  	[sflag:s25] =	ssyncset.done $0x0  }
0x111: {  	s21 =	rddreg [dreg:$0x11];
	[sflag:s25] =	ssyncadd.s32 $0xFFFFFF80  }
0x112: {  	[tilespmem:s29], [sflag:$0x2] =	stream.linear.gather [hbm4b:s21+s10], $0x80, $0x38;
	[tilespmem:$0x16700] =	vst v63  }
0x113: {  	_ =	swait.ge [sflag:s25], $0x80  }
0x114: {  	[sflag:s25] =	ssyncset.done $0x0  }
0x115: {  	s22 =	rddreg [dreg:$0x12];
	[sflag:s25] =	ssyncadd.s32 $0xFFFFFF80  }
0x116: {  	[tilespmem:s30], [sflag:$0x2] =	stream.linear.gather [hbm4b:s22+s10], $0x80, $0x38;
	[tilespmem:$0x16700] =	vst v63  }
0x117: {  	_ =	swait.ge [sflag:s25], $0x80  }
0x118: {  	[sflag:s25] =	ssyncset.done $0x0  }
0x119: {  	s11 =	simm.s32 $0x0;
	s12 =	simm.s32 $0x0;
	[sflag:s25] =	ssyncadd.s32 $0xFFFFFF80  }
.LBB2_6:
0x11a: {  	v8 =	vld [tilespmem:s10+$0x0]  }
0x11b: {  	s13 =	smax.u32 s12, $0x1  }
0x11c: {  	v9 =	vld [tilespmem:s13+$0xFFFFFFFF];
	_ =	sdelay $0x2  }
0x11d: {  	(v2sf) =	vpush v8, $0x0;
	_ =	sdelay $0x1  }
0x11e: {  	(v2sf) =	vpush v9, $0x0;
	_ =	sdelay $0xc  }
0x11f: {  	s14 =	spop (v2sf)  }
0x120: {  	s15 =	sshra.s32 s14, $0x1F;
	s16 =	sand.u32 $0x7F, s14  }
0x121: {  	p0 =	slt.s32 s14, $0x1;
	s21 =	spop (v2sf);
	s15 =	sshrl.u32 s15, $0x19  }
0x122: {  	p1 =	sne.s32 s16, $0x0;
	s22 =	sand.u32 $0x7F, s21;
	s17 =	sshra.s32 s21, $0x1F  }
0x123: {  	p6 =	slt.s32 s21, $0x1;
	s16 =	simm.s32 $0x1;
	s14 =	sadd.s32 s15, s14  }
0x124: {  	p0 =	por !p0, !p1;
	p2 =	sne.s32 s22, $0x0;
	s17 =	sshrl.u32 s17, $0x19  }
0x125: {  	s14 =	sshra.s32 s14, $0x7;
	p0 =	por !p0, !p0;
	p1 =	por !p6, !p2  }
0x126: {  	s15 =	sadd.s32 s17, s21;
	s17 =	simm.s32 $0x1;
	p1 =	por !p1, !p1  }
0x127: {  	s16 =	simm.s32 @!p0 $0x0;
	s15 =	sshra.s32 s15, $0x7;
	s17 =	simm.s32 @!p1 $0x0  }
0x128: {  	p0 =	seq.s32 s12, $0x0;
	s14 =	ssub.s32 s14, s16;
	s15 =	ssub.s32 s15, s17  }
0x129: {  	p1 =	seq.s32 @!p0 s14, s15  }
0x12a: {  	p1 =	por p0, !p1  }
0x12b: {  	s15 =	sshra.s32 @p1 s11, $0x1F  }
0x12c: {  	s15 =	sshrl.u32 @p1 s15, $0x1D  }
0x12d: {  	s15 =	sadd.s32 @p1 s15, s11  }
0x12e: {  	s15 =	sand.u32 @p1 $0x1FFF8, s15  }
0x12f: {  	s15 =	ssub.s32 @p1 s11, s15  }
0x130: {  	s14 =	sshll.u32 @p1 s14, $0x7;
	s15 =	sshll.u32 @p1 s15, $0xF  }
0x131: {  	s14 =	sand.u32 @p1 $0x1FFFFF80, s14;
	s15 =	sshra.s32 @p1 s15, $0x2  }
0x132: {  	s14 =	sadd.s32 @p1 s2, s14;
	s15 =	sor.u32 @p1 $0x700, s15  }
0x133: {  	[tilespmem:s15], [sflag:$0x1] =	stream.strided.gather @p1 [hbm4b:s14+s31], $0x2000, s0, s31, $0x38;
	[tilespmem:$0x16700] =	vst v63  }
0x134: {  	v8 =	vld [tilespmem:s10+$0x0];
	_ =	sdelay $0x1  }
0x135: {  	v63 =	vld [tilespmem:s13+$0xFFFFFFFF];
	_ =	sdelay $0x2  }
0x136: {  	(v2sf) =	vpush v8, $0x0;
	_ =	sdelay $0x1  }
0x137: {  	(v2sf) =	vpush v63, $0x0;
	_ =	sdelay $0xc  }
0x138: {  	s16 =	spop (v2sf)  }
0x139: {  	s15 =	simm.s32 $0x1;
	s17 =	sshra.s32 s16, $0x1F  }
0x13a: {  	s18 =	sand.u32 $0x7F, s16;
	s19 =	spop (v2sf);
	p3 =	slt.s32 s16, $0x1  }
0x13b: {  	s14 =	sshrl.u32 s17, $0x19;
	p4 =	sne.s32 s18, $0x0;
	s20 =	sand.u32 $0x7F, s19  }
0x13c: {  	p5 =	slt.s32 s19, $0x1;
	s22 =	sshra.s32 s19, $0x1F;
	s14 =	sadd.s32 s14, s16  }
0x13d: {  	p1 =	por !p3, !p4;
	p3 =	sne.s32 s20, $0x0;
	s16 =	simm.s32 $0x1  }
0x13e: {  	p2 =	por !p5, !p3;
	s21 =	sshra.s32 s14, $0x7;
	s14 =	sshrl.u32 s22, $0x19  }
0x13f: {  	p1 =	por !p1, !p1;
	s14 =	sadd.s32 s14, s19;
	p2 =	por !p2, !p2  }
0x140: {  	s15 =	simm.s32 @!p1 $0x0;
	s14 =	sshra.s32 s14, $0x7;
	s16 =	simm.s32 @!p2 $0x0  }
0x141: {  	s13 =	ssub.s32 s21, s15;
	s14 =	ssub.s32 s14, s16  }
0x142: {  	p6 =	sne.s32 s13, s14  }
0x143: {  	s12 =	sadd.s32 $0x1, s12;
	s13 =	simm.s32 $0x1;
	p0 =	por p0, p6  }
0x144: {  	s13 =	simm.s32 @!p0 $0x0;
	p0 =	sne.s32 s12, $0x6  }
.Ltmp2:
0x145: {  	_ = 	snop;
	(pc) =	sbr.rel @p0 .LBB2_6-.Ltmp2, $2  }
0x146: {  	_ =	sdelay $0x2  }
0x147: {  	s10 =	sadd.s32 $0x1, s10;
	s11 =	sadd.s32 s13, s11  }
0x148: {  	s12 =	simm.s32 $0x6  }
0x149: {  	v8 =	vld [tilespmem:s12+$0x0]  }
0x14a: {  	v9 =	vld [tilespmem:s12+$0xFFFFFFFF];
	_ =	sdelay $0x3  }
0x14b: {  	(v2sf) =	vpush v8, $0x0  }
0x14c: {  	(v2sf) =	vpush v9, $0x0;
	_ =	sdelay $0xd  }
0x14d: {  	s10 =	spop (v2sf)  }
0x14e: {  	s13 =	sand.u32 $0x7F, s10;
	s14 =	spop (v2sf)  }
0x14f: {  	s15 =	sshra.s32 s10, $0x1F;
	p1 =	slt.s32 s10, $0x1;
	p0 =	sne.s32 s13, $0x0  }
0x150: {  	s20 =	sshra.s32 s14, $0x1F;
	s16 =	sand.u32 $0x7F, s14;
	s15 =	sshrl.u32 s15, $0x19  }
0x151: {  	p4 =	slt.s32 s14, $0x1;
	p2 =	sne.s32 s16, $0x0;
	p0 =	por !p1, !p0  }
0x152: {  	s13 =	sshrl.u32 s20, $0x19;
	s10 =	sadd.s32 s15, s10;
	s15 =	simm.s32 $0x1  }
0x153: {  	p0 =	por !p0, !p0;
	s13 =	sadd.s32 s13, s14;
	p1 =	por !p4, !p2  }
0x154: {  	s14 =	simm.s32 $0x1;
	s10 =	sshra.s32 s10, $0x7;
	p1 =	por !p1, !p1  }
0x155: {  	s13 =	sshra.s32 s13, $0x7;
	s14 =	simm.s32 @!p0 $0x0;
	s15 =	simm.s32 @!p1 $0x0  }
0x156: {  	s10 =	ssub.s32 s10, s14;
	s13 =	ssub.s32 s13, s15  }
0x157: {  	p5 =	por $0x1, $0x1;
	p6 =	sne.s32 s10, s13  }
0x158: {  	p0 =	por !p5, !p6  }
0x159: {  	p0 =	por !p0, !p0  }
0x15a: {  	s13 =	sshra.s32 @p0 s11, $0x1F  }
0x15b: {  	s13 =	sshrl.u32 @p0 s13, $0x1D  }
0x15c: {  	s13 =	sadd.s32 @p0 s13, s11  }
0x15d: {  	s13 =	sand.u32 @p0 $0x1FFF8, s13  }
0x15e: {  	s13 =	ssub.s32 @p0 s11, s13  }
0x15f: {  	s10 =	sshll.u32 @p0 s10, $0x7;
	s13 =	sshll.u32 @p0 s13, $0xF  }
0x160: {  	s14 =	simm.s32 @p0 $0x400;
	s10 =	sand.u32 @p0 $0x1FFFFF80, s10;
	s13 =	sshra.s32 @p0 s13, $0x2  }
0x161: {  	s15 =	simm.s32 @p0 $0x7A1400;
	s10 =	sadd.s32 @p0 s2, s10;
	s13 =	sor.u32 @p0 $0x700, s13  }
0x162: {  	[tilespmem:s13], [sflag:$0x1] =	stream.strided.gather @p0 [hbm4b:s10+s14], $0x2000, s15, s14, $0x38;
	[tilespmem:$0x16700] =	vst v63  }
0x163: {  	s10 =	simm.s32 $0x0  }
0x164: {  	v8 =	vld [tilespmem:s12+$0xFFFFFFFA];
	s21 =	smax.u32 s10, $0x1  }
0x165: {  	v63 =	vld [tilespmem:s21+$0xFFFFFFFF];
	_ =	sdelay $0x3  }
0x166: {  	(v2sf) =	vpush v8, $0x0  }
0x167: {  	(v2sf) =	vpush v63, $0x0;
	_ =	sdelay $0xb  }
0x168: {  	s13 =	simm.s32 $0x1  }
0x169: {  	s14 =	simm.s32 $0x7;
	s12 =	simm.s32 $0x1;
	s13 =	simm.s32 @!p0 $0x0  }
0x16a: {  	s13 =	sadd.s32 s13, s11;
	s11 =	simm.s32 $0x0;
	s17 =	spop (v2sf)  }
0x16b: {  	p1 =	slt.s32 s17, $0x1;
	s22 =	sand.u32 $0x7F, s17;
	s18 =	spop (v2sf)  }
0x16c: {  	s19 =	sshra.s32 s17, $0x1F;
	p2 =	sne.s32 s22, $0x0;
	s15 =	sand.u32 $0x7F, s18  }
.LBB2_8:
0x16d: {  	s20 =	sshra.s32 s18, $0x1F;
	p0 =	slt.s32 s18, $0x1  }
0x16e: {  	p3 =	sne.s32 s15, $0x0;
	p1 =	por !p1, !p2;
	s19 =	sshrl.u32 s19, $0x19  }
0x16f: {  	s21 =	simm.s32 $0x1;
	s22 =	simm.s32 $0x1;
	s20 =	sshrl.u32 s20, $0x19  }
0x170: {  	p0 =	por !p0, !p3;
	p1 =	por !p1, !p1;
	s19 =	sadd.s32 s19, s17  }
0x171: {  	p0 =	por !p0, !p0;
	s21 =	simm.s32 @!p1 $0x0;
	s20 =	sadd.s32 s20, s18  }
0x172: {  	s19 =	sshra.s32 s19, $0x7;
	s22 =	simm.s32 @!p0 $0x0;
	s18 =	sshra.s32 s20, $0x7  }
0x173: {  	s21 =	ssub.s32 s19, s21;
	s18 =	ssub.s32 s18, s22  }
0x174: {  	p2 =	seq.s32 s10, $0x0;
	s19 =	sshll.u32 s19, $0x7;
	p3 =	sne.s32 s21, s18  }
0x175: {  	s22 =	ssub.s32 s17, s19;
	s19 =	simm.s32 $0x1;
	p1 =	por p2, p3  }
0x176: {  	s19 =	simm.s32 @!p1 $0x0  }
0x177: {  	s11 =	sadd.s32 s19, s11  }
0x178: {  	s19 =	sadd.s32 $0xFFFFFFFF, s11  }
0x179: {  	s21 =	sshra.s32 s19, $0x1F  }
0x17a: {  	s20 =	sshrl.u32 s21, $0x1D  }
0x17b: {  	s20 =	sadd.s32 s20, s19  }
0x17c: {  	s20 =	sand.u32 $0x7FFF8, s20  }
0x17d: {  	s19 =	ssub.s32 s19, s20  }
0x17e: {  	v8 =	vmov s22;
	s22 =	sshll.u32 s19, $0xD  }
0x17f: {  	v8 =	vadd.s32 s22, v8  }
0x180: {  	s18 =	simm.s32 @p1 $0x1;
	v9 =	vadd.s32 v1, v8  }
0x181: {  	_ =	swait.ge @p1 [sflag:s18], $0x2000  }
0x182: {  	[sflag:s18] =	ssyncset.done @p1 $0x0  }
0x183: {  	[sflag:s18] =	ssyncadd.s32 @p1 $0xFFFFE000;
	s18 =	sand.u32 $0x7F, s10  }
0x184: {  	s19 =	sshll.u32 s18, $0x7  }
0x185: {  	v10 =	vor.u32 s19, v0;
	v9 =	vld.idx.msk [tilespmem:v9+s6+$0x0], $0xffff  }
0x186: {  	v11 =	vadd.s32 v2, v8;
	_ =	sdelay $0x3  }
0x187: {  	[tilespmem:v10+s4+$0x0] =	vst.idx.msk $0xffff, v9  }
0x188: {  	v58 =	vor.u32 s19, v3;
	v9 =	vld.idx.msk [tilespmem:v11+s6+$0x0], $0xffff  }
0x189: {  	v59 =	vadd.s32 v4, v8;
	_ =	sdelay $0x3  }
0x18a: {  	[tilespmem:v58+s4+$0x0] =	vst.idx.msk $0xffff, v9  }
0x18b: {  	v60 =	vor.u32 s19, v5;
	v9 =	vld.idx.msk [tilespmem:v59+s6+$0x0], $0xffff  }
0x18c: {  	v8 =	vadd.s32 v6, v8;
	_ =	sdelay $0x2  }
0x18d: {  	p1 =	sne.s32 s18, $0x7F  }
0x18e: {  	p2 =	seq.s32 @!p1 s10, $0x0;
	[tilespmem:v60+s4+$0x0] =	vst.idx.msk $0xffff, v9  }
0x18f: {  	s17 =	simm.s32 @!p1 $0x1;
	p2 =	por !p2, p1;
	v61 =	vor.u32 s19, v7;
	v8 =	vld.idx.msk [tilespmem:v8+s6+$0x0], $0xffff  }
0x190: {  	s16 =	smov.u32 s12;
	s17 =	simm.s32 @p2 $0x0;
	s18 =	sshrl.u32 @!p1 s10, $0x7  }
0x191: {  	s10 =	smov.u32 s16;
	s16 =	ssub.s32 @!p1 s18, s17  }
0x192: {  	s16 =	sshll.u32 @!p1 s16, $0x9  }
0x193: {  	s20 =	simm.s32 @!p1 $0x10700;
	s17 =	rddreg [dreg:$0x8];
	s16 =	sshra.s32 @!p1 s16, $0x2  }
0x194: {  	s18 =	simm.s32 @!p1 $0x2;
	s19 =	simm.s32 @!p1 $0x80;
	s16 =	sadd.s32 @!p1 $0x500, s16;
	[tilespmem:v61+s4+$0x0] =	vst.idx.msk $0xffff, v8  }
0x195: {  	[hbm4b:s17+s19] =	stream.indirect.scatter @!p1 [tilespmem:s20], [sflag:$0x2], $0x80, s16, s19, $0xb8;
	[tilespmem:$0x16700] =	vst v63  }
0x196: {  	_ =	swait.ge @!p1 [sflag:s18], $0x4000  }
0x197: {  	[sflag:s18] =	ssyncset.done @!p1 $0x0  }
0x198: {  	[sflag:s18] =	ssyncadd.s32 @!p1 $0xFFFFC000  }
0x199: {  	v8 =	vld [tilespmem:s14+$0x0];
	_ =	sdelay $0x1  }
0x19a: {  	v62 =	vld [tilespmem:s14+$0xFFFFFFFF];
	_ =	sdelay $0x2  }
0x19b: {  	(v2sf) =	vpush v8, $0x0;
	_ =	sdelay $0x1  }
0x19c: {  	(v2sf) =	vpush v62, $0x0;
	_ =	sdelay $0xc  }
0x19d: {  	s16 =	spop (v2sf)  }
0x19e: {  	s17 =	sshra.s32 s16, $0x1F;
	s20 =	sand.u32 $0x7F, s16  }
0x19f: {  	s19 =	spop (v2sf);
	p5 =	slt.s32 s16, $0x1;
	p4 =	sne.s32 s20, $0x0  }
0x1a0: {  	s21 =	sshra.s32 s19, $0x1F;
	s22 =	sand.u32 $0x7F, s19;
	s17 =	sshrl.u32 s17, $0x19  }
0x1a1: {  	p6 =	sne.s32 s22, $0x0;
	p1 =	por !p5, !p4;
	s18 =	sshrl.u32 s21, $0x19  }
0x1a2: {  	p4 =	slt.s32 s19, $0x1;
	s16 =	sadd.s32 s17, s16;
	p1 =	por !p1, !p1  }
0x1a3: {  	s18 =	sadd.s32 s18, s19;
	p2 =	por !p4, !p6;
	s19 =	simm.s32 $0x1  }
0x1a4: {  	s20 =	sshra.s32 s18, $0x7;
	p2 =	por !p2, !p2;
	s18 =	simm.s32 $0x1  }
0x1a5: {  	s16 =	sshra.s32 s16, $0x7;
	s18 =	simm.s32 @!p1 $0x0;
	s19 =	simm.s32 @!p2 $0x0  }
0x1a6: {  	s16 =	ssub.s32 s16, s18;
	s17 =	ssub.s32 s20, s19  }
0x1a7: {  	p5 =	slt.u32 s10, $0x1FA;
	p6 =	sne.s32 s16, s17  }
0x1a8: {  	p1 =	por !p5, !p6  }
0x1a9: {  	p1 =	por !p1, !p1  }
0x1aa: {  	s17 =	sshra.s32 @p1 s13, $0x1F  }
0x1ab: {  	s15 =	smov.u32 s13;
	s17 =	sshrl.u32 @p1 s17, $0x1D  }
0x1ac: {  	s17 =	sadd.s32 @p1 s17, s15  }
0x1ad: {  	s17 =	sand.u32 @p1 $0x1FFF8, s17  }
0x1ae: {  	s18 =	simm.s32 $0x1;
	s16 =	sshll.u32 @p1 s16, $0x7;
	s15 =	ssub.s32 @p1 s15, s17  }
0x1af: {  	s18 =	simm.s32 @!p1 $0x0;
	s16 =	sand.u32 @p1 $0x1FFFFF80, s16;
	s15 =	sshll.u32 @p1 s15, $0xF  }
0x1b0: {  	s13 =	sadd.s32 s18, s13;
	s18 =	simm.s32 @p1 $0x7A1400;
	s15 =	sshra.s32 @p1 s15, $0x2  }
0x1b1: {  	s16 =	sadd.s32 @p1 s2, s16;
	s17 =	simm.s32 @p1 $0x400;
	s15 =	sor.u32 @p1 $0x700, s15  }
0x1b2: {  	[tilespmem:s15], [sflag:$0x1] =	stream.strided.gather @p1 [hbm4b:s16+s17], $0x2000, s18, s17, $0x38;
	[tilespmem:$0x16700] =	vst v63  }
0x1b3: {  	s21 =	smax.u32 s10, $0x1;
	v8 =	vld [tilespmem:s14+$0xFFFFFFFA]  }
0x1b4: {  	v63 =	vld [tilespmem:s21+$0xFFFFFFFF];
	_ =	sdelay $0x3  }
0x1b5: {  	(v2sf) =	vpush v8, $0x0  }
0x1b6: {  	(v2sf) =	vpush v63, $0x0;
	_ =	sdelay $0x9  }
0x1b7: {  	s12 =	sadd.s32 $0x1, s12  }
0x1b8: {  	p0 =	sne.s32 s12, $0x200  }
.Ltmp3:
0x1b9: {  	_ = 	snop;
	(pc) =	sbr.rel @p0 .LBB2_8-.Ltmp3, $4  }
0x1ba: {  	_ = 	snop  }
0x1bb: {  	s14 =	sadd.s32 $0x1, s14;
	s17 =	spop (v2sf)  }
0x1bc: {  	p1 =	slt.s32 s17, $0x1;
	s22 =	sand.u32 $0x7F, s17;
	s18 =	spop (v2sf)  }
0x1bd: {  	s19 =	sshra.s32 s17, $0x1F;
	p2 =	sne.s32 s22, $0x0;
	s15 =	sand.u32 $0x7F, s18  }
0x1be: {  	s12 =	sshra.s32 s18, $0x1F;
	p0 =	slt.s32 s18, $0x1  }
0x1bf: {  	p3 =	sne.s32 s15, $0x0;
	p1 =	por !p1, !p2;
	s13 =	sshrl.u32 s19, $0x19  }
0x1c0: {  	s14 =	simm.s32 $0x1;
	s15 =	simm.s32 $0x1;
	s12 =	sshrl.u32 s12, $0x19  }
0x1c1: {  	p0 =	por !p0, !p3;
	p1 =	por !p1, !p1;
	s13 =	sadd.s32 s13, s17  }
0x1c2: {  	p0 =	por !p0, !p0;
	s14 =	simm.s32 @!p1 $0x0;
	s12 =	sadd.s32 s12, s18  }
0x1c3: {  	s13 =	sshra.s32 s13, $0x7;
	s15 =	simm.s32 @!p0 $0x0;
	s12 =	sshra.s32 s12, $0x7  }
0x1c4: {  	s14 =	ssub.s32 s13, s14;
	s12 =	ssub.s32 s12, s15  }
0x1c5: {  	p5 =	seq.s32 s10, $0x0;
	p6 =	sne.s32 s14, s12  }
0x1c6: {  	s12 =	simm.s32 $0x1;
	p0 =	por p5, p6  }
0x1c7: {  	s12 =	simm.s32 @!p0 $0x0  }
0x1c8: {  	s11 =	sadd.s32 s12, s11  }
0x1c9: {  	s11 =	sadd.s32 $0xFFFFFFFF, s11  }
0x1ca: {  	s22 =	sshra.s32 s11, $0x1F  }
0x1cb: {  	s12 =	sshrl.u32 s22, $0x1D  }
0x1cc: {  	s12 =	sadd.s32 s12, s11  }
0x1cd: {  	s13 =	sshll.u32 s13, $0x7;
	s12 =	sand.u32 $0x7FFF8, s12  }
0x1ce: {  	s13 =	ssub.s32 s17, s13;
	s11 =	ssub.s32 s11, s12  }
0x1cf: {  	v8 =	vmov s13;
	s11 =	sshll.u32 s11, $0xD  }
0x1d0: {  	v8 =	vadd.s32 s11, v8  }
0x1d1: {  	v9 =	vadd.s32 v1, v8  }
0x1d2: {  	s11 =	simm.s32 @p0 $0x1  }
0x1d3: {  	_ =	swait.ge @p0 [sflag:s11], $0x2000  }
0x1d4: {  	s14 =	sand.u32 $0x7F, s10;
	[sflag:s11] =	ssyncset.done @p0 $0x0  }
0x1d5: {  	s15 =	sshll.u32 s14, $0x7;
	[sflag:s11] =	ssyncadd.s32 @p0 $0xFFFFE000  }
0x1d6: {  	v10 =	vor.u32 s15, v0;
	v9 =	vld.idx.msk [tilespmem:v9+s6+$0x0], $0xffff  }
0x1d7: {  	v11 =	vadd.s32 v2, v8;
	_ =	sdelay $0x3  }
0x1d8: {  	[tilespmem:v10+s4+$0x0] =	vst.idx.msk $0xffff, v9  }
0x1d9: {  	v60 =	vor.u32 s15, v3;
	v9 =	vld.idx.msk [tilespmem:v11+s6+$0x0], $0xffff  }
0x1da: {  	v61 =	vadd.s32 v4, v8;
	_ =	sdelay $0x3  }
0x1db: {  	[tilespmem:v60+s4+$0x0] =	vst.idx.msk $0xffff, v9  }
0x1dc: {  	v62 =	vor.u32 s15, v5;
	v9 =	vld.idx.msk [tilespmem:v61+s6+$0x0], $0xffff  }
0x1dd: {  	v8 =	vadd.s32 v6, v8;
	_ =	sdelay $0x2  }
0x1de: {  	p0 =	sne.s32 s14, $0x7F  }
0x1df: {  	p1 =	seq.s32 @!p0 s10, $0x0;
	[tilespmem:v62+s4+$0x0] =	vst.idx.msk $0xffff, v9  }
0x1e0: {  	v63 =	vor.u32 s15, v7;
	s11 =	simm.s32 @!p0 $0x1;
	p1 =	por !p1, p0;
	v8 =	vld.idx.msk [tilespmem:v8+s6+$0x0], $0xffff  }
0x1e1: {  	s10 =	sshrl.u32 @!p0 s10, $0x7;
	s11 =	simm.s32 @p1 $0x0  }
0x1e2: {  	s10 =	ssub.s32 @!p0 s10, s11  }
0x1e3: {  	s10 =	sshll.u32 @!p0 s10, $0x9  }
0x1e4: {  	s12 =	simm.s32 @!p0 $0x2;
	s13 =	simm.s32 @!p0 $0x80;
	s10 =	sshra.s32 @!p0 s10, $0x2  }
0x1e5: {  	s14 =	simm.s32 @!p0 $0x10700;
	s11 =	rddreg [dreg:$0x8];
	s10 =	sadd.s32 @!p0 $0x500, s10;
	[tilespmem:v63+s4+$0x0] =	vst.idx.msk $0xffff, v8  }
0x1e6: {  	[hbm4b:s11+s13] =	stream.indirect.scatter @!p0 [tilespmem:s14], [sflag:$0x2], $0x80, s10, s13, $0xb8;
	[tilespmem:$0x16700] =	vst v63  }
0x1e7: {  	_ =	swait.ge @!p0 [sflag:s12], $0x4000  }
0x1e8: {  	[sflag:s12] =	ssyncset.done @!p0 $0x0  }
0x1e9: {  	s10 =	simm.s32 $0x0;
	s16 =	rddreg [dreg:$0x13];
	[sflag:s12] =	ssyncadd.s32 @!p0 $0xFFFFC000  }
0x1ea: {  	[tilespmem:s10], [sflag:$0x2] =	stream.linear.gather [hbm4b:s16+s10], $0x200, $0x38;
	[tilespmem:$0x16700] =	vst v63  }
0x1eb: {  	_ =	swait.ge [sflag:s25], $0x200  }
0x1ec: {  	[sflag:s25] =	ssyncset.done $0x0  }
0x1ed: {  	s17 =	rddreg [dreg:$0x14];
	[sflag:s25] =	ssyncadd.s32 $0xFFFFFE00  }
0x1ee: {  	[tilespmem:s26], [sflag:$0x2] =	stream.linear.gather [hbm4b:s17+s10], $0x80, $0x38;
	[tilespmem:$0x16700] =	vst v63  }
0x1ef: {  	_ =	swait.ge [sflag:s25], $0x80  }
0x1f0: {  	[sflag:s25] =	ssyncset.done $0x0  }
0x1f1: {  	s18 =	rddreg [dreg:$0x15];
	[sflag:s25] =	ssyncadd.s32 $0xFFFFFF80  }
0x1f2: {  	[tilespmem:s28], [sflag:$0x2] =	stream.linear.gather [hbm4b:s18+s10], $0x80, $0x38;
	[tilespmem:$0x16700] =	vst v63  }
0x1f3: {  	_ =	swait.ge [sflag:s25], $0x80  }
0x1f4: {  	[sflag:s25] =	ssyncset.done $0x0  }
0x1f5: {  	s19 =	rddreg [dreg:$0x16];
	[sflag:s25] =	ssyncadd.s32 $0xFFFFFF80  }
0x1f6: {  	[tilespmem:s29], [sflag:$0x2] =	stream.linear.gather [hbm4b:s19+s10], $0x80, $0x38;
	[tilespmem:$0x16700] =	vst v63  }
0x1f7: {  	_ =	swait.ge [sflag:s25], $0x80  }
0x1f8: {  	[sflag:s25] =	ssyncset.done $0x0  }
0x1f9: {  	s20 =	rddreg [dreg:$0x17];
	[sflag:s25] =	ssyncadd.s32 $0xFFFFFF80  }
0x1fa: {  	[tilespmem:s30], [sflag:$0x2] =	stream.linear.gather [hbm4b:s20+s10], $0x80, $0x38;
	[tilespmem:$0x16700] =	vst v63  }
0x1fb: {  	_ =	swait.ge [sflag:s25], $0x80  }
0x1fc: {  	[sflag:s25] =	ssyncset.done $0x0  }
0x1fd: {  	s22 =	simm.s32 $0x280;
	s21 =	rddreg [dreg:$0x18];
	[sflag:s25] =	ssyncadd.s32 $0xFFFFFF80  }
0x1fe: {  	[tilespmem:s22], [sflag:$0x2] =	stream.linear.gather [hbm4b:s21+s10], $0x200, $0x38;
	[tilespmem:$0x16700] =	vst v63  }
0x1ff: {  	_ =	swait.ge [sflag:s25], $0x200  }
0x200: {  	[sflag:s25] =	ssyncset.done $0x0  }
0x201: {  	s15 =	simm.s32 $0x0;
	s11 =	simm.s32 $0x0;
	[sflag:s25] =	ssyncadd.s32 $0xFFFFFE00  }
.LBB2_10:
0x202: {  	v8 =	vld [tilespmem:s10+$0x0]  }
0x203: {  	s12 =	smax.u32 s11, $0x1  }
0x204: {  	v9 =	vld [tilespmem:s12+$0xFFFFFFFF];
	_ =	sdelay $0x2  }
0x205: {  	(v2sf) =	vpush v8, $0x0;
	_ =	sdelay $0x1  }
0x206: {  	(v2sf) =	vpush v9, $0x0;
	_ =	sdelay $0xc  }
0x207: {  	s13 =	spop (v2sf)  }
0x208: {  	s14 =	sshra.s32 s13, $0x1F;
	s16 =	sand.u32 $0x7F, s13  }
0x209: {  	p0 =	slt.s32 s13, $0x1;
	s21 =	spop (v2sf);
	s14 =	sshrl.u32 s14, $0x19  }
0x20a: {  	p1 =	sne.s32 s16, $0x0;
	s22 =	sand.u32 $0x7F, s21;
	s17 =	sshra.s32 s21, $0x1F  }
0x20b: {  	p6 =	slt.s32 s21, $0x1;
	s16 =	simm.s32 $0x1;
	s13 =	sadd.s32 s14, s13  }
0x20c: {  	p0 =	por !p0, !p1;
	p2 =	sne.s32 s22, $0x0;
	s17 =	sshrl.u32 s17, $0x19  }
0x20d: {  	s13 =	sshra.s32 s13, $0x7;
	p0 =	por !p0, !p0;
	p1 =	por !p6, !p2  }
0x20e: {  	s14 =	sadd.s32 s17, s21;
	s17 =	simm.s32 $0x1;
	p1 =	por !p1, !p1  }
0x20f: {  	s16 =	simm.s32 @!p0 $0x0;
	s14 =	sshra.s32 s14, $0x7;
	s17 =	simm.s32 @!p1 $0x0  }
0x210: {  	p0 =	seq.s32 s11, $0x0;
	s13 =	ssub.s32 s13, s16;
	s14 =	ssub.s32 s14, s17  }
0x211: {  	p1 =	seq.s32 @!p0 s13, s14  }
0x212: {  	p1 =	por p0, !p1  }
0x213: {  	s14 =	sshra.s32 @p1 s15, $0x1F  }
0x214: {  	s14 =	sshrl.u32 @p1 s14, $0x1D  }
0x215: {  	s14 =	sadd.s32 @p1 s14, s15  }
0x216: {  	s14 =	sand.u32 @p1 $0x1FFF8, s14  }
0x217: {  	s14 =	ssub.s32 @p1 s15, s14  }
0x218: {  	s13 =	sshll.u32 @p1 s13, $0x7;
	s14 =	sshll.u32 @p1 s14, $0xF  }
0x219: {  	s13 =	sand.u32 @p1 $0x1FFFFF80, s13;
	s14 =	sshra.s32 @p1 s14, $0x2  }
0x21a: {  	s13 =	sadd.s32 @p1 s3, s13;
	s14 =	sor.u32 @p1 $0x700, s14  }
0x21b: {  	[tilespmem:s14], [sflag:$0x1] =	stream.strided.gather @p1 [hbm4b:s13+s31], $0x2000, s8, s31, $0x38;
	[tilespmem:$0x16700] =	vst v63  }
0x21c: {  	v8 =	vld [tilespmem:s10+$0x0];
	_ =	sdelay $0x1  }
0x21d: {  	v63 =	vld [tilespmem:s12+$0xFFFFFFFF];
	_ =	sdelay $0x2  }
0x21e: {  	(v2sf) =	vpush v8, $0x0;
	_ =	sdelay $0x1  }
0x21f: {  	(v2sf) =	vpush v63, $0x0;
	_ =	sdelay $0xc  }
0x220: {  	s16 =	spop (v2sf)  }
0x221: {  	s14 =	simm.s32 $0x1;
	s17 =	sshra.s32 s16, $0x1F  }
0x222: {  	s18 =	sand.u32 $0x7F, s16;
	s19 =	spop (v2sf);
	p3 =	slt.s32 s16, $0x1  }
0x223: {  	s13 =	sshrl.u32 s17, $0x19;
	p4 =	sne.s32 s18, $0x0;
	s20 =	sand.u32 $0x7F, s19  }
0x224: {  	p5 =	slt.s32 s19, $0x1;
	s22 =	sshra.s32 s19, $0x1F;
	s13 =	sadd.s32 s13, s16  }
0x225: {  	p1 =	por !p3, !p4;
	p3 =	sne.s32 s20, $0x0;
	s16 =	simm.s32 $0x1  }
0x226: {  	p2 =	por !p5, !p3;
	s21 =	sshra.s32 s13, $0x7;
	s13 =	sshrl.u32 s22, $0x19  }
0x227: {  	p1 =	por !p1, !p1;
	s13 =	sadd.s32 s13, s19;
	p2 =	por !p2, !p2  }
0x228: {  	s14 =	simm.s32 @!p1 $0x0;
	s13 =	sshra.s32 s13, $0x7;
	s16 =	simm.s32 @!p2 $0x0  }
0x229: {  	s12 =	ssub.s32 s21, s14;
	s13 =	ssub.s32 s13, s16  }
0x22a: {  	p6 =	sne.s32 s12, s13  }
0x22b: {  	s11 =	sadd.s32 $0x1, s11;
	s12 =	simm.s32 $0x1;
	p0 =	por p0, p6  }
0x22c: {  	s12 =	simm.s32 @!p0 $0x0;
	p0 =	sne.s32 s11, $0x6  }
.Ltmp4:
0x22d: {  	_ = 	snop;
	(pc) =	sbr.rel @p0 .LBB2_10-.Ltmp4, $2  }
0x22e: {  	_ =	sdelay $0x2  }
0x22f: {  	s10 =	sadd.s32 $0x1, s10;
	s15 =	sadd.s32 s12, s15  }
0x230: {  	s10 =	simm.s32 $0x6  }
0x231: {  	v8 =	vld [tilespmem:s10+$0x0]  }
0x232: {  	v9 =	vld [tilespmem:s10+$0xFFFFFFFF];
	_ =	sdelay $0x3  }
0x233: {  	(v2sf) =	vpush v8, $0x0  }
0x234: {  	(v2sf) =	vpush v9, $0x0;
	_ =	sdelay $0xd  }
0x235: {  	s11 =	spop (v2sf)  }
0x236: {  	s12 =	sand.u32 $0x7F, s11;
	s13 =	spop (v2sf)  }
0x237: {  	s14 =	sshra.s32 s11, $0x1F;
	p2 =	slt.s32 s11, $0x1;
	p0 =	sne.s32 s12, $0x0  }
0x238: {  	s17 =	sshra.s32 s13, $0x1F;
	p1 =	slt.s32 s13, $0x1;
	s14 =	sshrl.u32 s14, $0x19  }
0x239: {  	s16 =	sand.u32 $0x7F, s13;
	s11 =	sadd.s32 s14, s11;
	p0 =	por !p2, !p0  }
0x23a: {  	p6 =	sne.s32 s16, $0x0;
	s14 =	simm.s32 $0x1;
	s12 =	sshrl.u32 s17, $0x19  }
0x23b: {  	p0 =	por !p0, !p0;
	p1 =	por !p1, !p6;
	s12 =	sadd.s32 s12, s13  }
0x23c: {  	s13 =	simm.s32 $0x1;
	s14 =	simm.s32 @!p0 $0x0;
	p0 =	por !p1, !p1  }
0x23d: {  	s11 =	sshra.s32 s11, $0x7;
	s12 =	sshra.s32 s12, $0x7;
	s13 =	simm.s32 @!p0 $0x0  }
0x23e: {  	s11 =	ssub.s32 s11, s14;
	s12 =	ssub.s32 s12, s13  }
0x23f: {  	p3 =	por $0x1, $0x1;
	p4 =	sne.s32 s11, s12  }
0x240: {  	p0 =	por !p3, !p4  }
0x241: {  	p0 =	por !p0, !p0  }
0x242: {  	s12 =	sshra.s32 @p0 s15, $0x1F  }
0x243: {  	s12 =	sshrl.u32 @p0 s12, $0x1D  }
0x244: {  	s12 =	sadd.s32 @p0 s12, s15  }
0x245: {  	s12 =	sand.u32 @p0 $0x1FFF8, s12  }
0x246: {  	s12 =	ssub.s32 @p0 s15, s12  }
0x247: {  	s11 =	sshll.u32 @p0 s11, $0x7;
	s12 =	sshll.u32 @p0 s12, $0xF  }
0x248: {  	s14 =	simm.s32 @p0 $0x400;
	s13 =	sand.u32 @p0 $0x1FFFFF80, s11;
	s12 =	sshra.s32 @p0 s12, $0x2  }
0x249: {  	s16 =	simm.s32 @p0 $0xC3800;
	s13 =	sadd.s32 @p0 s3, s13;
	s12 =	sor.u32 @p0 $0x700, s12  }
0x24a: {  	[tilespmem:s12], [sflag:$0x1] =	stream.strided.gather @p0 [hbm4b:s13+s14], $0x2000, s16, s14, $0x38;
	[tilespmem:$0x16700] =	vst v63  }
0x24b: {  	s11 =	simm.s32 $0x0;
	v8 =	vld [tilespmem:s10+$0xFFFFFFFA]  }
0x24c: {  	s18 =	smax.u32 s11, $0x1  }
0x24d: {  	v9 =	vld [tilespmem:s18+$0xFFFFFFFF];
	_ =	sdelay $0x2  }
0x24e: {  	(v2sf) =	vpush v8, $0x0;
	_ =	sdelay $0x1  }
0x24f: {  	(v2sf) =	vpush v9, $0x0;
	_ =	sdelay $0xc  }
0x250: {  	s14 =	spop (v2sf)  }
0x251: {  	s13 =	simm.s32 $0x1;
	s19 =	sshra.s32 s14, $0x1F  }
0x252: {  	s20 =	spop (v2sf);
	s21 =	sand.u32 $0x7F, s14;
	p4 =	slt.s32 s14, $0x1  }
0x253: {  	s12 =	sshrl.u32 s19, $0x19;
	s17 =	sand.u32 $0x7F, s20;
	p5 =	sne.s32 s21, $0x0  }
0x254: {  	p6 =	slt.s32 s20, $0x1;
	s18 =	sshra.s32 s20, $0x1F;
	p3 =	sne.s32 s17, $0x0  }
0x255: {  	s12 =	sadd.s32 s12, s14;
	p1 =	por !p4, !p5;
	s17 =	simm.s32 $0x1  }
0x256: {  	p2 =	por !p6, !p3;
	s22 =	sshra.s32 s12, $0x7;
	s12 =	sshrl.u32 s18, $0x19  }
0x257: {  	p1 =	por !p1, !p1;
	p2 =	por !p2, !p2;
	s12 =	sadd.s32 s12, s20  }
0x258: {  	s13 =	simm.s32 @!p1 $0x0;
	s17 =	simm.s32 @!p2 $0x0;
	s12 =	sshra.s32 s12, $0x7  }
0x259: {  	s13 =	ssub.s32 s22, s13;
	s12 =	ssub.s32 s12, s17  }
0x25a: {  	p5 =	por $0x1, $0x1;
	p6 =	sne.s32 s13, s12  }
0x25b: {  	s12 =	simm.s32 $0x1;
	p1 =	por p5, p6  }
0x25c: {  	s12 =	simm.s32 @!p1 $0x0;
	s17 =	simm.s32 @p1 $0x1  }
0x25d: {  	s12 =	sadd.s32 $0x0, s12;
	_ =	swait.ge @p1 [sflag:s17], $0x2000  }
0x25e: {  	s18 =	sadd.s32 $0xFFFFFFFF, s12;
	[sflag:s17] =	ssyncset.done @p1 $0x0  }
0x25f: {  	s13 =	simm.s32 $0x280;
	s19 =	sshra.s32 s18, $0x1F;
	[sflag:s17] =	ssyncadd.s32 @p1 $0xFFFFE000  }
0x260: {  	s19 =	sshrl.u32 s19, $0x1D;
	v8 =	vld.msk [tilespmem:s13+$0x0 ss:$0x0], $0xffff  }
0x261: {  	s20 =	sadd.s32 s19, s18  }
0x262: {  	s16 =	sshll.u32 s22, $0x7;
	s17 =	sand.u32 $0x7FFF8, s20  }
0x263: {  	s14 =	ssub.s32 s14, s16;
	s21 =	ssub.s32 s18, s17  }
0x264: {  	v9 =	vmov s14;
	s22 =	sshll.u32 s21, $0xD  }
0x265: {  	v10 =	vadd.s32 s22, v9;
	v11 =	vadd.s32 v1, v8  }
0x266: {  	v9 =	vadd.s32 v1, v10;
	_ =	sdelay $0x3  }
0x267: {  	v11 =	vld.idx.msk [tilespmem:v11+s24+$0x0], $0xffff  }
0x268: {  	s18 =	sand.u32 $0x7F, s11;
	v9 =	vld.idx.msk [tilespmem:v9+s6+$0x0], $0xffff  }
0x269: {  	s17 =	sshll.u32 s18, $0x7  }
0x26a: {  	v12 =	vor.u32 s17, v0  }
0x26b: {  	v13 =	vadd.s32 v2, v10  }
0x26c: {  	v14 =	vadd.s32 v2, v8  }
0x26d: {  	v9 =	vadd.f32 v11, v9;
	_ =	sdelay $0x1  }
0x26e: {  	[tilespmem:v12+s4+$0x0] =	vst.idx.msk $0xffff, v9  }
0x26f: {  	v9 =	vld.idx.msk [tilespmem:v13+s6+$0x0], $0xffff  }
0x270: {  	v11 =	vld.idx.msk [tilespmem:v14+s24+$0x0], $0xffff;
	_ =	sdelay $0x1  }
0x271: {  	v60 =	vor.u32 s17, v3  }
0x272: {  	v61 =	vadd.s32 v4, v10  }
0x273: {  	v62 =	vadd.s32 v4, v8  }
0x274: {  	v9 =	vadd.f32 v11, v9;
	_ =	sdelay $0x1  }
0x275: {  	[tilespmem:v60+s4+$0x0] =	vst.idx.msk $0xffff, v9  }
0x276: {  	v9 =	vld.idx.msk [tilespmem:v61+s6+$0x0], $0xffff  }
0x277: {  	v11 =	vld.idx.msk [tilespmem:v62+s24+$0x0], $0xffff;
	_ =	sdelay $0x1  }
0x278: {  	v63 =	vor.u32 s17, v5;
	_ =	sdelay $0x2  }
0x279: {  	s16 =	simm.s32 $0x1;
	v11 =	vadd.f32 v11, v9;
	v9 =	vadd.s32 v6, v8  }
0x27a: {  	s16 =	simm.s32 @!p0 $0x0;
	v8 =	vadd.s32 v6, v10  }
0x27b: {  	s14 =	simm.s32 $0x1;
	s15 =	sadd.s32 s16, s15;
	[tilespmem:v63+s4+$0x0] =	vst.idx.msk $0xffff, v11  }
.LBB2_12:
0x27c: {  	_ =	sdelay $0x1  }
0x27d: {  	v9 =	vld.idx.msk [tilespmem:v9+s24+$0x0], $0xffff  }
0x27e: {  	v8 =	vld.idx.msk [tilespmem:v8+s6+$0x0], $0xffff;
	p1 =	sne.s32 s18, $0x7F  }
0x27f: {  	p2 =	seq.s32 @!p1 s11, $0x0  }
0x280: {  	v10 =	vor.u32 s17, v7;
	s17 =	simm.s32 @!p1 $0x1;
	p2 =	por !p2, p1  }
0x281: {  	s18 =	sshrl.u32 @!p1 s11, $0x7;
	s17 =	simm.s32 @p2 $0x0  }
0x282: {  	s19 =	smov.u32 s14;
	s17 =	ssub.s32 @!p1 s18, s17  }
0x283: {  	s11 =	smov.u32 s19;
	v8 =	vadd.f32 v9, v8;
	s17 =	sshll.u32 @!p1 s17, $0x9  }
0x284: {  	s19 =	simm.s32 @!p1 $0x2;
	s20 =	simm.s32 @!p1 $0x80;
	s17 =	sshra.s32 @!p1 s17, $0x2  }
0x285: {  	s21 =	simm.s32 @!p1 $0x10700;
	s18 =	rddreg [dreg:$0x9];
	[tilespmem:v10+s4+$0x0] =	vst.idx.msk $0xffff, v8;
	s17 =	sadd.s32 @!p1 $0x500, s17  }
0x286: {  	[hbm4b:s18+s20] =	stream.indirect.scatter @!p1 [tilespmem:s21], [sflag:$0x2], $0x80, s17, s20, $0xb8;
	[tilespmem:$0x16700] =	vst v63  }
0x287: {  	_ =	swait.ge @!p1 [sflag:s19], $0x4000  }
0x288: {  	[sflag:s19] =	ssyncset.done @!p1 $0x0  }
0x289: {  	s10 =	sadd.s32 $0x1, s10;
	[sflag:s19] =	ssyncadd.s32 @!p1 $0xFFFFC000  }
0x28a: {  	v8 =	vld [tilespmem:s10+$0x0];
	_ =	sdelay $0x1  }
0x28b: {  	v9 =	vld [tilespmem:s10+$0xFFFFFFFF];
	_ =	sdelay $0x2  }
0x28c: {  	(v2sf) =	vpush v8, $0x0;
	_ =	sdelay $0x1  }
0x28d: {  	(v2sf) =	vpush v9, $0x0;
	_ =	sdelay $0xc  }
0x28e: {  	s17 =	spop (v2sf)  }
0x28f: {  	s22 =	sshra.s32 s17, $0x1F;
	s21 =	sand.u32 $0x7F, s17  }
0x290: {  	s20 =	spop (v2sf);
	p3 =	slt.s32 s17, $0x1;
	p4 =	sne.s32 s21, $0x0  }
0x291: {  	s19 =	sshra.s32 s20, $0x1F;
	p5 =	slt.s32 s20, $0x1;
	s18 =	sshrl.u32 s22, $0x19  }
0x292: {  	s22 =	sand.u32 $0x7F, s20;
	s17 =	sadd.s32 s18, s17;
	p1 =	por !p3, !p4  }
0x293: {  	p6 =	sne.s32 s22, $0x0;
	s22 =	sshrl.u32 s19, $0x19;
	s19 =	simm.s32 $0x1  }
0x294: {  	p1 =	por !p1, !p1;
	p2 =	por !p5, !p6;
	s18 =	sadd.s32 s22, s20  }
0x295: {  	s20 =	simm.s32 $0x1;
	s19 =	simm.s32 @!p1 $0x0;
	p1 =	por !p2, !p2  }
0x296: {  	s17 =	sshra.s32 s17, $0x7;
	s18 =	sshra.s32 s18, $0x7;
	s20 =	simm.s32 @!p1 $0x0  }
0x297: {  	s17 =	ssub.s32 s17, s19;
	s18 =	ssub.s32 s18, s20  }
0x298: {  	p3 =	slt.u32 s11, $0x1FA;
	p4 =	sne.s32 s17, s18  }
0x299: {  	p1 =	por !p3, !p4  }
0x29a: {  	p1 =	por !p1, !p1  }
0x29b: {  	s18 =	sshra.s32 @p1 s15, $0x1F  }
0x29c: {  	s16 =	smov.u32 s15;
	s18 =	sshrl.u32 @p1 s18, $0x1D  }
0x29d: {  	s18 =	sadd.s32 @p1 s18, s16  }
0x29e: {  	s18 =	sand.u32 @p1 $0x1FFF8, s18  }
0x29f: {  	s19 =	simm.s32 $0x1;
	s17 =	sshll.u32 @p1 s17, $0x7;
	s16 =	ssub.s32 @p1 s16, s18  }
0x2a0: {  	s19 =	simm.s32 @!p1 $0x0;
	s17 =	sand.u32 @p1 $0x1FFFFF80, s17;
	s16 =	sshll.u32 @p1 s16, $0xF  }
0x2a1: {  	s15 =	sadd.s32 s19, s15;
	s19 =	simm.s32 @p1 $0xC3800;
	s16 =	sshra.s32 @p1 s16, $0x2  }
0x2a2: {  	s17 =	sadd.s32 @p1 s3, s17;
	s18 =	simm.s32 @p1 $0x400;
	s16 =	sor.u32 @p1 $0x700, s16  }
0x2a3: {  	[tilespmem:s16], [sflag:$0x1] =	stream.strided.gather @p1 [hbm4b:s17+s18], $0x2000, s19, s18, $0x38;
	[tilespmem:$0x16700] =	vst v63  }
0x2a4: {  	v8 =	vld [tilespmem:s10+$0xFFFFFFFA]  }
0x2a5: {  	s19 =	smax.u32 s11, $0x1  }
0x2a6: {  	v9 =	vld [tilespmem:s19+$0xFFFFFFFF];
	_ =	sdelay $0x2  }
0x2a7: {  	(v2sf) =	vpush v8, $0x0;
	_ =	sdelay $0x1  }
0x2a8: {  	(v2sf) =	vpush v9, $0x0;
	_ =	sdelay $0xc  }
0x2a9: {  	s16 =	spop (v2sf)  }
0x2aa: {  	s20 =	sshra.s32 s16, $0x1F;
	s21 =	sand.u32 $0x7F, s16  }
0x2ab: {  	s22 =	spop (v2sf);
	p4 =	slt.s32 s16, $0x1;
	s17 =	sshrl.u32 s20, $0x19  }
0x2ac: {  	p1 =	sne.s32 s21, $0x0;
	s20 =	sand.u32 $0x7F, s22;
	p5 =	slt.s32 s22, $0x1  }
0x2ad: {  	s21 =	sshra.s32 s22, $0x1F;
	s17 =	sadd.s32 s17, s16;
	p6 =	sne.s32 s20, $0x0  }
0x2ae: {  	p1 =	por !p4, !p1;
	s18 =	sshrl.u32 s21, $0x19;
	s20 =	simm.s32 $0x1  }
0x2af: {  	s21 =	simm.s32 $0x1;
	s17 =	sshra.s32 s17, $0x7;
	p2 =	por !p5, !p6  }
0x2b0: {  	p1 =	por !p1, !p1;
	s18 =	sadd.s32 s18, s22;
	p2 =	por !p2, !p2  }
0x2b1: {  	s21 =	simm.s32 @!p1 $0x0;
	s18 =	sshra.s32 s18, $0x7;
	s20 =	simm.s32 @!p2 $0x0  }
0x2b2: {  	s22 =	sshll.u32 s17, $0x7;
	s17 =	ssub.s32 s17, s21;
	s18 =	ssub.s32 s18, s20  }
0x2b3: {  	p5 =	seq.s32 s11, $0x0;
	p6 =	sne.s32 s17, s18  }
0x2b4: {  	s18 =	simm.s32 $0x1;
	p1 =	por p5, p6  }
0x2b5: {  	s17 =	simm.s32 @p1 $0x1;
	s18 =	simm.s32 @!p1 $0x0  }
0x2b6: {  	_ =	swait.ge @p1 [sflag:s17], $0x2000;
	s12 =	sadd.s32 s18, s12  }
0x2b7: {  	[sflag:s17] =	ssyncset.done @p1 $0x0;
	s18 =	sadd.s32 $0xFFFFFFFF, s12  }
0x2b8: {  	s13 =	sadd.s32 $0x1, s13;
	[sflag:s17] =	ssyncadd.s32 @p1 $0xFFFFE000;
	s21 =	sshra.s32 s18, $0x1F  }
0x2b9: {  	s17 =	sshrl.u32 s21, $0x1D;
	v8 =	vld.msk [tilespmem:s13+$0x0 ss:$0x0], $0xffff  }
0x2ba: {  	s17 =	sadd.s32 s17, s18  }
0x2bb: {  	s17 =	sand.u32 $0x7FFF8, s17  }
0x2bc: {  	s16 =	ssub.s32 s16, s22;
	s17 =	ssub.s32 s18, s17  }
0x2bd: {  	v9 =	vmov s16;
	s22 =	sshll.u32 s17, $0xD  }
0x2be: {  	v10 =	vadd.s32 s22, v9;
	v11 =	vadd.s32 v1, v8  }
0x2bf: {  	v9 =	vadd.s32 v1, v10;
	_ =	sdelay $0x3  }
0x2c0: {  	v11 =	vld.idx.msk [tilespmem:v11+s24+$0x0], $0xffff  }
0x2c1: {  	s18 =	sand.u32 $0x7F, s11;
	v9 =	vld.idx.msk [tilespmem:v9+s6+$0x0], $0xffff  }
0x2c2: {  	s17 =	sshll.u32 s18, $0x7  }
0x2c3: {  	v12 =	vor.u32 s17, v0  }
0x2c4: {  	v13 =	vadd.s32 v2, v10  }
0x2c5: {  	v14 =	vadd.s32 v2, v8  }
0x2c6: {  	v9 =	vadd.f32 v11, v9;
	_ =	sdelay $0x1  }
0x2c7: {  	[tilespmem:v12+s4+$0x0] =	vst.idx.msk $0xffff, v9  }
0x2c8: {  	v9 =	vld.idx.msk [tilespmem:v13+s6+$0x0], $0xffff  }
0x2c9: {  	v11 =	vld.idx.msk [tilespmem:v14+s24+$0x0], $0xffff;
	_ =	sdelay $0x1  }
0x2ca: {  	v60 =	vor.u32 s17, v3  }
0x2cb: {  	v61 =	vadd.s32 v4, v10  }
0x2cc: {  	v62 =	vadd.s32 v4, v8  }
0x2cd: {  	v9 =	vadd.f32 v11, v9;
	_ =	sdelay $0x1  }
0x2ce: {  	[tilespmem:v60+s4+$0x0] =	vst.idx.msk $0xffff, v9  }
0x2cf: {  	v11 =	vld.idx.msk [tilespmem:v61+s6+$0x0], $0xffff  }
0x2d0: {  	v12 =	vld.idx.msk [tilespmem:v62+s24+$0x0], $0xffff  }
0x2d1: {  	s14 =	sadd.s32 $0x1, s14  }
0x2d2: {  	p0 =	sne.s32 s14, $0x200;
	v63 =	vor.u32 s17, v5  }
.Ltmp5:
0x2d3: {  	_ = 	snop;
	(pc) =	sbr.rel @p0 .LBB2_12-.Ltmp5, $3  }
0x2d4: {  	_ = 	snop  }
0x2d5: {  	v9 =	vadd.s32 v6, v8;
	v8 =	vadd.s32 v6, v10;
	v10 =	vadd.f32 v12, v11;
	_ =	sdelay $0x1  }
0x2d6: {  	[tilespmem:v63+s4+$0x0] =	vst.idx.msk $0xffff, v10  }
0x2d7: {  	_ =	sdelay $0x3  }
0x2d8: {  	v9 =	vld.idx.msk [tilespmem:v9+s24+$0x0], $0xffff  }
0x2d9: {  	v8 =	vld.idx.msk [tilespmem:v8+s6+$0x0], $0xffff;
	p0 =	sne.s32 s18, $0x7F  }
0x2da: {  	p1 =	seq.s32 @!p0 s11, $0x0  }
0x2db: {  	v10 =	vor.u32 s17, v7;
	s10 =	simm.s32 @!p0 $0x1;
	p1 =	por !p1, p0  }
0x2dc: {  	s11 =	sshrl.u32 @!p0 s11, $0x7;
	s10 =	simm.s32 @p1 $0x0  }
0x2dd: {  	s9 =	sadd.s32 $0x1, s9;
	s10 =	ssub.s32 @!p0 s11, s10  }
0x2de: {  	s12 =	simm.s32 @!p0 $0x2;
	s13 =	simm.s32 @!p0 $0x80;
	v8 =	vadd.f32 v9, v8;
	s10 =	sshll.u32 @!p0 s10, $0x9  }
0x2df: {  	s14 =	simm.s32 @!p0 $0x10700;
	p1 =	sne.s32 s9, s23;
	s10 =	sshra.s32 @!p0 s10, $0x2  }
.Ltmp6:
0x2e0: {  	s11 =	rddreg [dreg:$0x9];
	[tilespmem:v10+s4+$0x0] =	vst.idx.msk $0xffff, v8;
	s10 =	sadd.s32 @!p0 $0x500, s10;
	(pc) =	sbr.rel @p1 .LBB2_1-.Ltmp6, $4  }
0x2e1: {  	[hbm4b:s11+s13] =	stream.indirect.scatter @!p0 [tilespmem:s14], [sflag:$0x2], $0x80, s10, s13, $0xb8;
	[tilespmem:$0x16700] =	vst v63  }
0x2e2: {  	_ =	swait.ge @!p0 [sflag:s12], $0x4000  }
0x2e3: {  	[sflag:s12] =	ssyncset.done @!p0 $0x0  }
0x2e4: {  	[sflag:s12] =	ssyncadd.s32 @!p0 $0xFFFFC000  }
0x2e5: {  	_ =	sfence.sel $0x180000  }
0x2e6: {  	[bflag:$0x0] =	sbarrier.arrive $0xFFFF  }
0x2e7: {  	_ =	strace $0x90000047  }
0x2e8: {  	s0 =	stileid.u32;
	[bflag:$0x2] =	sbarrier.arrive $0xFFFF  }
0x2e9: {  	p0 =	sne.s32 s0, $0x0;
	s0 =	rddreg [dreg:$0x6]  }
0x2ea: {  	s0 =	sadd.s32 @!p0 $0x100000, s0  }
0x2eb: {  	[sflag:s0] =	ssyncadd.tile.s32 @!p0 $0x1;
	_ =	shalt  }
.Lfunc_end2:
_tile_overlayer_lowered:
.L_overlay_start_2:
0x2ec: {  	(tag) =	ssettag $0x2  }
0x2ed: {  	s0 =	rddreg [dreg:$0x0];
	s2 =	stileid.u32  }
0x2ee: {  	s1 =	rddreg [dreg:$0x1];
	p0 =	sne.s32 s2, $0x0  }
0x2ef: {  	s3 =	rddreg [dreg:$0x2];
	[bflag:$0x3] =	sbarrier.arrive $0xFFFF;
	s2 =	simm.s32 @!p0 $0x1C02  }
0x2f0: {  	[timem:s3], [sflag:s2] =	dma.local @!p0 [hbm:s0], s1  }
0x2f1: {  	s0 =	simm.s32 @!p0 $0x2  }
0x2f2: {  	_ =	swait.ge @!p0 [sflag:s0], s1  }
0x2f3: {  	s1 =	ssub.s32 @!p0 $0x0, s1;
	[sflag:s0] =	ssyncset.done @!p0 $0x0  }
0x2f4: {  	[sflag:s0] =	ssyncadd.s32 @!p0 s1  }
0x2f5: {  	[bflag:$0x3] =	sbarrier.arrive $0xFFFF  }
0x2f6: {  	_ =	shalt  }

</sc_bundles>
